<compile_context>
chip_gen: v7x
topology: tpu7x:2x2x1
jax: 0.10.2.dev20260603
libtpu: 0.0.44.dev20260713+nightly
codegen_flags: <defaults>
</compile_context>

<pallas_src>
import functools

import jax
import jax.numpy as jnp
from jax import lax
from jax.experimental import pallas as pl
from jax.experimental.pallas import tpu as pltpu
from jax.experimental.pallas import tpu_sc as plsc

N = 10000
E = 320000
D = 128
HID = 2 * D
EDGE_DIM = 7

NC = 2
NS = 16
NW = NC * NS
EPW = E // NW
CH = 80
NCH = EPW // CH
N_PAD = 10240
ZROWS = N_PAD // NS
OROWS = 624
OTAIL = N - NS * OROWS

BE = 3200
BS = 2560



def _split_body(ei_ref, s_ref, d_ref):
    s_ref[...] = ei_ref[0]
    d_ref[...] = ei_ref[1]


def _split_stage(interpret=False):
    return pl.pallas_call(
        _split_body,
        out_shape=[
            jax.ShapeDtypeStruct((E,), jnp.int32),
            jax.ShapeDtypeStruct((E,), jnp.int32),
        ],
        interpret=interpret,
    )



def _edge_body(*refs, relu, layer):
    if relu:
        ea_ref, w_ref, b_ref, c_ref, o_ref = refs
        bias = b_ref[layer:layer + 1, :] + c_ref[...]
    else:
        ea_ref, w_ref, b_ref, o_ref = refs
        bias = b_ref[layer:layer + 1, :]
    y = jnp.dot(ea_ref[...], w_ref[0], preferred_element_type=jnp.float32)
    y = y + bias
    if relu:
        y = jnp.maximum(y, 0.0)
    o_ref[...] = y


def _edge_stage(layer, relu, interpret=False):
    in_specs = [
        pl.BlockSpec((BE, EDGE_DIM), lambda i: (i, 0)),
        pl.BlockSpec((1, EDGE_DIM, D), lambda i: (layer, 0, 0)),
        pl.BlockSpec((2, D), lambda i: (0, 0)),
    ]
    if relu:
        in_specs.append(pl.BlockSpec((1, D), lambda i: (0, 0)))
    return pl.pallas_call(
        functools.partial(_edge_body, relu=relu, layer=layer),
        grid=(E // BE,),
        in_specs=in_specs,
        out_specs=pl.BlockSpec((BE, D), lambda i: (i, 0)),
        out_shape=jax.ShapeDtypeStruct((E, D), jnp.float32),
        interpret=interpret,
    )



RING = 4
AHEAD = 2


def _make_sc_scatter(interpret=False):
    scratch = (
        [pltpu.VMEM((CH,), jnp.int32) for _ in range(RING)]
        + [pltpu.VMEM((CH, D), jnp.float32) for _ in range(RING)]
        + [pltpu.VMEM_SHARED((N_PAD, D), jnp.float32)]
        + [pltpu.SemaphoreType.DMA for _ in range(3 * RING)]
    )
    mesh = plsc.VectorSubcoreMesh(core_axis_name="c", subcore_axis_name="s")

    @functools.partial(
        pl.kernel,
        out_type=jax.ShapeDtypeStruct((NC, N, D), jnp.float32),
        mesh=mesh,
        scratch_types=scratch,
        interpret=interpret,
    )
    def sc_stage(emb_hbm, dst_hbm, z_hbm, out_hbm, *rest):
        dsti = rest[:RING]
        ebuf = rest[RING:2 * RING]
        agg_sh = rest[2 * RING]
        dsem = rest[2 * RING + 1:3 * RING + 1]
        esem = rest[3 * RING + 1:4 * RING + 1]
        ssem = rest[4 * RING + 1:]

        cid = lax.axis_index("c")
        sid = lax.axis_index("s")
        wid = cid * NS + sid
        base = wid * EPW

        def load(j, u):
            eb = base + j * CH
            pltpu.async_copy(dst_hbm.at[pl.ds(eb, CH)], dsti[u], dsem[u])
            pltpu.async_copy(emb_hbm.at[pl.ds(eb, CH)], ebuf[u], esem[u])

        def wait_load(u):
            pltpu.make_async_copy(
                dst_hbm.at[pl.ds(0, CH)], dsti[u], dsem[u]).wait()
            pltpu.make_async_copy(
                emb_hbm.at[pl.ds(0, CH)], ebuf[u], esem[u]).wait()

        def scat(u):
            pltpu.async_copy(ebuf[u], agg_sh.at[dsti[u]], ssem[u], add=True)

        def wait_scat(u):
            pltpu.make_async_copy(
                ebuf[u], agg_sh.at[dsti[u]], ssem[u]).wait()

        pltpu.sync_copy(z_hbm, agg_sh.at[pl.ds(sid * ZROWS, ZROWS)])
        plsc.subcore_barrier()

        for j in range(AHEAD):
            load(j, j)
        for j in range(RING):
            wait_load(j)
            scat(j)
            if j >= AHEAD:
                wait_scat(j - AHEAD)
            load(j + AHEAD, (j + AHEAD) % RING)

        loop_end = ((NCH - AHEAD) // RING) * RING

        @pl.loop(RING, loop_end, step=RING)
        def _(jb):
            for u in range(RING):
                j = jb + u
                wait_load(u)
                scat(u)
                wait_scat((u + AHEAD) % RING)
                load(j + AHEAD, (u + AHEAD) % RING)

        for j in range(loop_end, NCH):
            u = j % RING
            wait_load(u)
            scat(u)
            wait_scat((u + AHEAD) % RING)
            if j + AHEAD < NCH:
                load(j + AHEAD, (j + AHEAD) % RING)
        for j in range(NCH - AHEAD, NCH):
            wait_scat(j % RING)

        plsc.subcore_barrier()
        pltpu.sync_copy(
            agg_sh.at[pl.ds(sid * OROWS, OROWS)],
            out_hbm.at[cid, pl.ds(sid * OROWS, OROWS)],
        )

        @pl.when(sid == 0)
        def _():
            pltpu.sync_copy(
                agg_sh.at[pl.ds(NS * OROWS, OTAIL)],
                out_hbm.at[cid, pl.ds(NS * OROWS, OTAIL)],
            )

    return sc_stage



def _make_sc_stage(with_gather, interpret=False):
    scratch = [
        pltpu.VMEM((CH,), jnp.int32),
        pltpu.VMEM((CH,), jnp.int32),
        pltpu.VMEM((CH, D), jnp.float32),
        pltpu.VMEM((CH, D), jnp.float32),
        pltpu.VMEM_SHARED((N_PAD, D), jnp.float32),
        pltpu.SemaphoreType.DMA,
        pltpu.SemaphoreType.DMA,
        pltpu.SemaphoreType.DMA,
        pltpu.SemaphoreType.DMA,
    ]
    if with_gather:
        scratch += [
            pltpu.VMEM((CH,), jnp.int32),
            pltpu.VMEM((CH,), jnp.int32),
            pltpu.VMEM((CH, D), jnp.float32),
            pltpu.VMEM((CH, D), jnp.float32),
            pltpu.SemaphoreType.DMA,
            pltpu.SemaphoreType.DMA,
            pltpu.SemaphoreType.DMA,
            pltpu.SemaphoreType.DMA,
        ]
    mesh = plsc.VectorSubcoreMesh(core_axis_name="c", subcore_axis_name="s")

    @functools.partial(
        pl.kernel,
        out_type=jax.ShapeDtypeStruct((NC, N, D), jnp.float32),
        mesh=mesh,
        scratch_types=scratch,
        interpret=interpret,
    )
    def sc_stage(*args):
        if with_gather:
            (emb_hbm, src_hbm, dst_hbm, z_hbm, h_hbm, out_hbm,
             dsti0, dsti1, ebuf0, ebuf1, agg_sh, sd0, sd1, se0, se1,
             srci0, srci1, rows0, rows1, ss0, ss1, sg0, sg1) = args
            srci = (srci0, srci1)
            rows = (rows0, rows1)
            ssem = (ss0, ss1)
            gsem = (sg0, sg1)
        else:
            (emb_hbm, src_hbm, dst_hbm, z_hbm, out_hbm,
             dsti0, dsti1, ebuf0, ebuf1, agg_sh, sd0, sd1, se0, se1) = args
        dsti = (dsti0, dsti1)
        ebuf = (ebuf0, ebuf1)
        dsem = (sd0, sd1)
        esem = (se0, se1)

        cid = lax.axis_index("c")
        sid = lax.axis_index("s")
        wid = cid * NS + sid
        base = wid * EPW

        def start_loads(j, s):
            eb = base + j * CH
            pltpu.make_async_copy(
                dst_hbm.at[pl.ds(eb, CH)], dsti[s], dsem[s]).start()
            pltpu.make_async_copy(
                emb_hbm.at[pl.ds(eb, CH)], ebuf[s], esem[s]).start()
            if with_gather:
                pltpu.make_async_copy(
                    src_hbm.at[pl.ds(eb, CH)], srci[s], ssem[s]).start()

        def wait_loads(s):
            pltpu.make_async_copy(
                dst_hbm.at[pl.ds(0, CH)], dsti[s], dsem[s]).wait()
            pltpu.make_async_copy(
                emb_hbm.at[pl.ds(0, CH)], ebuf[s], esem[s]).wait()

        def start_gather(s):
            pltpu.make_async_copy(
                src_hbm.at[pl.ds(0, CH)], srci[s], ssem[s]).wait()
            pltpu.make_async_copy(h_hbm.at[srci[s]], rows[s], gsem[s]).start()

        def process(s):
            wait_loads(s)
            if with_gather:
                pltpu.make_async_copy(
                    h_hbm.at[srci[s]], rows[s], gsem[s]).wait()

                @pl.loop(0, CH, step=2)
                def _(r):
                    for rr in range(2):
                        for q in range(D // 16):
                            sl = pl.ds(q * 16, 16)
                            v = (ebuf[s].at[r + rr, sl][...]
                                 + rows[s].at[r + rr, sl][...])
                            ebuf[s].at[r + rr, sl][...] = jnp.maximum(v, 0.0)

                pltpu.sync_copy(ebuf[s], agg_sh.at[dsti[s]], add=True)
            else:
                pltpu.sync_copy(ebuf[s], agg_sh.at[dsti[s]], add=True)

        pltpu.sync_copy(z_hbm, agg_sh.at[pl.ds(sid * ZROWS, ZROWS)])
        plsc.subcore_barrier()

        start_loads(0, 0)
        start_loads(1, 1)
        if with_gather:
            start_gather(0)

        @pl.loop(0, (NCH - 1) // 2)
        def _(k):
            j = 2 * k
            process(0)
            start_loads(j + 2, 0)
            if with_gather:
                start_gather(1)
            process(1)

            @pl.when(j + 3 < NCH)
            def _():
                start_loads(j + 3, 1)

            if with_gather:
                start_gather(0)

        process(0)

        plsc.subcore_barrier()
        pltpu.sync_copy(
            agg_sh.at[pl.ds(sid * OROWS, OROWS)],
            out_hbm.at[cid, pl.ds(sid * OROWS, OROWS)],
        )

        @pl.when(sid == 0)
        def _():
            pltpu.sync_copy(
                agg_sh.at[pl.ds(NS * OROWS, OTAIL)],
                out_hbm.at[cid, pl.ds(NS * OROWS, OTAIL)],
            )

    return sc_stage



def _node_body(h_ref, a_ref, e_ref, w1_ref, b1_ref, g1_ref, be1_ref,
               w2_ref, b2_ref, go_ref, bo_ref, o_ref, *, final_relu, layer):
    sl = slice(layer, layer + 1)
    agg = a_ref[0] + a_ref[1]
    z = (1.0 + e_ref[0, layer]) * h_ref[...] + agg
    t = jnp.dot(z, w1_ref[0], preferred_element_type=jnp.float32)
    t = t + b1_ref[sl, :]
    m = jnp.mean(t, axis=0, keepdims=True)
    v = jnp.mean((t - m) ** 2, axis=0, keepdims=True)
    t = (t - m) * lax.rsqrt(v + 1e-5) * g1_ref[sl, :] + be1_ref[sl, :]
    t = jnp.maximum(t, 0.0)
    u = jnp.dot(t, w2_ref[0], preferred_element_type=jnp.float32)
    u = u + b2_ref[sl, :]
    m2 = jnp.mean(u, axis=0, keepdims=True)
    v2 = jnp.mean((u - m2) ** 2, axis=0, keepdims=True)
    y = (u - m2) * lax.rsqrt(v2 + 1e-5) * go_ref[sl, :] + bo_ref[sl, :]
    if final_relu:
        y = jnp.maximum(y, 0.0)
    o_ref[...] = y


def _node_stage(layer, final_relu, h_rows, interpret=False):
    l = layer
    return pl.pallas_call(
        functools.partial(_node_body, final_relu=final_relu, layer=l),
        grid=(1,),
        in_specs=[
            pl.BlockSpec((h_rows, D), lambda i: (0, 0)),
            pl.BlockSpec((NC, N, D), lambda i: (0, 0, 0)),
            pl.BlockSpec((1, 2), lambda i: (0, 0)),
            pl.BlockSpec((1, D, HID), lambda i: (l, 0, 0)),
            pl.BlockSpec((2, HID), lambda i: (0, 0)),
            pl.BlockSpec((2, HID), lambda i: (0, 0)),
            pl.BlockSpec((2, HID), lambda i: (0, 0)),
            pl.BlockSpec((1, HID, D), lambda i: (l, 0, 0)),
            pl.BlockSpec((2, D), lambda i: (0, 0)),
            pl.BlockSpec((2, D), lambda i: (0, 0)),
            pl.BlockSpec((2, D), lambda i: (0, 0)),
        ],
        out_specs=pl.BlockSpec((N, D), lambda i: (0, 0)),
        out_shape=jax.ShapeDtypeStruct((N, D), jnp.float32),
        interpret=interpret,
    )



def kernel(x, edge_index, edge_attr, node_table, edge_W, edge_b, eps,
           W1, b1, g1, be1, W2, b2, g_out, b_out):
    f32 = jnp.float32
    src, dst = _split_stage()(edge_index)
    eps2 = eps.reshape(1, 2)

    msg0 = _edge_stage(0, relu=True)(edge_attr, edge_W, edge_b, node_table)
    e1 = _edge_stage(1, relu=False)(edge_attr, edge_W, edge_b)

    zeros = jnp.zeros((ZROWS, D), f32)
    agg0 = _make_sc_scatter()(msg0, dst, zeros)

    h1 = _node_stage(0, final_relu=True, h_rows=1)(
        node_table, agg0, eps2, W1, b1, g1, be1, W2, b2, g_out, b_out)

    agg1 = _make_sc_stage(with_gather=True)(e1, src, dst, zeros, h1)

    h2 = _node_stage(1, final_relu=False, h_rows=N)(
        h1, agg1, eps2, W1, b1, g1, be1, W2, b2, g_out, b_out)
    return h2

# --- scband reference (transcript-rebuilt; emitter-appended) ---
"""Pipeline reference for scband-gnn-node-29506425324085 (READ-ONLY COPY).

The authoritative reference and input builder live on the scoring server;
editing this copy changes nothing except your own understanding.
"""

import jax, jax.numpy as jnp
import numpy as np

N = 10000
E = 320000
D = 128
H = 2 * D
L = 2
EDGE_DIM = 7


def _batchnorm(h, gamma, beta):
    # BatchNorm1d in training-forward mode: batch statistics, biased variance
    m = jnp.mean(h, axis=0)
    v = jnp.mean((h - m) ** 2, axis=0)
    return (h - m) / jnp.sqrt(v + 1e-5) * gamma + beta


def setup_inputs(seed: int = 0) -> dict:
    key = jax.random.key(seed)
    ks = jax.random.split(key, 16)
    x = jnp.zeros((N,), dtype=jnp.int32)  # ppa: single-entry node embedding table
    edge_index = jax.random.randint(ks[0], (2, E), 0, N, dtype=jnp.int32)
    edge_attr = jax.random.normal(ks[1], (E, EDGE_DIM), dtype=jnp.float32)
    node_table = jax.random.normal(ks[2], (1, D), dtype=jnp.float32) * 0.02
    edge_W = jax.random.normal(ks[3], (L, EDGE_DIM, D), dtype=jnp.float32) * 0.1
    edge_b = jnp.zeros((L, D), dtype=jnp.float32)
    eps = jnp.zeros((L,), dtype=jnp.float32)
    W1 = jax.random.normal(ks[4], (L, D, H), dtype=jnp.float32) * 0.05
    b1 = jnp.zeros((L, H), dtype=jnp.float32)
    g1 = jnp.ones((L, H), dtype=jnp.float32)
    be1 = jnp.zeros((L, H), dtype=jnp.float32)
    W2 = jax.random.normal(ks[5], (L, H, D), dtype=jnp.float32) * 0.05
    b2 = jnp.zeros((L, D), dtype=jnp.float32)
    g_out = jnp.ones((L, D), dtype=jnp.float32)
    b_out = jnp.zeros((L, D), dtype=jnp.float32)
    return {"x": x, "edge_index": edge_index, "edge_attr": edge_attr,
            "node_table": node_table, "edge_W": edge_W, "edge_b": edge_b,
            "eps": eps, "W1": W1, "b1": b1, "g1": g1, "be1": be1,
            "W2": W2, "b2": b2, "g_out": g_out, "b_out": b_out}


def reference(x, edge_index, edge_attr, node_table, edge_W, edge_b, eps,
              W1, b1, g1, be1, W2, b2, g_out, b_out):
    # GNN_node forward, task='ppa', gnn_type='gin', JK='last', residual=False,
    # drop_ratio=0.0 (dropout is identity), num_layer=2.
    h = jnp.take(node_table, x, axis=0)  # node encoder embedding lookup
    src = edge_index[0]
    dst = edge_index[1]
    for l in range(L):
        # GINConv (OGB-style): edge encoder is a Linear(7, emb_dim)
        e_emb = edge_attr @ edge_W[l] + edge_b[l]
        msg = jax.nn.relu(jnp.take(h, src, axis=0) + e_emb)
        agg = jax.ops.segment_sum(msg, dst, num_segments=N)
        z = (1.0 + eps[l]) * h + agg
        # MLP: Linear -> BN -> ReLU -> Linear
        z = z @ W1[l] + b1[l]
        z = _batchnorm(z, g1[l], be1[l])
        z = jax.nn.relu(z)
        z = z @ W2[l] + b2[l]
        # outer batch norm per layer
        h2 = _batchnorm(z, g_out[l], b_out[l])
        if l < L - 1:
            h2 = jax.nn.relu(h2)
        h = h2
    return h

if __name__ == "__main__":
    import jax
    _d = setup_inputs()
    print(jax.jit(kernel)(*tuple(_d.values())))

</pallas_src>

<mosaic_0001>
#map = affine_map<(d0, d1) -> (0, 0)>
#map1 = affine_map<(d0, d1) -> (0)>
#map2 = affine_map<(d0, d1) -> (0, 0, 0)>
module attributes {stable_mosaic.version = 14 : i64} {
  func.func @sc_stage(%arg0: i32, %arg1: i32, %arg2: memref<320000x128xf32, #tpu.memory_space<hbm>>, %arg3: memref<320000xi32, #tpu.memory_space<hbm>>, %arg4: memref<320000xi32, #tpu.memory_space<hbm>>, %arg5: memref<640x128xf32, #tpu.memory_space<hbm>>, %arg6: memref<10000x128xf32, #tpu.memory_space<hbm>>, %arg7: memref<2x10000x128xf32, #tpu.memory_space<hbm>>, %arg8: memref<80xi32, #tpu.memory_space<vmem>>, %arg9: memref<80xi32, #tpu.memory_space<vmem>>, %arg10: memref<80x128xf32, #tpu.memory_space<vmem>>, %arg11: memref<80x128xf32, #tpu.memory_space<vmem>>, %arg12: memref<10240x128xf32, #tpu.memory_space<vmem_shared>>, %arg13: memref<!tpu.dma_semaphore, #tpu.memory_space<semaphore_mem>>, %arg14: memref<!tpu.dma_semaphore, #tpu.memory_space<semaphore_mem>>, %arg15: memref<!tpu.dma_semaphore, #tpu.memory_space<semaphore_mem>>, %arg16: memref<!tpu.dma_semaphore, #tpu.memory_space<semaphore_mem>>, %arg17: memref<80xi32, #tpu.memory_space<vmem>>, %arg18: memref<80xi32, #tpu.memory_space<vmem>>, %arg19: memref<80x128xf32, #tpu.memory_space<vmem>>, %arg20: memref<80x128xf32, #tpu.memory_space<vmem>>, %arg21: memref<!tpu.dma_semaphore, #tpu.memory_space<semaphore_mem>>, %arg22: memref<!tpu.dma_semaphore, #tpu.memory_space<semaphore_mem>>, %arg23: memref<!tpu.dma_semaphore, #tpu.memory_space<semaphore_mem>>, %arg24: memref<!tpu.dma_semaphore, #tpu.memory_space<semaphore_mem>>) attributes {dimension_semantics = [#tpu.dimension_semantics<core_parallel>, #tpu.dimension_semantics<subcore_parallel>], iteration_bounds = array<i64: 2, 16>, scalar_prefetch = 0 : i64, scratch_operands = 17 : i64, tpu.core_type = #tpu.core_type<sc_vector_subcore>, window_params = [{transform_indices = #map}, {transform_indices = #map1}, {transform_indices = #map1}, {transform_indices = #map}, {transform_indices = #map}, {transform_indices = #map2}]} {
    %mul3A = arith.constant 16 : i32
    %mul3A_0 = arith.muli %arg0, %mul3A : i32
    %add3A = arith.addi %mul3A_0, %arg1 : i32
    %mul3A_1 = arith.constant 10000 : i32
    %mul3A_2 = arith.muli %add3A, %mul3A_1 : i32
    %mul3A_3 = arith.constant 640 : i32
    %mul3A_4 = arith.muli %arg1, %mul3A_3 : i32
    "tpu.region"() ({
      %run_scoped3A = tpu.sem_alloc : memref<!tpu.dma_semaphore, #tpu.memory_space<semaphore_mem>>
      %dma_start3A_59 = arith.constant 0 : i32
      %dma_start3A_60 = tpu.memref_slice %arg12[%mul3A_4, %dma_start3A_59] : memref<10240x128xf32, #tpu.memory_space<vmem_shared>> -> memref<640x128xf32, #tpu.memory_space<vmem_shared>>
      tpu.enqueue_dma source(%arg5 : memref<640x128xf32, #tpu.memory_space<hbm>>) target(%dma_start3A_60 : memref<640x128xf32, #tpu.memory_space<vmem_shared>>) target_semaphore(%run_scoped3A : memref<!tpu.dma_semaphore, #tpu.memory_space<semaphore_mem>>)
      %dma_wait3A_61 = arith.constant 0 : i32
      %dma_wait3A_62 = tpu.memref_slice %arg12[%mul3A_4, %dma_wait3A_61] : memref<10240x128xf32, #tpu.memory_space<vmem_shared>> -> memref<640x128xf32, #tpu.memory_space<vmem_shared>>
      tpu.wait_dma2 semaphore(%run_scoped3A : memref<!tpu.dma_semaphore, #tpu.memory_space<semaphore_mem>>) src(%arg5 : memref<640x128xf32, #tpu.memory_space<hbm>>) dst(%dma_wait3A_62 : memref<640x128xf32, #tpu.memory_space<vmem_shared>>)
      tpu.yield
    }) : () -> ()
    %barrier3A = arith.constant 0 : index
    tpu.barrier barrier_id(%barrier3A)
    %add3A_5 = arith.constant 0 : i32
    %add3A_6 = arith.addi %mul3A_2, %add3A_5 : i32
    %dma_start3A = tpu.memref_slice %arg4[%add3A_6] : memref<320000xi32, #tpu.memory_space<hbm>> -> memref<80xi32, #tpu.memory_space<hbm>>
    %dma_start3A_7 = tpu.memref_slice %arg4[%add3A_6] : memref<320000xi32, #tpu.memory_space<hbm>> -> memref<80xi32, #tpu.memory_space<hbm>>
    tpu.enqueue_dma source(%dma_start3A_7 : memref<80xi32, #tpu.memory_space<hbm>>) target(%arg8 : memref<80xi32, #tpu.memory_space<vmem>>) target_semaphore(%arg13 : memref<!tpu.dma_semaphore, #tpu.memory_space<semaphore_mem>>)
    %dma_start3A_8 = arith.constant 0 : i32
    %dma_start3A_9 = tpu.memref_slice %arg2[%add3A_6, %dma_start3A_8] : memref<320000x128xf32, #tpu.memory_space<hbm>> -> memref<80x128xf32, #tpu.memory_space<hbm>>
    %dma_start3A_10 = arith.constant 0 : i32
    %dma_start3A_11 = tpu.memref_slice %arg2[%add3A_6, %dma_start3A_10] : memref<320000x128xf32, #tpu.memory_space<hbm>> -> memref<80x128xf32, #tpu.memory_space<hbm>>
    tpu.enqueue_dma source(%dma_start3A_11 : memref<80x128xf32, #tpu.memory_space<hbm>>) target(%arg10 : memref<80x128xf32, #tpu.memory_space<vmem>>) target_semaphore(%arg15 : memref<!tpu.dma_semaphore, #tpu.memory_space<semaphore_mem>>)
    %dma_start3A_12 = tpu.memref_slice %arg3[%add3A_6] : memref<320000xi32, #tpu.memory_space<hbm>> -> memref<80xi32, #tpu.memory_space<hbm>>
    %dma_start3A_13 = tpu.memref_slice %arg3[%add3A_6] : memref<320000xi32, #tpu.memory_space<hbm>> -> memref<80xi32, #tpu.memory_space<hbm>>
    tpu.enqueue_dma source(%dma_start3A_13 : memref<80xi32, #tpu.memory_space<hbm>>) target(%arg17 : memref<80xi32, #tpu.memory_space<vmem>>) target_semaphore(%arg21 : memref<!tpu.dma_semaphore, #tpu.memory_space<semaphore_mem>>)
    %add3A_14 = arith.constant 80 : i32
    %add3A_15 = arith.addi %mul3A_2, %add3A_14 : i32
    %dma_start3A_16 = tpu.memref_slice %arg4[%add3A_15] : memref<320000xi32, #tpu.memory_space<hbm>> -> memref<80xi32, #tpu.memory_space<hbm>>
    %dma_start3A_17 = tpu.memref_slice %arg4[%add3A_15] : memref<320000xi32, #tpu.memory_space<hbm>> -> memref<80xi32, #tpu.memory_space<hbm>>
    tpu.enqueue_dma source(%dma_start3A_17 : memref<80xi32, #tpu.memory_space<hbm>>) target(%arg9 : memref<80xi32, #tpu.memory_space<vmem>>) target_semaphore(%arg14 : memref<!tpu.dma_semaphore, #tpu.memory_space<semaphore_mem>>)
    %dma_start3A_18 = arith.constant 0 : i32
    %dma_start3A_19 = tpu.memref_slice %arg2[%add3A_15, %dma_start3A_18] : memref<320000x128xf32, #tpu.memory_space<hbm>> -> memref<80x128xf32, #tpu.memory_space<hbm>>
    %dma_start3A_20 = arith.constant 0 : i32
    %dma_start3A_21 = tpu.memref_slice %arg2[%add3A_15, %dma_start3A_20] : memref<320000x128xf32, #tpu.memory_space<hbm>> -> memref<80x128xf32, #tpu.memory_space<hbm>>
    tpu.enqueue_dma source(%dma_start3A_21 : memref<80x128xf32, #tpu.memory_space<hbm>>) target(%arg11 : memref<80x128xf32, #tpu.memory_space<vmem>>) target_semaphore(%arg16 : memref<!tpu.dma_semaphore, #tpu.memory_space<semaphore_mem>>)
    %dma_start3A_22 = tpu.memref_slice %arg3[%add3A_15] : memref<320000xi32, #tpu.memory_space<hbm>> -> memref<80xi32, #tpu.memory_space<hbm>>
    %dma_start3A_23 = tpu.memref_slice %arg3[%add3A_15] : memref<320000xi32, #tpu.memory_space<hbm>> -> memref<80xi32, #tpu.memory_space<hbm>>
    tpu.enqueue_dma source(%dma_start3A_23 : memref<80xi32, #tpu.memory_space<hbm>>) target(%arg18 : memref<80xi32, #tpu.memory_space<vmem>>) target_semaphore(%arg22 : memref<!tpu.dma_semaphore, #tpu.memory_space<semaphore_mem>>)
    %dma_wait3A = arith.constant 0 : i32
    %dma_wait3A_24 = tpu.memref_slice %arg3[%dma_wait3A] : memref<320000xi32, #tpu.memory_space<hbm>> -> memref<80xi32, #tpu.memory_space<hbm>>
    %dma_wait3A_25 = arith.constant 0 : i32
    %dma_wait3A_26 = tpu.memref_slice %arg3[%dma_wait3A_25] : memref<320000xi32, #tpu.memory_space<hbm>> -> memref<80xi32, #tpu.memory_space<hbm>>
    tpu.wait_dma2 semaphore(%arg21 : memref<!tpu.dma_semaphore, #tpu.memory_space<semaphore_mem>>) src(%dma_wait3A_26 : memref<80xi32, #tpu.memory_space<hbm>>) dst(%arg17 : memref<80xi32, #tpu.memory_space<vmem>>)
    %dma_start3A_27 = arith.constant 0 : i32
    %dma_start3A_28 = arith.constant 0 : i32
    %dma_start3A_29 = tpu.memref_slice %arg6[%dma_start3A_27, %dma_start3A_28] : memref<10000x128xf32, #tpu.memory_space<hbm>> -> memref<10000x128xf32, #tpu.memory_space<hbm>>
    tpu.enqueue_indirect_dma source(%dma_start3A_29 : memref<10000x128xf32, #tpu.memory_space<hbm>>) target(%arg19 : memref<80x128xf32, #tpu.memory_space<vmem>>) offsets(%arg17 : memref<80xi32, #tpu.memory_space<vmem>>) semaphore(%arg23 : memref<!tpu.dma_semaphore, #tpu.memory_space<semaphore_mem>>)
    %scan3A = arith.constant 0 : i32
    %scan3A_30 = arith.constant 62 : i32
    %scan3A_31 = arith.addi %scan3A, %scan3A_30 : i32
    %scan3A_32 = arith.constant 1 : i32
    scf.for %scan3A_59 = %scan3A to %scan3A_31 step %scan3A_32  : i32 {
      %mul3A_60 = arith.constant 1 : i32
      %mul3A_61 = arith.muli %scan3A_59, %mul3A_60 : i32
      %add3A_62 = arith.constant 0 : i32
      %add3A_63 = arith.addi %add3A_62, %mul3A_61 : i32
      %mul3A_64 = arith.constant 2 : i32
      %mul3A_65 = arith.muli %mul3A_64, %add3A_63 : i32
      %dma_wait3A_66 = arith.constant 0 : i32
      %dma_wait3A_67 = tpu.memref_slice %arg4[%dma_wait3A_66] : memref<320000xi32, #tpu.memory_space<hbm>> -> memref<80xi32, #tpu.memory_space<hbm>>
      %dma_wait3A_68 = arith.constant 0 : i32
      %dma_wait3A_69 = tpu.memref_slice %arg4[%dma_wait3A_68] : memref<320000xi32, #tpu.memory_space<hbm>> -> memref<80xi32, #tpu.memory_space<hbm>>
      tpu.wait_dma2 semaphore(%arg13 : memref<!tpu.dma_semaphore, #tpu.memory_space<semaphore_mem>>) src(%dma_wait3A_69 : memref<80xi32, #tpu.memory_space<hbm>>) dst(%arg8 : memref<80xi32, #tpu.memory_space<vmem>>)
      %dma_wait3A_70 = arith.constant 0 : i32
      %dma_wait3A_71 = arith.constant 0 : i32
      %dma_wait3A_72 = tpu.memref_slice %arg2[%dma_wait3A_70, %dma_wait3A_71] : memref<320000x128xf32, #tpu.memory_space<hbm>> -> memref<80x128xf32, #tpu.memory_space<hbm>>
      %dma_wait3A_73 = arith.constant 0 : i32
      %dma_wait3A_74 = arith.constant 0 : i32
      %dma_wait3A_75 = tpu.memref_slice %arg2[%dma_wait3A_73, %dma_wait3A_74] : memref<320000x128xf32, #tpu.memory_space<hbm>> -> memref<80x128xf32, #tpu.memory_space<hbm>>
      tpu.wait_dma2 semaphore(%arg15 : memref<!tpu.dma_semaphore, #tpu.memory_space<semaphore_mem>>) src(%dma_wait3A_75 : memref<80x128xf32, #tpu.memory_space<hbm>>) dst(%arg10 : memref<80x128xf32, #tpu.memory_space<vmem>>)
      %dma_wait3A_76 = arith.constant 0 : i32
      %dma_wait3A_77 = arith.constant 0 : i32
      %dma_wait3A_78 = tpu.memref_slice %arg6[%dma_wait3A_76, %dma_wait3A_77] : memref<10000x128xf32, #tpu.memory_space<hbm>> -> memref<10000x128xf32, #tpu.memory_space<hbm>>
      tpu.wait_indirect_dma semaphore(%arg23 : memref<!tpu.dma_semaphore, #tpu.memory_space<semaphore_mem>>) src(%dma_wait3A_78 : memref<10000x128xf32, #tpu.memory_space<hbm>>) dst(%arg19 : memref<80x128xf32, #tpu.memory_space<vmem>>)
      %scan3A_79 = arith.constant 0 : i32
      %scan3A_80 = arith.constant 40 : i32
      %scan3A_81 = arith.addi %scan3A_79, %scan3A_80 : i32
      %scan3A_82 = arith.constant 1 : i32
      scf.for %scan3A_135 = %scan3A_79 to %scan3A_81 step %scan3A_82  : i32 {
        %mul3A_136 = arith.constant 2 : i32
        %mul3A_137 = arith.muli %scan3A_135, %mul3A_136 : i32
        %add3A_138 = arith.constant 0 : i32
        %add3A_139 = arith.addi %add3A_138, %mul3A_137 : i32
        %add3A_140 = arith.constant 0 : i32
        %add3A_141 = arith.addi %add3A_139, %add3A_140 : i32
        %get3A = arith.index_cast %add3A_141 : i32 to index
        %get3A_142 = arith.constant 0 : index
        %get3A_143 = tpu.vector_load %arg10[%get3A, %get3A_142] {strides = array<i32>} : memref<80x128xf32, #tpu.memory_space<vmem>>, vector<1x16xf32>,
        %get3A_144 = vector.shape_cast %get3A_143 : vector<1x16xf32> to vector<16xf32>
        %add3A_145 = arith.constant 0 : i32
        %add3A_146 = arith.addi %add3A_139, %add3A_145 : i32
        %get3A_147 = arith.index_cast %add3A_146 : i32 to index
        %get3A_148 = arith.constant 0 : index
        %get3A_149 = tpu.vector_load %arg19[%get3A_147, %get3A_148] {strides = array<i32>} : memref<80x128xf32, #tpu.memory_space<vmem>>, vector<1x16xf32>,
        %get3A_150 = vector.shape_cast %get3A_149 : vector<1x16xf32> to vector<16xf32>
        %add3A_151 = arith.addf %get3A_144, %get3A_150 : vector<16xf32>
        %max3A = arith.constant 0.000000e+00 : f32
        %max3A_152 = vector.broadcast %max3A : f32 to vector<16xf32>
        %max3A_153 = arith.maximumf %add3A_151, %max3A_152 : vector<16xf32>
        %add3A_154 = arith.constant 0 : i32
        %add3A_155 = arith.addi %add3A_139, %add3A_154 : i32
        %swap3A = arith.index_cast %add3A_155 : i32 to index
        %swap3A_156 = arith.constant 0 : index
        %swap3A_157 = tpu.vector_load %arg10[%swap3A, %swap3A_156] {strides = array<i32>} : memref<80x128xf32, #tpu.memory_space<vmem>>, vector<1x16xf32>,
        %swap3A_158 = vector.shape_cast %swap3A_157 : vector<1x16xf32> to vector<16xf32>
        %swap3A_159 = vector.shape_cast %max3A_153 : vector<16xf32> to vector<1x16xf32>
        tpu.vector_store %arg10[%swap3A, %swap3A_156], %swap3A_159 {strides = array<i32>} : memref<80x128xf32, #tpu.memory_space<vmem>>, vector<1x16xf32>,
        %add3A_160 = arith.constant 0 : i32
        %add3A_161 = arith.addi %add3A_139, %add3A_160 : i32
        %get3A_162 = arith.index_cast %add3A_161 : i32 to index
        %get3A_163 = arith.constant 16 : index
        %get3A_164 = tpu.vector_load %arg10[%get3A_162, %get3A_163] {strides = array<i32>} : memref<80x128xf32, #tpu.memory_space<vmem>>, vector<1x16xf32>,
        %get3A_165 = vector.shape_cast %get3A_164 : vector<1x16xf32> to vector<16xf32>
        %add3A_166 = arith.constant 0 : i32
        %add3A_167 = arith.addi %add3A_139, %add3A_166 : i32
        %get3A_168 = arith.index_cast %add3A_167 : i32 to index
        %get3A_169 = arith.constant 16 : index
        %get3A_170 = tpu.vector_load %arg19[%get3A_168, %get3A_169] {strides = array<i32>} : memref<80x128xf32, #tpu.memory_space<vmem>>, vector<1x16xf32>,
        %get3A_171 = vector.shape_cast %get3A_170 : vector<1x16xf32> to vector<16xf32>
        %add3A_172 = arith.addf %get3A_165, %get3A_171 : vector<16xf32>
        %max3A_173 = arith.constant 0.000000e+00 : f32
        %max3A_174 = vector.broadcast %max3A_173 : f32 to vector<16xf32>
        %max3A_175 = arith.maximumf %add3A_172, %max3A_174 : vector<16xf32>
        %add3A_176 = arith.constant 0 : i32
        %add3A_177 = arith.addi %add3A_139, %add3A_176 : i32
        %swap3A_178 = arith.index_cast %add3A_177 : i32 to index
        %swap3A_179 = arith.constant 16 : index
        %swap3A_180 = tpu.vector_load %arg10[%swap3A_178, %swap3A_179] {strides = array<i32>} : memref<80x128xf32, #tpu.memory_space<vmem>>, vector<1x16xf32>,
        %swap3A_181 = vector.shape_cast %swap3A_180 : vector<1x16xf32> to vector<16xf32>
        %swap3A_182 = vector.shape_cast %max3A_175 : vector<16xf32> to vector<1x16xf32>
        tpu.vector_store %arg10[%swap3A_178, %swap3A_179], %swap3A_182 {strides = array<i32>} : memref<80x128xf32, #tpu.memory_space<vmem>>, vector<1x16xf32>,
        %add3A_183 = arith.constant 0 : i32
        %add3A_184 = arith.addi %add3A_139, %add3A_183 : i32
        %get3A_185 = arith.index_cast %add3A_184 : i32 to index
        %get3A_186 = arith.constant 32 : index
        %get3A_187 = tpu.vector_load %arg10[%get3A_185, %get3A_186] {strides = array<i32>} : memref<80x128xf32, #tpu.memory_space<vmem>>, vector<1x16xf32>,
        %get3A_188 = vector.shape_cast %get3A_187 : vector<1x16xf32> to vector<16xf32>
        %add3A_189 = arith.constant 0 : i32
        %add3A_190 = arith.addi %add3A_139, %add3A_189 : i32
        %get3A_191 = arith.index_cast %add3A_190 : i32 to index
        %get3A_192 = arith.constant 32 : index
        %get3A_193 = tpu.vector_load %arg19[%get3A_191, %get3A_192] {strides = array<i32>} : memref<80x128xf32, #tpu.memory_space<vmem>>, vector<1x16xf32>,
        %get3A_194 = vector.shape_cast %get3A_193 : vector<1x16xf32> to vector<16xf32>
        %add3A_195 = arith.addf %get3A_188, %get3A_194 : vector<16xf32>
        %max3A_196 = arith.constant 0.000000e+00 : f32
        %max3A_197 = vector.broadcast %max3A_196 : f32 to vector<16xf32>
        %max3A_198 = arith.maximumf %add3A_195, %max3A_197 : vector<16xf32>
        %add3A_199 = arith.constant 0 : i32
        %add3A_200 = arith.addi %add3A_139, %add3A_199 : i32
        %swap3A_201 = arith.index_cast %add3A_200 : i32 to index
        %swap3A_202 = arith.constant 32 : index
        %swap3A_203 = tpu.vector_load %arg10[%swap3A_201, %swap3A_202] {strides = array<i32>} : memref<80x128xf32, #tpu.memory_space<vmem>>, vector<1x16xf32>,
        %swap3A_204 = vector.shape_cast %swap3A_203 : vector<1x16xf32> to vector<16xf32>
        %swap3A_205 = vector.shape_cast %max3A_198 : vector<16xf32> to vector<1x16xf32>
        tpu.vector_store %arg10[%swap3A_201, %swap3A_202], %swap3A_205 {strides = array<i32>} : memref<80x128xf32, #tpu.memory_space<vmem>>, vector<1x16xf32>,
        %add3A_206 = arith.constant 0 : i32
        %add3A_207 = arith.addi %add3A_139, %add3A_206 : i32
        %get3A_208 = arith.index_cast %add3A_207 : i32 to index
        %get3A_209 = arith.constant 48 : index
        %get3A_210 = tpu.vector_load %arg10[%get3A_208, %get3A_209] {strides = array<i32>} : memref<80x128xf32, #tpu.memory_space<vmem>>, vector<1x16xf32>,
        %get3A_211 = vector.shape_cast %get3A_210 : vector<1x16xf32> to vector<16xf32>
        %add3A_212 = arith.constant 0 : i32
        %add3A_213 = arith.addi %add3A_139, %add3A_212 : i32
        %get3A_214 = arith.index_cast %add3A_213 : i32 to index
        %get3A_215 = arith.constant 48 : index
        %get3A_216 = tpu.vector_load %arg19[%get3A_214, %get3A_215] {strides = array<i32>} : memref<80x128xf32, #tpu.memory_space<vmem>>, vector<1x16xf32>,
        %get3A_217 = vector.shape_cast %get3A_216 : vector<1x16xf32> to vector<16xf32>
        %add3A_218 = arith.addf %get3A_211, %get3A_217 : vector<16xf32>
        %max3A_219 = arith.constant 0.000000e+00 : f32
        %max3A_220 = vector.broadcast %max3A_219 : f32 to vector<16xf32>
        %max3A_221 = arith.maximumf %add3A_218, %max3A_220 : vector<16xf32>
        %add3A_222 = arith.constant 0 : i32
        %add3A_223 = arith.addi %add3A_139, %add3A_222 : i32
        %swap3A_224 = arith.index_cast %add3A_223 : i32 to index
        %swap3A_225 = arith.constant 48 : index
        %swap3A_226 = tpu.vector_load %arg10[%swap3A_224, %swap3A_225] {strides = array<i32>} : memref<80x128xf32, #tpu.memory_space<vmem>>, vector<1x16xf32>,
        %swap3A_227 = vector.shape_cast %swap3A_226 : vector<1x16xf32> to vector<16xf32>
        %swap3A_228 = vector.shape_cast %max3A_221 : vector<16xf32> to vector<1x16xf32>
        tpu.vector_store %arg10[%swap3A_224, %swap3A_225], %swap3A_228 {strides = array<i32>} : memref<80x128xf32, #tpu.memory_space<vmem>>, vector<1x16xf32>,
        %add3A_229 = arith.constant 0 : i32
        %add3A_230 = arith.addi %add3A_139, %add3A_229 : i32
        %get3A_231 = arith.index_cast %add3A_230 : i32 to index
        %get3A_232 = arith.constant 64 : index
        %get3A_233 = tpu.vector_load %arg10[%get3A_231, %get3A_232] {strides = array<i32>} : memref<80x128xf32, #tpu.memory_space<vmem>>, vector<1x16xf32>,
        %get3A_234 = vector.shape_cast %get3A_233 : vector<1x16xf32> to vector<16xf32>
        %add3A_235 = arith.constant 0 : i32
        %add3A_236 = arith.addi %add3A_139, %add3A_235 : i32
        %get3A_237 = arith.index_cast %add3A_236 : i32 to index
        %get3A_238 = arith.constant 64 : index
        %get3A_239 = tpu.vector_load %arg19[%get3A_237, %get3A_238] {strides = array<i32>} : memref<80x128xf32, #tpu.memory_space<vmem>>, vector<1x16xf32>,
        %get3A_240 = vector.shape_cast %get3A_239 : vector<1x16xf32> to vector<16xf32>
        %add3A_241 = arith.addf %get3A_234, %get3A_240 : vector<16xf32>
        %max3A_242 = arith.constant 0.000000e+00 : f32
        %max3A_243 = vector.broadcast %max3A_242 : f32 to vector<16xf32>
        %max3A_244 = arith.maximumf %add3A_241, %max3A_243 : vector<16xf32>
        %add3A_245 = arith.constant 0 : i32
        %add3A_246 = arith.addi %add3A_139, %add3A_245 : i32
        %swap3A_247 = arith.index_cast %add3A_246 : i32 to index
        %swap3A_248 = arith.constant 64 : index
        %swap3A_249 = tpu.vector_load %arg10[%swap3A_247, %swap3A_248] {strides = array<i32>} : memref<80x128xf32, #tpu.memory_space<vmem>>, vector<1x16xf32>,
        %swap3A_250 = vector.shape_cast %swap3A_249 : vector<1x16xf32> to vector<16xf32>
        %swap3A_251 = vector.shape_cast %max3A_244 : vector<16xf32> to vector<1x16xf32>
        tpu.vector_store %arg10[%swap3A_247, %swap3A_248], %swap3A_251 {strides = array<i32>} : memref<80x128xf32, #tpu.memory_space<vmem>>, vector<1x16xf32>,
        %add3A_252 = arith.constant 0 : i32
        %add3A_253 = arith.addi %add3A_139, %add3A_252 : i32
        %get3A_254 = arith.index_cast %add3A_253 : i32 to index
        %get3A_255 = arith.constant 80 : index
        %get3A_256 = tpu.vector_load %arg10[%get3A_254, %get3A_255] {strides = array<i32>} : memref<80x128xf32, #tpu.memory_space<vmem>>, vector<1x16xf32>,
        %get3A_257 = vector.shape_cast %get3A_256 : vector<1x16xf32> to vector<16xf32>
        %add3A_258 = arith.constant 0 : i32
        %add3A_259 = arith.addi %add3A_139, %add3A_258 : i32
        %get3A_260 = arith.index_cast %add3A_259 : i32 to index
        %get3A_261 = arith.constant 80 : index
        %get3A_262 = tpu.vector_load %arg19[%get3A_260, %get3A_261] {strides = array<i32>} : memref<80x128xf32, #tpu.memory_space<vmem>>, vector<1x16xf32>,
        %get3A_263 = vector.shape_cast %get3A_262 : vector<1x16xf32> to vector<16xf32>
        %add3A_264 = arith.addf %get3A_257, %get3A_263 : vector<16xf32>
        %max3A_265 = arith.constant 0.000000e+00 : f32
        %max3A_266 = vector.broadcast %max3A_265 : f32 to vector<16xf32>
        %max3A_267 = arith.maximumf %add3A_264, %max3A_266 : vector<16xf32>
        %add3A_268 = arith.constant 0 : i32
        %add3A_269 = arith.addi %add3A_139, %add3A_268 : i32
        %swap3A_270 = arith.index_cast %add3A_269 : i32 to index
        %swap3A_271 = arith.constant 80 : index
        %swap3A_272 = tpu.vector_load %arg10[%swap3A_270, %swap3A_271] {strides = array<i32>} : memref<80x128xf32, #tpu.memory_space<vmem>>, vector<1x16xf32>,
        %swap3A_273 = vector.shape_cast %swap3A_272 : vector<1x16xf32> to vector<16xf32>
        %swap3A_274 = vector.shape_cast %max3A_267 : vector<16xf32> to vector<1x16xf32>
        tpu.vector_store %arg10[%swap3A_270, %swap3A_271], %swap3A_274 {strides = array<i32>} : memref<80x128xf32, #tpu.memory_space<vmem>>, vector<1x16xf32>,
        %add3A_275 = arith.constant 0 : i32
        %add3A_276 = arith.addi %add3A_139, %add3A_275 : i32
        %get3A_277 = arith.index_cast %add3A_276 : i32 to index
        %get3A_278 = arith.constant 96 : index
        %get3A_279 = tpu.vector_load %arg10[%get3A_277, %get3A_278] {strides = array<i32>} : memref<80x128xf32, #tpu.memory_space<vmem>>, vector<1x16xf32>,
        %get3A_280 = vector.shape_cast %get3A_279 : vector<1x16xf32> to vector<16xf32>
        %add3A_281 = arith.constant 0 : i32
        %add3A_282 = arith.addi %add3A_139, %add3A_281 : i32
        %get3A_283 = arith.index_cast %add3A_282 : i32 to index
        %get3A_284 = arith.constant 96 : index
        %get3A_285 = tpu.vector_load %arg19[%get3A_283, %get3A_284] {strides = array<i32>} : memref<80x128xf32, #tpu.memory_space<vmem>>, vector<1x16xf32>,
        %get3A_286 = vector.shape_cast %get3A_285 : vector<1x16xf32> to vector<16xf32>
        %add3A_287 = arith.addf %get3A_280, %get3A_286 : vector<16xf32>
        %max3A_288 = arith.constant 0.000000e+00 : f32
        %max3A_289 = vector.broadcast %max3A_288 : f32 to vector<16xf32>
        %max3A_290 = arith.maximumf %add3A_287, %max3A_289 : vector<16xf32>
        %add3A_291 = arith.constant 0 : i32
        %add3A_292 = arith.addi %add3A_139, %add3A_291 : i32
        %swap3A_293 = arith.index_cast %add3A_292 : i32 to index
        %swap3A_294 = arith.constant 96 : index
        %swap3A_295 = tpu.vector_load %arg10[%swap3A_293, %swap3A_294] {strides = array<i32>} : memref<80x128xf32, #tpu.memory_space<vmem>>, vector<1x16xf32>,
        %swap3A_296 = vector.shape_cast %swap3A_295 : vector<1x16xf32> to vector<16xf32>
        %swap3A_297 = vector.shape_cast %max3A_290 : vector<16xf32> to vector<1x16xf32>
        tpu.vector_store %arg10[%swap3A_293, %swap3A_294], %swap3A_297 {strides = array<i32>} : memref<80x128xf32, #tpu.memory_space<vmem>>, vector<1x16xf32>,
        %add3A_298 = arith.constant 0 : i32
        %add3A_299 = arith.addi %add3A_139, %add3A_298 : i32
        %get3A_300 = arith.index_cast %add3A_299 : i32 to index
        %get3A_301 = arith.constant 112 : index
        %get3A_302 = tpu.vector_load %arg10[%get3A_300, %get3A_301] {strides = array<i32>} : memref<80x128xf32, #tpu.memory_space<vmem>>, vector<1x16xf32>,
        %get3A_303 = vector.shape_cast %get3A_302 : vector<1x16xf32> to vector<16xf32>
        %add3A_304 = arith.constant 0 : i32
        %add3A_305 = arith.addi %add3A_139, %add3A_304 : i32
        %get3A_306 = arith.index_cast %add3A_305 : i32 to index
        %get3A_307 = arith.constant 112 : index
        %get3A_308 = tpu.vector_load %arg19[%get3A_306, %get3A_307] {strides = array<i32>} : memref<80x128xf32, #tpu.memory_space<vmem>>, vector<1x16xf32>,
        %get3A_309 = vector.shape_cast %get3A_308 : vector<1x16xf32> to vector<16xf32>
        %add3A_310 = arith.addf %get3A_303, %get3A_309 : vector<16xf32>
        %max3A_311 = arith.constant 0.000000e+00 : f32
        %max3A_312 = vector.broadcast %max3A_311 : f32 to vector<16xf32>
        %max3A_313 = arith.maximumf %add3A_310, %max3A_312 : vector<16xf32>
        %add3A_314 = arith.constant 0 : i32
        %add3A_315 = arith.addi %add3A_139, %add3A_314 : i32
        %swap3A_316 = arith.index_cast %add3A_315 : i32 to index
        %swap3A_317 = arith.constant 112 : index
        %swap3A_318 = tpu.vector_load %arg10[%swap3A_316, %swap3A_317] {strides = array<i32>} : memref<80x128xf32, #tpu.memory_space<vmem>>, vector<1x16xf32>,
        %swap3A_319 = vector.shape_cast %swap3A_318 : vector<1x16xf32> to vector<16xf32>
        %swap3A_320 = vector.shape_cast %max3A_313 : vector<16xf32> to vector<1x16xf32>
        tpu.vector_store %arg10[%swap3A_316, %swap3A_317], %swap3A_320 {strides = array<i32>} : memref<80x128xf32, #tpu.memory_space<vmem>>, vector<1x16xf32>,
        %add3A_321 = arith.constant 1 : i32
        %add3A_322 = arith.addi %add3A_139, %add3A_321 : i32
        %get3A_323 = arith.index_cast %add3A_322 : i32 to index
        %get3A_324 = arith.constant 0 : index
        %get3A_325 = tpu.vector_load %arg10[%get3A_323, %get3A_324] {strides = array<i32>} : memref<80x128xf32, #tpu.memory_space<vmem>>, vector<1x16xf32>,
        %get3A_326 = vector.shape_cast %get3A_325 : vector<1x16xf32> to vector<16xf32>
        %add3A_327 = arith.constant 1 : i32
        %add3A_328 = arith.addi %add3A_139, %add3A_327 : i32
        %get3A_329 = arith.index_cast %add3A_328 : i32 to index
        %get3A_330 = arith.constant 0 : index
        %get3A_331 = tpu.vector_load %arg19[%get3A_329, %get3A_330] {strides = array<i32>} : memref<80x128xf32, #tpu.memory_space<vmem>>, vector<1x16xf32>,
        %get3A_332 = vector.shape_cast %get3A_331 : vector<1x16xf32> to vector<16xf32>
        %add3A_333 = arith.addf %get3A_326, %get3A_332 : vector<16xf32>
        %max3A_334 = arith.constant 0.000000e+00 : f32
        %max3A_335 = vector.broadcast %max3A_334 : f32 to vector<16xf32>
        %max3A_336 = arith.maximumf %add3A_333, %max3A_335 : vector<16xf32>
        %add3A_337 = arith.constant 1 : i32
        %add3A_338 = arith.addi %add3A_139, %add3A_337 : i32
        %swap3A_339 = arith.index_cast %add3A_338 : i32 to index
        %swap3A_340 = arith.constant 0 : index
        %swap3A_341 = tpu.vector_load %arg10[%swap3A_339, %swap3A_340] {strides = array<i32>} : memref<80x128xf32, #tpu.memory_space<vmem>>, vector<1x16xf32>,
        %swap3A_342 = vector.shape_cast %swap3A_341 : vector<1x16xf32> to vector<16xf32>
        %swap3A_343 = vector.shape_cast %max3A_336 : vector<16xf32> to vector<1x16xf32>
        tpu.vector_store %arg10[%swap3A_339, %swap3A_340], %swap3A_343 {strides = array<i32>} : memref<80x128xf32, #tpu.memory_space<vmem>>, vector<1x16xf32>,
        %add3A_344 = arith.constant 1 : i32
        %add3A_345 = arith.addi %add3A_139, %add3A_344 : i32
        %get3A_346 = arith.index_cast %add3A_345 : i32 to index
        %get3A_347 = arith.constant 16 : index
        %get3A_348 = tpu.vector_load %arg10[%get3A_346, %get3A_347] {strides = array<i32>} : memref<80x128xf32, #tpu.memory_space<vmem>>, vector<1x16xf32>,
        %get3A_349 = vector.shape_cast %get3A_348 : vector<1x16xf32> to vector<16xf32>
        %add3A_350 = arith.constant 1 : i32
        %add3A_351 = arith.addi %add3A_139, %add3A_350 : i32
        %get3A_352 = arith.index_cast %add3A_351 : i32 to index
        %get3A_353 = arith.constant 16 : index
        %get3A_354 = tpu.vector_load %arg19[%get3A_352, %get3A_353] {strides = array<i32>} : memref<80x128xf32, #tpu.memory_space<vmem>>, vector<1x16xf32>,
        %get3A_355 = vector.shape_cast %get3A_354 : vector<1x16xf32> to vector<16xf32>
        %add3A_356 = arith.addf %get3A_349, %get3A_355 : vector<16xf32>
        %max3A_357 = arith.constant 0.000000e+00 : f32
        %max3A_358 = vector.broadcast %max3A_357 : f32 to vector<16xf32>
        %max3A_359 = arith.maximumf %add3A_356, %max3A_358 : vector<16xf32>
        %add3A_360 = arith.constant 1 : i32
        %add3A_361 = arith.addi %add3A_139, %add3A_360 : i32
        %swap3A_362 = arith.index_cast %add3A_361 : i32 to index
        %swap3A_363 = arith.constant 16 : index
        %swap3A_364 = tpu.vector_load %arg10[%swap3A_362, %swap3A_363] {strides = array<i32>} : memref<80x128xf32, #tpu.memory_space<vmem>>, vector<1x16xf32>,
        %swap3A_365 = vector.shape_cast %swap3A_364 : vector<1x16xf32> to vector<16xf32>
        %swap3A_366 = vector.shape_cast %max3A_359 : vector<16xf32> to vector<1x16xf32>
        tpu.vector_store %arg10[%swap3A_362, %swap3A_363], %swap3A_366 {strides = array<i32>} : memref<80x128xf32, #tpu.memory_space<vmem>>, vector<1x16xf32>,
        %add3A_367 = arith.constant 1 : i32
        %add3A_368 = arith.addi %add3A_139, %add3A_367 : i32
        %get3A_369 = arith.index_cast %add3A_368 : i32 to index
        %get3A_370 = arith.constant 32 : index
        %get3A_371 = tpu.vector_load %arg10[%get3A_369, %get3A_370] {strides = array<i32>} : memref<80x128xf32, #tpu.memory_space<vmem>>, vector<1x16xf32>,
        %get3A_372 = vector.shape_cast %get3A_371 : vector<1x16xf32> to vector<16xf32>
        %add3A_373 = arith.constant 1 : i32
        %add3A_374 = arith.addi %add3A_139, %add3A_373 : i32
        %get3A_375 = arith.index_cast %add3A_374 : i32 to index
        %get3A_376 = arith.constant 32 : index
        %get3A_377 = tpu.vector_load %arg19[%get3A_375, %get3A_376] {strides = array<i32>} : memref<80x128xf32, #tpu.memory_space<vmem>>, vector<1x16xf32>,
        %get3A_378 = vector.shape_cast %get3A_377 : vector<1x16xf32> to vector<16xf32>
        %add3A_379 = arith.addf %get3A_372, %get3A_378 : vector<16xf32>
        %max3A_380 = arith.constant 0.000000e+00 : f32
        %max3A_381 = vector.broadcast %max3A_380 : f32 to vector<16xf32>
        %max3A_382 = arith.maximumf %add3A_379, %max3A_381 : vector<16xf32>
        %add3A_383 = arith.constant 1 : i32
        %add3A_384 = arith.addi %add3A_139, %add3A_383 : i32
        %swap3A_385 = arith.index_cast %add3A_384 : i32 to index
        %swap3A_386 = arith.constant 32 : index
        %swap3A_387 = tpu.vector_load %arg10[%swap3A_385, %swap3A_386] {strides = array<i32>} : memref<80x128xf32, #tpu.memory_space<vmem>>, vector<1x16xf32>,
        %swap3A_388 = vector.shape_cast %swap3A_387 : vector<1x16xf32> to vector<16xf32>
        %swap3A_389 = vector.shape_cast %max3A_382 : vector<16xf32> to vector<1x16xf32>
        tpu.vector_store %arg10[%swap3A_385, %swap3A_386], %swap3A_389 {strides = array<i32>} : memref<80x128xf32, #tpu.memory_space<vmem>>, vector<1x16xf32>,
        %add3A_390 = arith.constant 1 : i32
        %add3A_391 = arith.addi %add3A_139, %add3A_390 : i32
        %get3A_392 = arith.index_cast %add3A_391 : i32 to index
        %get3A_393 = arith.constant 48 : index
        %get3A_394 = tpu.vector_load %arg10[%get3A_392, %get3A_393] {strides = array<i32>} : memref<80x128xf32, #tpu.memory_space<vmem>>, vector<1x16xf32>,
        %get3A_395 = vector.shape_cast %get3A_394 : vector<1x16xf32> to vector<16xf32>
        %add3A_396 = arith.constant 1 : i32
        %add3A_397 = arith.addi %add3A_139, %add3A_396 : i32
        %get3A_398 = arith.index_cast %add3A_397 : i32 to index
        %get3A_399 = arith.constant 48 : index
        %get3A_400 = tpu.vector_load %arg19[%get3A_398, %get3A_399] {strides = array<i32>} : memref<80x128xf32, #tpu.memory_space<vmem>>, vector<1x16xf32>,
        %get3A_401 = vector.shape_cast %get3A_400 : vector<1x16xf32> to vector<16xf32>
        %add3A_402 = arith.addf %get3A_395, %get3A_401 : vector<16xf32>
        %max3A_403 = arith.constant 0.000000e+00 : f32
        %max3A_404 = vector.broadcast %max3A_403 : f32 to vector<16xf32>
        %max3A_405 = arith.maximumf %add3A_402, %max3A_404 : vector<16xf32>
        %add3A_406 = arith.constant 1 : i32
        %add3A_407 = arith.addi %add3A_139, %add3A_406 : i32
        %swap3A_408 = arith.index_cast %add3A_407 : i32 to index
        %swap3A_409 = arith.constant 48 : index
        %swap3A_410 = tpu.vector_load %arg10[%swap3A_408, %swap3A_409] {strides = array<i32>} : memref<80x128xf32, #tpu.memory_space<vmem>>, vector<1x16xf32>,
        %swap3A_411 = vector.shape_cast %swap3A_410 : vector<1x16xf32> to vector<16xf32>
        %swap3A_412 = vector.shape_cast %max3A_405 : vector<16xf32> to vector<1x16xf32>
        tpu.vector_store %arg10[%swap3A_408, %swap3A_409], %swap3A_412 {strides = array<i32>} : memref<80x128xf32, #tpu.memory_space<vmem>>, vector<1x16xf32>,
        %add3A_413 = arith.constant 1 : i32
        %add3A_414 = arith.addi %add3A_139, %add3A_413 : i32
        %get3A_415 = arith.index_cast %add3A_414 : i32 to index
        %get3A_416 = arith.constant 64 : index
        %get3A_417 = tpu.vector_load %arg10[%get3A_415, %get3A_416] {strides = array<i32>} : memref<80x128xf32, #tpu.memory_space<vmem>>, vector<1x16xf32>,
        %get3A_418 = vector.shape_cast %get3A_417 : vector<1x16xf32> to vector<16xf32>
        %add3A_419 = arith.constant 1 : i32
        %add3A_420 = arith.addi %add3A_139, %add3A_419 : i32
        %get3A_421 = arith.index_cast %add3A_420 : i32 to index
        %get3A_422 = arith.constant 64 : index
        %get3A_423 = tpu.vector_load %arg19[%get3A_421, %get3A_422] {strides = array<i32>} : memref<80x128xf32, #tpu.memory_space<vmem>>, vector<1x16xf32>,
        %get3A_424 = vector.shape_cast %get3A_423 : vector<1x16xf32> to vector<16xf32>
        %add3A_425 = arith.addf %get3A_418, %get3A_424 : vector<16xf32>
        %max3A_426 = arith.constant 0.000000e+00 : f32
        %max3A_427 = vector.broadcast %max3A_426 : f32 to vector<16xf32>
        %max3A_428 = arith.maximumf %add3A_425, %max3A_427 : vector<16xf32>
        %add3A_429 = arith.constant 1 : i32
        %add3A_430 = arith.addi %add3A_139, %add3A_429 : i32
        %swap3A_431 = arith.index_cast %add3A_430 : i32 to index
        %swap3A_432 = arith.constant 64 : index
        %swap3A_433 = tpu.vector_load %arg10[%swap3A_431, %swap3A_432] {strides = array<i32>} : memref<80x128xf32, #tpu.memory_space<vmem>>, vector<1x16xf32>,
        %swap3A_434 = vector.shape_cast %swap3A_433 : vector<1x16xf32> to vector<16xf32>
        %swap3A_435 = vector.shape_cast %max3A_428 : vector<16xf32> to vector<1x16xf32>
        tpu.vector_store %arg10[%swap3A_431, %swap3A_432], %swap3A_435 {strides = array<i32>} : memref<80x128xf32, #tpu.memory_space<vmem>>, vector<1x16xf32>,
        %add3A_436 = arith.constant 1 : i32
        %add3A_437 = arith.addi %add3A_139, %add3A_436 : i32
        %get3A_438 = arith.index_cast %add3A_437 : i32 to index
        %get3A_439 = arith.constant 80 : index
        %get3A_440 = tpu.vector_load %arg10[%get3A_438, %get3A_439] {strides = array<i32>} : memref<80x128xf32, #tpu.memory_space<vmem>>, vector<1x16xf32>,
        %get3A_441 = vector.shape_cast %get3A_440 : vector<1x16xf32> to vector<16xf32>
        %add3A_442 = arith.constant 1 : i32
        %add3A_443 = arith.addi %add3A_139, %add3A_442 : i32
        %get3A_444 = arith.index_cast %add3A_443 : i32 to index
        %get3A_445 = arith.constant 80 : index
        %get3A_446 = tpu.vector_load %arg19[%get3A_444, %get3A_445] {strides = array<i32>} : memref<80x128xf32, #tpu.memory_space<vmem>>, vector<1x16xf32>,
        %get3A_447 = vector.shape_cast %get3A_446 : vector<1x16xf32> to vector<16xf32>
        %add3A_448 = arith.addf %get3A_441, %get3A_447 : vector<16xf32>
        %max3A_449 = arith.constant 0.000000e+00 : f32
        %max3A_450 = vector.broadcast %max3A_449 : f32 to vector<16xf32>
        %max3A_451 = arith.maximumf %add3A_448, %max3A_450 : vector<16xf32>
        %add3A_452 = arith.constant 1 : i32
        %add3A_453 = arith.addi %add3A_139, %add3A_452 : i32
        %swap3A_454 = arith.index_cast %add3A_453 : i32 to index
        %swap3A_455 = arith.constant 80 : index
        %swap3A_456 = tpu.vector_load %arg10[%swap3A_454, %swap3A_455] {strides = array<i32>} : memref<80x128xf32, #tpu.memory_space<vmem>>, vector<1x16xf32>,
        %swap3A_457 = vector.shape_cast %swap3A_456 : vector<1x16xf32> to vector<16xf32>
        %swap3A_458 = vector.shape_cast %max3A_451 : vector<16xf32> to vector<1x16xf32>
        tpu.vector_store %arg10[%swap3A_454, %swap3A_455], %swap3A_458 {strides = array<i32>} : memref<80x128xf32, #tpu.memory_space<vmem>>, vector<1x16xf32>,
        %add3A_459 = arith.constant 1 : i32
        %add3A_460 = arith.addi %add3A_139, %add3A_459 : i32
        %get3A_461 = arith.index_cast %add3A_460 : i32 to index
        %get3A_462 = arith.constant 96 : index
        %get3A_463 = tpu.vector_load %arg10[%get3A_461, %get3A_462] {strides = array<i32>} : memref<80x128xf32, #tpu.memory_space<vmem>>, vector<1x16xf32>,
        %get3A_464 = vector.shape_cast %get3A_463 : vector<1x16xf32> to vector<16xf32>
        %add3A_465 = arith.constant 1 : i32
        %add3A_466 = arith.addi %add3A_139, %add3A_465 : i32
        %get3A_467 = arith.index_cast %add3A_466 : i32 to index
        %get3A_468 = arith.constant 96 : index
        %get3A_469 = tpu.vector_load %arg19[%get3A_467, %get3A_468] {strides = array<i32>} : memref<80x128xf32, #tpu.memory_space<vmem>>, vector<1x16xf32>,
        %get3A_470 = vector.shape_cast %get3A_469 : vector<1x16xf32> to vector<16xf32>
        %add3A_471 = arith.addf %get3A_464, %get3A_470 : vector<16xf32>
        %max3A_472 = arith.constant 0.000000e+00 : f32
        %max3A_473 = vector.broadcast %max3A_472 : f32 to vector<16xf32>
        %max3A_474 = arith.maximumf %add3A_471, %max3A_473 : vector<16xf32>
        %add3A_475 = arith.constant 1 : i32
        %add3A_476 = arith.addi %add3A_139, %add3A_475 : i32
        %swap3A_477 = arith.index_cast %add3A_476 : i32 to index
        %swap3A_478 = arith.constant 96 : index
        %swap3A_479 = tpu.vector_load %arg10[%swap3A_477, %swap3A_478] {strides = array<i32>} : memref<80x128xf32, #tpu.memory_space<vmem>>, vector<1x16xf32>,
        %swap3A_480 = vector.shape_cast %swap3A_479 : vector<1x16xf32> to vector<16xf32>
        %swap3A_481 = vector.shape_cast %max3A_474 : vector<16xf32> to vector<1x16xf32>
        tpu.vector_store %arg10[%swap3A_477, %swap3A_478], %swap3A_481 {strides = array<i32>} : memref<80x128xf32, #tpu.memory_space<vmem>>, vector<1x16xf32>,
        %add3A_482 = arith.constant 1 : i32
        %add3A_483 = arith.addi %add3A_139, %add3A_482 : i32
        %get3A_484 = arith.index_cast %add3A_483 : i32 to index
        %get3A_485 = arith.constant 112 : index
        %get3A_486 = tpu.vector_load %arg10[%get3A_484, %get3A_485] {strides = array<i32>} : memref<80x128xf32, #tpu.memory_space<vmem>>, vector<1x16xf32>,
        %get3A_487 = vector.shape_cast %get3A_486 : vector<1x16xf32> to vector<16xf32>
        %add3A_488 = arith.constant 1 : i32
        %add3A_489 = arith.addi %add3A_139, %add3A_488 : i32
        %get3A_490 = arith.index_cast %add3A_489 : i32 to index
        %get3A_491 = arith.constant 112 : index
        %get3A_492 = tpu.vector_load %arg19[%get3A_490, %get3A_491] {strides = array<i32>} : memref<80x128xf32, #tpu.memory_space<vmem>>, vector<1x16xf32>,
        %get3A_493 = vector.shape_cast %get3A_492 : vector<1x16xf32> to vector<16xf32>
        %add3A_494 = arith.addf %get3A_487, %get3A_493 : vector<16xf32>
        %max3A_495 = arith.constant 0.000000e+00 : f32
        %max3A_496 = vector.broadcast %max3A_495 : f32 to vector<16xf32>
        %max3A_497 = arith.maximumf %add3A_494, %max3A_496 : vector<16xf32>
        %add3A_498 = arith.constant 1 : i32
        %add3A_499 = arith.addi %add3A_139, %add3A_498 : i32
        %swap3A_500 = arith.index_cast %add3A_499 : i32 to index
        %swap3A_501 = arith.constant 112 : index
        %swap3A_502 = tpu.vector_load %arg10[%swap3A_500, %swap3A_501] {strides = array<i32>} : memref<80x128xf32, #tpu.memory_space<vmem>>, vector<1x16xf32>,
        %swap3A_503 = vector.shape_cast %swap3A_502 : vector<1x16xf32> to vector<16xf32>
        %swap3A_504 = vector.shape_cast %max3A_497 : vector<16xf32> to vector<1x16xf32>
        tpu.vector_store %arg10[%swap3A_500, %swap3A_501], %swap3A_504 {strides = array<i32>} : memref<80x128xf32, #tpu.memory_space<vmem>>, vector<1x16xf32>,
      }
      %scan3A_83 = arith.constant 40 : i32
      "tpu.region"() ({
        %run_scoped3A = tpu.sem_alloc : memref<!tpu.dma_semaphore, #tpu.memory_space<semaphore_mem>>
        %dma_start3A_135 = arith.constant 0 : i32
        %dma_start3A_136 = arith.constant 0 : i32
        %dma_start3A_137 = tpu.memref_slice %arg12[%dma_start3A_135, %dma_start3A_136] : memref<10240x128xf32, #tpu.memory_space<vmem_shared>> -> memref<10240x128xf32, #tpu.memory_space<vmem_shared>>
        tpu.enqueue_indirect_dma source(%arg10 : memref<80x128xf32, #tpu.memory_space<vmem>>) target(%dma_start3A_137 : memref<10240x128xf32, #tpu.memory_space<vmem_shared>>) offsets(%arg8 : memref<80xi32, #tpu.memory_space<vmem>>) semaphore(%run_scoped3A : memref<!tpu.dma_semaphore, #tpu.memory_space<semaphore_mem>>) {add = true}
        %dma_wait3A_138 = arith.constant 0 : i32
        %dma_wait3A_139 = arith.constant 0 : i32
        %dma_wait3A_140 = tpu.memref_slice %arg12[%dma_wait3A_138, %dma_wait3A_139] : memref<10240x128xf32, #tpu.memory_space<vmem_shared>> -> memref<10240x128xf32, #tpu.memory_space<vmem_shared>>
        tpu.wait_indirect_dma semaphore(%run_scoped3A : memref<!tpu.dma_semaphore, #tpu.memory_space<semaphore_mem>>) src(%arg10 : memref<80x128xf32, #tpu.memory_space<vmem>>) dst(%dma_wait3A_140 : memref<10240x128xf32, #tpu.memory_space<vmem_shared>>)
        tpu.yield
      }) : () -> ()
      %add3A_84 = arith.constant 2 : i32
      %add3A_85 = arith.addi %mul3A_65, %add3A_84 : i32
      %mul3A_86 = arith.constant 80 : i32
      %mul3A_87 = arith.muli %add3A_85, %mul3A_86 : i32
      %add3A_88 = arith.addi %mul3A_2, %mul3A_87 : i32
      %dma_start3A_89 = tpu.memref_slice %arg4[%add3A_88] : memref<320000xi32, #tpu.memory_space<hbm>> -> memref<80xi32, #tpu.memory_space<hbm>>
      %dma_start3A_90 = tpu.memref_slice %arg4[%add3A_88] : memref<320000xi32, #tpu.memory_space<hbm>> -> memref<80xi32, #tpu.memory_space<hbm>>
      tpu.enqueue_dma source(%dma_start3A_90 : memref<80xi32, #tpu.memory_space<hbm>>) target(%arg8 : memref<80xi32, #tpu.memory_space<vmem>>) target_semaphore(%arg13 : memref<!tpu.dma_semaphore, #tpu.memory_space<semaphore_mem>>)
      %dma_start3A_91 = arith.constant 0 : i32
      %dma_start3A_92 = tpu.memref_slice %arg2[%add3A_88, %dma_start3A_91] : memref<320000x128xf32, #tpu.memory_space<hbm>> -> memref<80x128xf32, #tpu.memory_space<hbm>>
      %dma_start3A_93 = arith.constant 0 : i32
      %dma_start3A_94 = tpu.memref_slice %arg2[%add3A_88, %dma_start3A_93] : memref<320000x128xf32, #tpu.memory_space<hbm>> -> memref<80x128xf32, #tpu.memory_space<hbm>>
      tpu.enqueue_dma source(%dma_start3A_94 : memref<80x128xf32, #tpu.memory_space<hbm>>) target(%arg10 : memref<80x128xf32, #tpu.memory_space<vmem>>) target_semaphore(%arg15 : memref<!tpu.dma_semaphore, #tpu.memory_space<semaphore_mem>>)
      %dma_start3A_95 = tpu.memref_slice %arg3[%add3A_88] : memref<320000xi32, #tpu.memory_space<hbm>> -> memref<80xi32, #tpu.memory_space<hbm>>
      %dma_start3A_96 = tpu.memref_slice %arg3[%add3A_88] : memref<320000xi32, #tpu.memory_space<hbm>> -> memref<80xi32, #tpu.memory_space<hbm>>
      tpu.enqueue_dma source(%dma_start3A_96 : memref<80xi32, #tpu.memory_space<hbm>>) target(%arg17 : memref<80xi32, #tpu.memory_space<vmem>>) target_semaphore(%arg21 : memref<!tpu.dma_semaphore, #tpu.memory_space<semaphore_mem>>)
      %dma_wait3A_97 = arith.constant 0 : i32
      %dma_wait3A_98 = tpu.memref_slice %arg3[%dma_wait3A_97] : memref<320000xi32, #tpu.memory_space<hbm>> -> memref<80xi32, #tpu.memory_space<hbm>>
      %dma_wait3A_99 = arith.constant 0 : i32
      %dma_wait3A_100 = tpu.memref_slice %arg3[%dma_wait3A_99] : memref<320000xi32, #tpu.memory_space<hbm>> -> memref<80xi32, #tpu.memory_space<hbm>>
      tpu.wait_dma2 semaphore(%arg22 : memref<!tpu.dma_semaphore, #tpu.memory_space<semaphore_mem>>) src(%dma_wait3A_100 : memref<80xi32, #tpu.memory_space<hbm>>) dst(%arg18 : memref<80xi32, #tpu.memory_space<vmem>>)
      %dma_start3A_101 = arith.constant 0 : i32
      %dma_start3A_102 = arith.constant 0 : i32
      %dma_start3A_103 = tpu.memref_slice %arg6[%dma_start3A_101, %dma_start3A_102] : memref<10000x128xf32, #tpu.memory_space<hbm>> -> memref<10000x128xf32, #tpu.memory_space<hbm>>
      tpu.enqueue_indirect_dma source(%dma_start3A_103 : memref<10000x128xf32, #tpu.memory_space<hbm>>) target(%arg20 : memref<80x128xf32, #tpu.memory_space<vmem>>) offsets(%arg18 : memref<80xi32, #tpu.memory_space<vmem>>) semaphore(%arg24 : memref<!tpu.dma_semaphore, #tpu.memory_space<semaphore_mem>>)
      %dma_wait3A_104 = arith.constant 0 : i32
      %dma_wait3A_105 = tpu.memref_slice %arg4[%dma_wait3A_104] : memref<320000xi32, #tpu.memory_space<hbm>> -> memref<80xi32, #tpu.memory_space<hbm>>
      %dma_wait3A_106 = arith.constant 0 : i32
      %dma_wait3A_107 = tpu.memref_slice %arg4[%dma_wait3A_106] : memref<320000xi32, #tpu.memory_space<hbm>> -> memref<80xi32, #tpu.memory_space<hbm>>
      tpu.wait_dma2 semaphore(%arg14 : memref<!tpu.dma_semaphore, #tpu.memory_space<semaphore_mem>>) src(%dma_wait3A_107 : memref<80xi32, #tpu.memory_space<hbm>>) dst(%arg9 : memref<80xi32, #tpu.memory_space<vmem>>)
      %dma_wait3A_108 = arith.constant 0 : i32
      %dma_wait3A_109 = arith.constant 0 : i32
      %dma_wait3A_110 = tpu.memref_slice %arg2[%dma_wait3A_108, %dma_wait3A_109] : memref<320000x128xf32, #tpu.memory_space<hbm>> -> memref<80x128xf32, #tpu.memory_space<hbm>>
      %dma_wait3A_111 = arith.constant 0 : i32
      %dma_wait3A_112 = arith.constant 0 : i32
      %dma_wait3A_113 = tpu.memref_slice %arg2[%dma_wait3A_111, %dma_wait3A_112] : memref<320000x128xf32, #tpu.memory_space<hbm>> -> memref<80x128xf32, #tpu.memory_space<hbm>>
      tpu.wait_dma2 semaphore(%arg16 : memref<!tpu.dma_semaphore, #tpu.memory_space<semaphore_mem>>) src(%dma_wait3A_113 : memref<80x128xf32, #tpu.memory_space<hbm>>) dst(%arg11 : memref<80x128xf32, #tpu.memory_space<vmem>>)
      %dma_wait3A_114 = arith.constant 0 : i32
      %dma_wait3A_115 = arith.constant 0 : i32
      %dma_wait3A_116 = tpu.memref_slice %arg6[%dma_wait3A_114, %dma_wait3A_115] : memref<10000x128xf32, #tpu.memory_space<hbm>> -> memref<10000x128xf32, #tpu.memory_space<hbm>>
      tpu.wait_indirect_dma semaphore(%arg24 : memref<!tpu.dma_semaphore, #tpu.memory_space<semaphore_mem>>) src(%dma_wait3A_116 : memref<10000x128xf32, #tpu.memory_space<hbm>>) dst(%arg20 : memref<80x128xf32, #tpu.memory_space<vmem>>)
      %scan3A_117 = arith.constant 0 : i32
      %scan3A_118 = arith.constant 40 : i32
      %scan3A_119 = arith.addi %scan3A_117, %scan3A_118 : i32
      %scan3A_120 = arith.constant 1 : i32
      scf.for %scan3A_135 = %scan3A_117 to %scan3A_119 step %scan3A_120  : i32 {
        %mul3A_136 = arith.constant 2 : i32
        %mul3A_137 = arith.muli %scan3A_135, %mul3A_136 : i32
        %add3A_138 = arith.constant 0 : i32
        %add3A_139 = arith.addi %add3A_138, %mul3A_137 : i32
        %add3A_140 = arith.constant 0 : i32
        %add3A_141 = arith.addi %add3A_139, %add3A_140 : i32
        %get3A = arith.index_cast %add3A_141 : i32 to index
        %get3A_142 = arith.constant 0 : index
        %get3A_143 = tpu.vector_load %arg11[%get3A, %get3A_142] {strides = array<i32>} : memref<80x128xf32, #tpu.memory_space<vmem>>, vector<1x16xf32>,
        %get3A_144 = vector.shape_cast %get3A_143 : vector<1x16xf32> to vector<16xf32>
        %add3A_145 = arith.constant 0 : i32
        %add3A_146 = arith.addi %add3A_139, %add3A_145 : i32
        %get3A_147 = arith.index_cast %add3A_146 : i32 to index
        %get3A_148 = arith.constant 0 : index
        %get3A_149 = tpu.vector_load %arg20[%get3A_147, %get3A_148] {strides = array<i32>} : memref<80x128xf32, #tpu.memory_space<vmem>>, vector<1x16xf32>,
        %get3A_150 = vector.shape_cast %get3A_149 : vector<1x16xf32> to vector<16xf32>
        %add3A_151 = arith.addf %get3A_144, %get3A_150 : vector<16xf32>
        %max3A = arith.constant 0.000000e+00 : f32
        %max3A_152 = vector.broadcast %max3A : f32 to vector<16xf32>
        %max3A_153 = arith.maximumf %add3A_151, %max3A_152 : vector<16xf32>
        %add3A_154 = arith.constant 0 : i32
        %add3A_155 = arith.addi %add3A_139, %add3A_154 : i32
        %swap3A = arith.index_cast %add3A_155 : i32 to index
        %swap3A_156 = arith.constant 0 : index
        %swap3A_157 = tpu.vector_load %arg11[%swap3A, %swap3A_156] {strides = array<i32>} : memref<80x128xf32, #tpu.memory_space<vmem>>, vector<1x16xf32>,
        %swap3A_158 = vector.shape_cast %swap3A_157 : vector<1x16xf32> to vector<16xf32>
        %swap3A_159 = vector.shape_cast %max3A_153 : vector<16xf32> to vector<1x16xf32>
        tpu.vector_store %arg11[%swap3A, %swap3A_156], %swap3A_159 {strides = array<i32>} : memref<80x128xf32, #tpu.memory_space<vmem>>, vector<1x16xf32>,
        %add3A_160 = arith.constant 0 : i32
        %add3A_161 = arith.addi %add3A_139, %add3A_160 : i32
        %get3A_162 = arith.index_cast %add3A_161 : i32 to index
        %get3A_163 = arith.constant 16 : index
        %get3A_164 = tpu.vector_load %arg11[%get3A_162, %get3A_163] {strides = array<i32>} : memref<80x128xf32, #tpu.memory_space<vmem>>, vector<1x16xf32>,
        %get3A_165 = vector.shape_cast %get3A_164 : vector<1x16xf32> to vector<16xf32>
        %add3A_166 = arith.constant 0 : i32
        %add3A_167 = arith.addi %add3A_139, %add3A_166 : i32
        %get3A_168 = arith.index_cast %add3A_167 : i32 to index
        %get3A_169 = arith.constant 16 : index
        %get3A_170 = tpu.vector_load %arg20[%get3A_168, %get3A_169] {strides = array<i32>} : memref<80x128xf32, #tpu.memory_space<vmem>>, vector<1x16xf32>,
        %get3A_171 = vector.shape_cast %get3A_170 : vector<1x16xf32> to vector<16xf32>
        %add3A_172 = arith.addf %get3A_165, %get3A_171 : vector<16xf32>
        %max3A_173 = arith.constant 0.000000e+00 : f32
        %max3A_174 = vector.broadcast %max3A_173 : f32 to vector<16xf32>
        %max3A_175 = arith.maximumf %add3A_172, %max3A_174 : vector<16xf32>
        %add3A_176 = arith.constant 0 : i32
        %add3A_177 = arith.addi %add3A_139, %add3A_176 : i32
        %swap3A_178 = arith.index_cast %add3A_177 : i32 to index
        %swap3A_179 = arith.constant 16 : index
        %swap3A_180 = tpu.vector_load %arg11[%swap3A_178, %swap3A_179] {strides = array<i32>} : memref<80x128xf32, #tpu.memory_space<vmem>>, vector<1x16xf32>,
        %swap3A_181 = vector.shape_cast %swap3A_180 : vector<1x16xf32> to vector<16xf32>
        %swap3A_182 = vector.shape_cast %max3A_175 : vector<16xf32> to vector<1x16xf32>
        tpu.vector_store %arg11[%swap3A_178, %swap3A_179], %swap3A_182 {strides = array<i32>} : memref<80x128xf32, #tpu.memory_space<vmem>>, vector<1x16xf32>,
        %add3A_183 = arith.constant 0 : i32
        %add3A_184 = arith.addi %add3A_139, %add3A_183 : i32
        %get3A_185 = arith.index_cast %add3A_184 : i32 to index
        %get3A_186 = arith.constant 32 : index
        %get3A_187 = tpu.vector_load %arg11[%get3A_185, %get3A_186] {strides = array<i32>} : memref<80x128xf32, #tpu.memory_space<vmem>>, vector<1x16xf32>,
        %get3A_188 = vector.shape_cast %get3A_187 : vector<1x16xf32> to vector<16xf32>
        %add3A_189 = arith.constant 0 : i32
        %add3A_190 = arith.addi %add3A_139, %add3A_189 : i32
        %get3A_191 = arith.index_cast %add3A_190 : i32 to index
        %get3A_192 = arith.constant 32 : index
        %get3A_193 = tpu.vector_load %arg20[%get3A_191, %get3A_192] {strides = array<i32>} : memref<80x128xf32, #tpu.memory_space<vmem>>, vector<1x16xf32>,
        %get3A_194 = vector.shape_cast %get3A_193 : vector<1x16xf32> to vector<16xf32>
        %add3A_195 = arith.addf %get3A_188, %get3A_194 : vector<16xf32>
        %max3A_196 = arith.constant 0.000000e+00 : f32
        %max3A_197 = vector.broadcast %max3A_196 : f32 to vector<16xf32>
        %max3A_198 = arith.maximumf %add3A_195, %max3A_197 : vector<16xf32>
        %add3A_199 = arith.constant 0 : i32
        %add3A_200 = arith.addi %add3A_139, %add3A_199 : i32
        %swap3A_201 = arith.index_cast %add3A_200 : i32 to index
        %swap3A_202 = arith.constant 32 : index
        %swap3A_203 = tpu.vector_load %arg11[%swap3A_201, %swap3A_202] {strides = array<i32>} : memref<80x128xf32, #tpu.memory_space<vmem>>, vector<1x16xf32>,
        %swap3A_204 = vector.shape_cast %swap3A_203 : vector<1x16xf32> to vector<16xf32>
        %swap3A_205 = vector.shape_cast %max3A_198 : vector<16xf32> to vector<1x16xf32>
        tpu.vector_store %arg11[%swap3A_201, %swap3A_202], %swap3A_205 {strides = array<i32>} : memref<80x128xf32, #tpu.memory_space<vmem>>, vector<1x16xf32>,
        %add3A_206 = arith.constant 0 : i32
        %add3A_207 = arith.addi %add3A_139, %add3A_206 : i32
        %get3A_208 = arith.index_cast %add3A_207 : i32 to index
        %get3A_209 = arith.constant 48 : index
        %get3A_210 = tpu.vector_load %arg11[%get3A_208, %get3A_209] {strides = array<i32>} : memref<80x128xf32, #tpu.memory_space<vmem>>, vector<1x16xf32>,
        %get3A_211 = vector.shape_cast %get3A_210 : vector<1x16xf32> to vector<16xf32>
        %add3A_212 = arith.constant 0 : i32
        %add3A_213 = arith.addi %add3A_139, %add3A_212 : i32
        %get3A_214 = arith.index_cast %add3A_213 : i32 to index
        %get3A_215 = arith.constant 48 : index
        %get3A_216 = tpu.vector_load %arg20[%get3A_214, %get3A_215] {strides = array<i32>} : memref<80x128xf32, #tpu.memory_space<vmem>>, vector<1x16xf32>,
        %get3A_217 = vector.shape_cast %get3A_216 : vector<1x16xf32> to vector<16xf32>
        %add3A_218 = arith.addf %get3A_211, %get3A_217 : vector<16xf32>
        %max3A_219 = arith.constant 0.000000e+00 : f32
        %max3A_220 = vector.broadcast %max3A_219 : f32 to vector<16xf32>
        %max3A_221 = arith.maximumf %add3A_218, %max3A_220 : vector<16xf32>
        %add3A_222 = arith.constant 0 : i32
        %add3A_223 = arith.addi %add3A_139, %add3A_222 : i32
        %swap3A_224 = arith.index_cast %add3A_223 : i32 to index
        %swap3A_225 = arith.constant 48 : index
        %swap3A_226 = tpu.vector_load %arg11[%swap3A_224, %swap3A_225] {strides = array<i32>} : memref<80x128xf32, #tpu.memory_space<vmem>>, vector<1x16xf32>,
        %swap3A_227 = vector.shape_cast %swap3A_226 : vector<1x16xf32> to vector<16xf32>
        %swap3A_228 = vector.shape_cast %max3A_221 : vector<16xf32> to vector<1x16xf32>
        tpu.vector_store %arg11[%swap3A_224, %swap3A_225], %swap3A_228 {strides = array<i32>} : memref<80x128xf32, #tpu.memory_space<vmem>>, vector<1x16xf32>,
        %add3A_229 = arith.constant 0 : i32
        %add3A_230 = arith.addi %add3A_139, %add3A_229 : i32
        %get3A_231 = arith.index_cast %add3A_230 : i32 to index
        %get3A_232 = arith.constant 64 : index
        %get3A_233 = tpu.vector_load %arg11[%get3A_231, %get3A_232] {strides = array<i32>} : memref<80x128xf32, #tpu.memory_space<vmem>>, vector<1x16xf32>,
        %get3A_234 = vector.shape_cast %get3A_233 : vector<1x16xf32> to vector<16xf32>
        %add3A_235 = arith.constant 0 : i32
        %add3A_236 = arith.addi %add3A_139, %add3A_235 : i32
        %get3A_237 = arith.index_cast %add3A_236 : i32 to index
        %get3A_238 = arith.constant 64 : index
        %get3A_239 = tpu.vector_load %arg20[%get3A_237, %get3A_238] {strides = array<i32>} : memref<80x128xf32, #tpu.memory_space<vmem>>, vector<1x16xf32>,
        %get3A_240 = vector.shape_cast %get3A_239 : vector<1x16xf32> to vector<16xf32>
        %add3A_241 = arith.addf %get3A_234, %get3A_240 : vector<16xf32>
        %max3A_242 = arith.constant 0.000000e+00 : f32
        %max3A_243 = vector.broadcast %max3A_242 : f32 to vector<16xf32>
        %max3A_244 = arith.maximumf %add3A_241, %max3A_243 : vector<16xf32>
        %add3A_245 = arith.constant 0 : i32
        %add3A_246 = arith.addi %add3A_139, %add3A_245 : i32
        %swap3A_247 = arith.index_cast %add3A_246 : i32 to index
        %swap3A_248 = arith.constant 64 : index
        %swap3A_249 = tpu.vector_load %arg11[%swap3A_247, %swap3A_248] {strides = array<i32>} : memref<80x128xf32, #tpu.memory_space<vmem>>, vector<1x16xf32>,
        %swap3A_250 = vector.shape_cast %swap3A_249 : vector<1x16xf32> to vector<16xf32>
        %swap3A_251 = vector.shape_cast %max3A_244 : vector<16xf32> to vector<1x16xf32>
        tpu.vector_store %arg11[%swap3A_247, %swap3A_248], %swap3A_251 {strides = array<i32>} : memref<80x128xf32, #tpu.memory_space<vmem>>, vector<1x16xf32>,
        %add3A_252 = arith.constant 0 : i32
        %add3A_253 = arith.addi %add3A_139, %add3A_252 : i32
        %get3A_254 = arith.index_cast %add3A_253 : i32 to index
        %get3A_255 = arith.constant 80 : index
        %get3A_256 = tpu.vector_load %arg11[%get3A_254, %get3A_255] {strides = array<i32>} : memref<80x128xf32, #tpu.memory_space<vmem>>, vector<1x16xf32>,
        %get3A_257 = vector.shape_cast %get3A_256 : vector<1x16xf32> to vector<16xf32>
        %add3A_258 = arith.constant 0 : i32
        %add3A_259 = arith.addi %add3A_139, %add3A_258 : i32
        %get3A_260 = arith.index_cast %add3A_259 : i32 to index
        %get3A_261 = arith.constant 80 : index
        %get3A_262 = tpu.vector_load %arg20[%get3A_260, %get3A_261] {strides = array<i32>} : memref<80x128xf32, #tpu.memory_space<vmem>>, vector<1x16xf32>,
        %get3A_263 = vector.shape_cast %get3A_262 : vector<1x16xf32> to vector<16xf32>
        %add3A_264 = arith.addf %get3A_257, %get3A_263 : vector<16xf32>
        %max3A_265 = arith.constant 0.000000e+00 : f32
        %max3A_266 = vector.broadcast %max3A_265 : f32 to vector<16xf32>
        %max3A_267 = arith.maximumf %add3A_264, %max3A_266 : vector<16xf32>
        %add3A_268 = arith.constant 0 : i32
        %add3A_269 = arith.addi %add3A_139, %add3A_268 : i32
        %swap3A_270 = arith.index_cast %add3A_269 : i32 to index
        %swap3A_271 = arith.constant 80 : index
        %swap3A_272 = tpu.vector_load %arg11[%swap3A_270, %swap3A_271] {strides = array<i32>} : memref<80x128xf32, #tpu.memory_space<vmem>>, vector<1x16xf32>,
        %swap3A_273 = vector.shape_cast %swap3A_272 : vector<1x16xf32> to vector<16xf32>
        %swap3A_274 = vector.shape_cast %max3A_267 : vector<16xf32> to vector<1x16xf32>
        tpu.vector_store %arg11[%swap3A_270, %swap3A_271], %swap3A_274 {strides = array<i32>} : memref<80x128xf32, #tpu.memory_space<vmem>>, vector<1x16xf32>,
        %add3A_275 = arith.constant 0 : i32
        %add3A_276 = arith.addi %add3A_139, %add3A_275 : i32
        %get3A_277 = arith.index_cast %add3A_276 : i32 to index
        %get3A_278 = arith.constant 96 : index
        %get3A_279 = tpu.vector_load %arg11[%get3A_277, %get3A_278] {strides = array<i32>} : memref<80x128xf32, #tpu.memory_space<vmem>>, vector<1x16xf32>,
        %get3A_280 = vector.shape_cast %get3A_279 : vector<1x16xf32> to vector<16xf32>
        %add3A_281 = arith.constant 0 : i32
        %add3A_282 = arith.addi %add3A_139, %add3A_281 : i32
        %get3A_283 = arith.index_cast %add3A_282 : i32 to index
        %get3A_284 = arith.constant 96 : index
        %get3A_285 = tpu.vector_load %arg20[%get3A_283, %get3A_284] {strides = array<i32>} : memref<80x128xf32, #tpu.memory_space<vmem>>, vector<1x16xf32>,
        %get3A_286 = vector.shape_cast %get3A_285 : vector<1x16xf32> to vector<16xf32>
        %add3A_287 = arith.addf %get3A_280, %get3A_286 : vector<16xf32>
        %max3A_288 = arith.constant 0.000000e+00 : f32
        %max3A_289 = vector.broadcast %max3A_288 : f32 to vector<16xf32>
        %max3A_290 = arith.maximumf %add3A_287, %max3A_289 : vector<16xf32>
        %add3A_291 = arith.constant 0 : i32
        %add3A_292 = arith.addi %add3A_139, %add3A_291 : i32
        %swap3A_293 = arith.index_cast %add3A_292 : i32 to index
        %swap3A_294 = arith.constant 96 : index
        %swap3A_295 = tpu.vector_load %arg11[%swap3A_293, %swap3A_294] {strides = array<i32>} : memref<80x128xf32, #tpu.memory_space<vmem>>, vector<1x16xf32>,
        %swap3A_296 = vector.shape_cast %swap3A_295 : vector<1x16xf32> to vector<16xf32>
        %swap3A_297 = vector.shape_cast %max3A_290 : vector<16xf32> to vector<1x16xf32>
        tpu.vector_store %arg11[%swap3A_293, %swap3A_294], %swap3A_297 {strides = array<i32>} : memref<80x128xf32, #tpu.memory_space<vmem>>, vector<1x16xf32>,
        %add3A_298 = arith.constant 0 : i32
        %add3A_299 = arith.addi %add3A_139, %add3A_298 : i32
        %get3A_300 = arith.index_cast %add3A_299 : i32 to index
        %get3A_301 = arith.constant 112 : index
        %get3A_302 = tpu.vector_load %arg11[%get3A_300, %get3A_301] {strides = array<i32>} : memref<80x128xf32, #tpu.memory_space<vmem>>, vector<1x16xf32>,
        %get3A_303 = vector.shape_cast %get3A_302 : vector<1x16xf32> to vector<16xf32>
        %add3A_304 = arith.constant 0 : i32
        %add3A_305 = arith.addi %add3A_139, %add3A_304 : i32
        %get3A_306 = arith.index_cast %add3A_305 : i32 to index
        %get3A_307 = arith.constant 112 : index
        %get3A_308 = tpu.vector_load %arg20[%get3A_306, %get3A_307] {strides = array<i32>} : memref<80x128xf32, #tpu.memory_space<vmem>>, vector<1x16xf32>,
        %get3A_309 = vector.shape_cast %get3A_308 : vector<1x16xf32> to vector<16xf32>
        %add3A_310 = arith.addf %get3A_303, %get3A_309 : vector<16xf32>
        %max3A_311 = arith.constant 0.000000e+00 : f32
        %max3A_312 = vector.broadcast %max3A_311 : f32 to vector<16xf32>
        %max3A_313 = arith.maximumf %add3A_310, %max3A_312 : vector<16xf32>
        %add3A_314 = arith.constant 0 : i32
        %add3A_315 = arith.addi %add3A_139, %add3A_314 : i32
        %swap3A_316 = arith.index_cast %add3A_315 : i32 to index
        %swap3A_317 = arith.constant 112 : index
        %swap3A_318 = tpu.vector_load %arg11[%swap3A_316, %swap3A_317] {strides = array<i32>} : memref<80x128xf32, #tpu.memory_space<vmem>>, vector<1x16xf32>,
        %swap3A_319 = vector.shape_cast %swap3A_318 : vector<1x16xf32> to vector<16xf32>
        %swap3A_320 = vector.shape_cast %max3A_313 : vector<16xf32> to vector<1x16xf32>
        tpu.vector_store %arg11[%swap3A_316, %swap3A_317], %swap3A_320 {strides = array<i32>} : memref<80x128xf32, #tpu.memory_space<vmem>>, vector<1x16xf32>,
        %add3A_321 = arith.constant 1 : i32
        %add3A_322 = arith.addi %add3A_139, %add3A_321 : i32
        %get3A_323 = arith.index_cast %add3A_322 : i32 to index
        %get3A_324 = arith.constant 0 : index
        %get3A_325 = tpu.vector_load %arg11[%get3A_323, %get3A_324] {strides = array<i32>} : memref<80x128xf32, #tpu.memory_space<vmem>>, vector<1x16xf32>,
        %get3A_326 = vector.shape_cast %get3A_325 : vector<1x16xf32> to vector<16xf32>
        %add3A_327 = arith.constant 1 : i32
        %add3A_328 = arith.addi %add3A_139, %add3A_327 : i32
        %get3A_329 = arith.index_cast %add3A_328 : i32 to index
        %get3A_330 = arith.constant 0 : index
        %get3A_331 = tpu.vector_load %arg20[%get3A_329, %get3A_330] {strides = array<i32>} : memref<80x128xf32, #tpu.memory_space<vmem>>, vector<1x16xf32>,
        %get3A_332 = vector.shape_cast %get3A_331 : vector<1x16xf32> to vector<16xf32>
        %add3A_333 = arith.addf %get3A_326, %get3A_332 : vector<16xf32>
        %max3A_334 = arith.constant 0.000000e+00 : f32
        %max3A_335 = vector.broadcast %max3A_334 : f32 to vector<16xf32>
        %max3A_336 = arith.maximumf %add3A_333, %max3A_335 : vector<16xf32>
        %add3A_337 = arith.constant 1 : i32
        %add3A_338 = arith.addi %add3A_139, %add3A_337 : i32
        %swap3A_339 = arith.index_cast %add3A_338 : i32 to index
        %swap3A_340 = arith.constant 0 : index
        %swap3A_341 = tpu.vector_load %arg11[%swap3A_339, %swap3A_340] {strides = array<i32>} : memref<80x128xf32, #tpu.memory_space<vmem>>, vector<1x16xf32>,
        %swap3A_342 = vector.shape_cast %swap3A_341 : vector<1x16xf32> to vector<16xf32>
        %swap3A_343 = vector.shape_cast %max3A_336 : vector<16xf32> to vector<1x16xf32>
        tpu.vector_store %arg11[%swap3A_339, %swap3A_340], %swap3A_343 {strides = array<i32>} : memref<80x128xf32, #tpu.memory_space<vmem>>, vector<1x16xf32>,
        %add3A_344 = arith.constant 1 : i32
        %add3A_345 = arith.addi %add3A_139, %add3A_344 : i32
        %get3A_346 = arith.index_cast %add3A_345 : i32 to index
        %get3A_347 = arith.constant 16 : index
        %get3A_348 = tpu.vector_load %arg11[%get3A_346, %get3A_347] {strides = array<i32>} : memref<80x128xf32, #tpu.memory_space<vmem>>, vector<1x16xf32>,
        %get3A_349 = vector.shape_cast %get3A_348 : vector<1x16xf32> to vector<16xf32>
        %add3A_350 = arith.constant 1 : i32
        %add3A_351 = arith.addi %add3A_139, %add3A_350 : i32
        %get3A_352 = arith.index_cast %add3A_351 : i32 to index
        %get3A_353 = arith.constant 16 : index
        %get3A_354 = tpu.vector_load %arg20[%get3A_352, %get3A_353] {strides = array<i32>} : memref<80x128xf32, #tpu.memory_space<vmem>>, vector<1x16xf32>,
        %get3A_355 = vector.shape_cast %get3A_354 : vector<1x16xf32> to vector<16xf32>
        %add3A_356 = arith.addf %get3A_349, %get3A_355 : vector<16xf32>
        %max3A_357 = arith.constant 0.000000e+00 : f32
        %max3A_358 = vector.broadcast %max3A_357 : f32 to vector<16xf32>
        %max3A_359 = arith.maximumf %add3A_356, %max3A_358 : vector<16xf32>
        %add3A_360 = arith.constant 1 : i32
        %add3A_361 = arith.addi %add3A_139, %add3A_360 : i32
        %swap3A_362 = arith.index_cast %add3A_361 : i32 to index
        %swap3A_363 = arith.constant 16 : index
        %swap3A_364 = tpu.vector_load %arg11[%swap3A_362, %swap3A_363] {strides = array<i32>} : memref<80x128xf32, #tpu.memory_space<vmem>>, vector<1x16xf32>,
        %swap3A_365 = vector.shape_cast %swap3A_364 : vector<1x16xf32> to vector<16xf32>
        %swap3A_366 = vector.shape_cast %max3A_359 : vector<16xf32> to vector<1x16xf32>
        tpu.vector_store %arg11[%swap3A_362, %swap3A_363], %swap3A_366 {strides = array<i32>} : memref<80x128xf32, #tpu.memory_space<vmem>>, vector<1x16xf32>,
        %add3A_367 = arith.constant 1 : i32
        %add3A_368 = arith.addi %add3A_139, %add3A_367 : i32
        %get3A_369 = arith.index_cast %add3A_368 : i32 to index
        %get3A_370 = arith.constant 32 : index
        %get3A_371 = tpu.vector_load %arg11[%get3A_369, %get3A_370] {strides = array<i32>} : memref<80x128xf32, #tpu.memory_space<vmem>>, vector<1x16xf32>,
        %get3A_372 = vector.shape_cast %get3A_371 : vector<1x16xf32> to vector<16xf32>
        %add3A_373 = arith.constant 1 : i32
        %add3A_374 = arith.addi %add3A_139, %add3A_373 : i32
        %get3A_375 = arith.index_cast %add3A_374 : i32 to index
        %get3A_376 = arith.constant 32 : index
        %get3A_377 = tpu.vector_load %arg20[%get3A_375, %get3A_376] {strides = array<i32>} : memref<80x128xf32, #tpu.memory_space<vmem>>, vector<1x16xf32>,
        %get3A_378 = vector.shape_cast %get3A_377 : vector<1x16xf32> to vector<16xf32>
        %add3A_379 = arith.addf %get3A_372, %get3A_378 : vector<16xf32>
        %max3A_380 = arith.constant 0.000000e+00 : f32
        %max3A_381 = vector.broadcast %max3A_380 : f32 to vector<16xf32>
        %max3A_382 = arith.maximumf %add3A_379, %max3A_381 : vector<16xf32>
        %add3A_383 = arith.constant 1 : i32
        %add3A_384 = arith.addi %add3A_139, %add3A_383 : i32
        %swap3A_385 = arith.index_cast %add3A_384 : i32 to index
        %swap3A_386 = arith.constant 32 : index
        %swap3A_387 = tpu.vector_load %arg11[%swap3A_385, %swap3A_386] {strides = array<i32>} : memref<80x128xf32, #tpu.memory_space<vmem>>, vector<1x16xf32>,
        %swap3A_388 = vector.shape_cast %swap3A_387 : vector<1x16xf32> to vector<16xf32>
        %swap3A_389 = vector.shape_cast %max3A_382 : vector<16xf32> to vector<1x16xf32>
        tpu.vector_store %arg11[%swap3A_385, %swap3A_386], %swap3A_389 {strides = array<i32>} : memref<80x128xf32, #tpu.memory_space<vmem>>, vector<1x16xf32>,
        %add3A_390 = arith.constant 1 : i32
        %add3A_391 = arith.addi %add3A_139, %add3A_390 : i32
        %get3A_392 = arith.index_cast %add3A_391 : i32 to index
        %get3A_393 = arith.constant 48 : index
        %get3A_394 = tpu.vector_load %arg11[%get3A_392, %get3A_393] {strides = array<i32>} : memref<80x128xf32, #tpu.memory_space<vmem>>, vector<1x16xf32>,
        %get3A_395 = vector.shape_cast %get3A_394 : vector<1x16xf32> to vector<16xf32>
        %add3A_396 = arith.constant 1 : i32
        %add3A_397 = arith.addi %add3A_139, %add3A_396 : i32
        %get3A_398 = arith.index_cast %add3A_397 : i32 to index
        %get3A_399 = arith.constant 48 : index
        %get3A_400 = tpu.vector_load %arg20[%get3A_398, %get3A_399] {strides = array<i32>} : memref<80x128xf32, #tpu.memory_space<vmem>>, vector<1x16xf32>,
        %get3A_401 = vector.shape_cast %get3A_400 : vector<1x16xf32> to vector<16xf32>
        %add3A_402 = arith.addf %get3A_395, %get3A_401 : vector<16xf32>
        %max3A_403 = arith.constant 0.000000e+00 : f32
        %max3A_404 = vector.broadcast %max3A_403 : f32 to vector<16xf32>
        %max3A_405 = arith.maximumf %add3A_402, %max3A_404 : vector<16xf32>
        %add3A_406 = arith.constant 1 : i32
        %add3A_407 = arith.addi %add3A_139, %add3A_406 : i32
        %swap3A_408 = arith.index_cast %add3A_407 : i32 to index
        %swap3A_409 = arith.constant 48 : index
        %swap3A_410 = tpu.vector_load %arg11[%swap3A_408, %swap3A_409] {strides = array<i32>} : memref<80x128xf32, #tpu.memory_space<vmem>>, vector<1x16xf32>,
        %swap3A_411 = vector.shape_cast %swap3A_410 : vector<1x16xf32> to vector<16xf32>
        %swap3A_412 = vector.shape_cast %max3A_405 : vector<16xf32> to vector<1x16xf32>
        tpu.vector_store %arg11[%swap3A_408, %swap3A_409], %swap3A_412 {strides = array<i32>} : memref<80x128xf32, #tpu.memory_space<vmem>>, vector<1x16xf32>,
        %add3A_413 = arith.constant 1 : i32
        %add3A_414 = arith.addi %add3A_139, %add3A_413 : i32
        %get3A_415 = arith.index_cast %add3A_414 : i32 to index
        %get3A_416 = arith.constant 64 : index
        %get3A_417 = tpu.vector_load %arg11[%get3A_415, %get3A_416] {strides = array<i32>} : memref<80x128xf32, #tpu.memory_space<vmem>>, vector<1x16xf32>,
        %get3A_418 = vector.shape_cast %get3A_417 : vector<1x16xf32> to vector<16xf32>
        %add3A_419 = arith.constant 1 : i32
        %add3A_420 = arith.addi %add3A_139, %add3A_419 : i32
        %get3A_421 = arith.index_cast %add3A_420 : i32 to index
        %get3A_422 = arith.constant 64 : index
        %get3A_423 = tpu.vector_load %arg20[%get3A_421, %get3A_422] {strides = array<i32>} : memref<80x128xf32, #tpu.memory_space<vmem>>, vector<1x16xf32>,
        %get3A_424 = vector.shape_cast %get3A_423 : vector<1x16xf32> to vector<16xf32>
        %add3A_425 = arith.addf %get3A_418, %get3A_424 : vector<16xf32>
        %max3A_426 = arith.constant 0.000000e+00 : f32
        %max3A_427 = vector.broadcast %max3A_426 : f32 to vector<16xf32>
        %max3A_428 = arith.maximumf %add3A_425, %max3A_427 : vector<16xf32>
        %add3A_429 = arith.constant 1 : i32
        %add3A_430 = arith.addi %add3A_139, %add3A_429 : i32
        %swap3A_431 = arith.index_cast %add3A_430 : i32 to index
        %swap3A_432 = arith.constant 64 : index
        %swap3A_433 = tpu.vector_load %arg11[%swap3A_431, %swap3A_432] {strides = array<i32>} : memref<80x128xf32, #tpu.memory_space<vmem>>, vector<1x16xf32>,
        %swap3A_434 = vector.shape_cast %swap3A_433 : vector<1x16xf32> to vector<16xf32>
        %swap3A_435 = vector.shape_cast %max3A_428 : vector<16xf32> to vector<1x16xf32>
        tpu.vector_store %arg11[%swap3A_431, %swap3A_432], %swap3A_435 {strides = array<i32>} : memref<80x128xf32, #tpu.memory_space<vmem>>, vector<1x16xf32>,
        %add3A_436 = arith.constant 1 : i32
        %add3A_437 = arith.addi %add3A_139, %add3A_436 : i32
        %get3A_438 = arith.index_cast %add3A_437 : i32 to index
        %get3A_439 = arith.constant 80 : index
        %get3A_440 = tpu.vector_load %arg11[%get3A_438, %get3A_439] {strides = array<i32>} : memref<80x128xf32, #tpu.memory_space<vmem>>, vector<1x16xf32>,
        %get3A_441 = vector.shape_cast %get3A_440 : vector<1x16xf32> to vector<16xf32>
        %add3A_442 = arith.constant 1 : i32
        %add3A_443 = arith.addi %add3A_139, %add3A_442 : i32
        %get3A_444 = arith.index_cast %add3A_443 : i32 to index
        %get3A_445 = arith.constant 80 : index
        %get3A_446 = tpu.vector_load %arg20[%get3A_444, %get3A_445] {strides = array<i32>} : memref<80x128xf32, #tpu.memory_space<vmem>>, vector<1x16xf32>,
        %get3A_447 = vector.shape_cast %get3A_446 : vector<1x16xf32> to vector<16xf32>
        %add3A_448 = arith.addf %get3A_441, %get3A_447 : vector<16xf32>
        %max3A_449 = arith.constant 0.000000e+00 : f32
        %max3A_450 = vector.broadcast %max3A_449 : f32 to vector<16xf32>
        %max3A_451 = arith.maximumf %add3A_448, %max3A_450 : vector<16xf32>
        %add3A_452 = arith.constant 1 : i32
        %add3A_453 = arith.addi %add3A_139, %add3A_452 : i32
        %swap3A_454 = arith.index_cast %add3A_453 : i32 to index
        %swap3A_455 = arith.constant 80 : index
        %swap3A_456 = tpu.vector_load %arg11[%swap3A_454, %swap3A_455] {strides = array<i32>} : memref<80x128xf32, #tpu.memory_space<vmem>>, vector<1x16xf32>,
        %swap3A_457 = vector.shape_cast %swap3A_456 : vector<1x16xf32> to vector<16xf32>
        %swap3A_458 = vector.shape_cast %max3A_451 : vector<16xf32> to vector<1x16xf32>
        tpu.vector_store %arg11[%swap3A_454, %swap3A_455], %swap3A_458 {strides = array<i32>} : memref<80x128xf32, #tpu.memory_space<vmem>>, vector<1x16xf32>,
        %add3A_459 = arith.constant 1 : i32
        %add3A_460 = arith.addi %add3A_139, %add3A_459 : i32
        %get3A_461 = arith.index_cast %add3A_460 : i32 to index
        %get3A_462 = arith.constant 96 : index
        %get3A_463 = tpu.vector_load %arg11[%get3A_461, %get3A_462] {strides = array<i32>} : memref<80x128xf32, #tpu.memory_space<vmem>>, vector<1x16xf32>,
        %get3A_464 = vector.shape_cast %get3A_463 : vector<1x16xf32> to vector<16xf32>
        %add3A_465 = arith.constant 1 : i32
        %add3A_466 = arith.addi %add3A_139, %add3A_465 : i32
        %get3A_467 = arith.index_cast %add3A_466 : i32 to index
        %get3A_468 = arith.constant 96 : index
        %get3A_469 = tpu.vector_load %arg20[%get3A_467, %get3A_468] {strides = array<i32>} : memref<80x128xf32, #tpu.memory_space<vmem>>, vector<1x16xf32>,
        %get3A_470 = vector.shape_cast %get3A_469 : vector<1x16xf32> to vector<16xf32>
        %add3A_471 = arith.addf %get3A_464, %get3A_470 : vector<16xf32>
        %max3A_472 = arith.constant 0.000000e+00 : f32
        %max3A_473 = vector.broadcast %max3A_472 : f32 to vector<16xf32>
        %max3A_474 = arith.maximumf %add3A_471, %max3A_473 : vector<16xf32>
        %add3A_475 = arith.constant 1 : i32
        %add3A_476 = arith.addi %add3A_139, %add3A_475 : i32
        %swap3A_477 = arith.index_cast %add3A_476 : i32 to index
        %swap3A_478 = arith.constant 96 : index
        %swap3A_479 = tpu.vector_load %arg11[%swap3A_477, %swap3A_478] {strides = array<i32>} : memref<80x128xf32, #tpu.memory_space<vmem>>, vector<1x16xf32>,
        %swap3A_480 = vector.shape_cast %swap3A_479 : vector<1x16xf32> to vector<16xf32>
        %swap3A_481 = vector.shape_cast %max3A_474 : vector<16xf32> to vector<1x16xf32>
        tpu.vector_store %arg11[%swap3A_477, %swap3A_478], %swap3A_481 {strides = array<i32>} : memref<80x128xf32, #tpu.memory_space<vmem>>, vector<1x16xf32>,
        %add3A_482 = arith.constant 1 : i32
        %add3A_483 = arith.addi %add3A_139, %add3A_482 : i32
        %get3A_484 = arith.index_cast %add3A_483 : i32 to index
        %get3A_485 = arith.constant 112 : index
        %get3A_486 = tpu.vector_load %arg11[%get3A_484, %get3A_485] {strides = array<i32>} : memref<80x128xf32, #tpu.memory_space<vmem>>, vector<1x16xf32>,
        %get3A_487 = vector.shape_cast %get3A_486 : vector<1x16xf32> to vector<16xf32>
        %add3A_488 = arith.constant 1 : i32
        %add3A_489 = arith.addi %add3A_139, %add3A_488 : i32
        %get3A_490 = arith.index_cast %add3A_489 : i32 to index
        %get3A_491 = arith.constant 112 : index
        %get3A_492 = tpu.vector_load %arg20[%get3A_490, %get3A_491] {strides = array<i32>} : memref<80x128xf32, #tpu.memory_space<vmem>>, vector<1x16xf32>,
        %get3A_493 = vector.shape_cast %get3A_492 : vector<1x16xf32> to vector<16xf32>
        %add3A_494 = arith.addf %get3A_487, %get3A_493 : vector<16xf32>
        %max3A_495 = arith.constant 0.000000e+00 : f32
        %max3A_496 = vector.broadcast %max3A_495 : f32 to vector<16xf32>
        %max3A_497 = arith.maximumf %add3A_494, %max3A_496 : vector<16xf32>
        %add3A_498 = arith.constant 1 : i32
        %add3A_499 = arith.addi %add3A_139, %add3A_498 : i32
        %swap3A_500 = arith.index_cast %add3A_499 : i32 to index
        %swap3A_501 = arith.constant 112 : index
        %swap3A_502 = tpu.vector_load %arg11[%swap3A_500, %swap3A_501] {strides = array<i32>} : memref<80x128xf32, #tpu.memory_space<vmem>>, vector<1x16xf32>,
        %swap3A_503 = vector.shape_cast %swap3A_502 : vector<1x16xf32> to vector<16xf32>
        %swap3A_504 = vector.shape_cast %max3A_497 : vector<16xf32> to vector<1x16xf32>
        tpu.vector_store %arg11[%swap3A_500, %swap3A_501], %swap3A_504 {strides = array<i32>} : memref<80x128xf32, #tpu.memory_space<vmem>>, vector<1x16xf32>,
      }
      %scan3A_121 = arith.constant 40 : i32
      "tpu.region"() ({
        %run_scoped3A = tpu.sem_alloc : memref<!tpu.dma_semaphore, #tpu.memory_space<semaphore_mem>>
        %dma_start3A_135 = arith.constant 0 : i32
        %dma_start3A_136 = arith.constant 0 : i32
        %dma_start3A_137 = tpu.memref_slice %arg12[%dma_start3A_135, %dma_start3A_136] : memref<10240x128xf32, #tpu.memory_space<vmem_shared>> -> memref<10240x128xf32, #tpu.memory_space<vmem_shared>>
        tpu.enqueue_indirect_dma source(%arg11 : memref<80x128xf32, #tpu.memory_space<vmem>>) target(%dma_start3A_137 : memref<10240x128xf32, #tpu.memory_space<vmem_shared>>) offsets(%arg9 : memref<80xi32, #tpu.memory_space<vmem>>) semaphore(%run_scoped3A : memref<!tpu.dma_semaphore, #tpu.memory_space<semaphore_mem>>) {add = true}
        %dma_wait3A_138 = arith.constant 0 : i32
        %dma_wait3A_139 = arith.constant 0 : i32
        %dma_wait3A_140 = tpu.memref_slice %arg12[%dma_wait3A_138, %dma_wait3A_139] : memref<10240x128xf32, #tpu.memory_space<vmem_shared>> -> memref<10240x128xf32, #tpu.memory_space<vmem_shared>>
        tpu.wait_indirect_dma semaphore(%run_scoped3A : memref<!tpu.dma_semaphore, #tpu.memory_space<semaphore_mem>>) src(%arg11 : memref<80x128xf32, #tpu.memory_space<vmem>>) dst(%dma_wait3A_140 : memref<10240x128xf32, #tpu.memory_space<vmem_shared>>)
        tpu.yield
      }) : () -> ()
      %add3A_122 = arith.constant 3 : i32
      %add3A_123 = arith.addi %mul3A_65, %add3A_122 : i32
      %lt3A = arith.constant 125 : i32
      %lt3A_124 = arith.cmpi slt, %add3A_123, %lt3A : i32
      %convert_element_type3A_125 = arith.extui %lt3A_124 : i1 to i32
      %cond3A_126 = arith.constant 0 : i32
      %cond3A_127 = arith.cmpi ne, %convert_element_type3A_125, %cond3A_126 : i32
      scf.if %cond3A_127 {
        %add3A_135 = arith.constant 3 : i32
        %add3A_136 = arith.addi %mul3A_65, %add3A_135 : i32
        %mul3A_137 = arith.constant 80 : i32
        %mul3A_138 = arith.muli %add3A_136, %mul3A_137 : i32
        %add3A_139 = arith.addi %mul3A_2, %mul3A_138 : i32
        %dma_start3A_140 = tpu.memref_slice %arg4[%add3A_139] : memref<320000xi32, #tpu.memory_space<hbm>> -> memref<80xi32, #tpu.memory_space<hbm>>
        %dma_start3A_141 = tpu.memref_slice %arg4[%add3A_139] : memref<320000xi32, #tpu.memory_space<hbm>> -> memref<80xi32, #tpu.memory_space<hbm>>
        tpu.enqueue_dma source(%dma_start3A_141 : memref<80xi32, #tpu.memory_space<hbm>>) target(%arg9 : memref<80xi32, #tpu.memory_space<vmem>>) target_semaphore(%arg14 : memref<!tpu.dma_semaphore, #tpu.memory_space<semaphore_mem>>)
        %dma_start3A_142 = arith.constant 0 : i32
        %dma_start3A_143 = tpu.memref_slice %arg2[%add3A_139, %dma_start3A_142] : memref<320000x128xf32, #tpu.memory_space<hbm>> -> memref<80x128xf32, #tpu.memory_space<hbm>>
        %dma_start3A_144 = arith.constant 0 : i32
        %dma_start3A_145 = tpu.memref_slice %arg2[%add3A_139, %dma_start3A_144] : memref<320000x128xf32, #tpu.memory_space<hbm>> -> memref<80x128xf32, #tpu.memory_space<hbm>>
        tpu.enqueue_dma source(%dma_start3A_145 : memref<80x128xf32, #tpu.memory_space<hbm>>) target(%arg11 : memref<80x128xf32, #tpu.memory_space<vmem>>) target_semaphore(%arg16 : memref<!tpu.dma_semaphore, #tpu.memory_space<semaphore_mem>>)
        %dma_start3A_146 = tpu.memref_slice %arg3[%add3A_139] : memref<320000xi32, #tpu.memory_space<hbm>> -> memref<80xi32, #tpu.memory_space<hbm>>
        %dma_start3A_147 = tpu.memref_slice %arg3[%add3A_139] : memref<320000xi32, #tpu.memory_space<hbm>> -> memref<80xi32, #tpu.memory_space<hbm>>
        tpu.enqueue_dma source(%dma_start3A_147 : memref<80xi32, #tpu.memory_space<hbm>>) target(%arg18 : memref<80xi32, #tpu.memory_space<vmem>>) target_semaphore(%arg22 : memref<!tpu.dma_semaphore, #tpu.memory_space<semaphore_mem>>)
      } else {
      }
      %dma_wait3A_128 = arith.constant 0 : i32
      %dma_wait3A_129 = tpu.memref_slice %arg3[%dma_wait3A_128] : memref<320000xi32, #tpu.memory_space<hbm>> -> memref<80xi32, #tpu.memory_space<hbm>>
      %dma_wait3A_130 = arith.constant 0 : i32
      %dma_wait3A_131 = tpu.memref_slice %arg3[%dma_wait3A_130] : memref<320000xi32, #tpu.memory_space<hbm>> -> memref<80xi32, #tpu.memory_space<hbm>>
      tpu.wait_dma2 semaphore(%arg21 : memref<!tpu.dma_semaphore, #tpu.memory_space<semaphore_mem>>) src(%dma_wait3A_131 : memref<80xi32, #tpu.memory_space<hbm>>) dst(%arg17 : memref<80xi32, #tpu.memory_space<vmem>>)
      %dma_start3A_132 = arith.constant 0 : i32
      %dma_start3A_133 = arith.constant 0 : i32
      %dma_start3A_134 = tpu.memref_slice %arg6[%dma_start3A_132, %dma_start3A_133] : memref<10000x128xf32, #tpu.memory_space<hbm>> -> memref<10000x128xf32, #tpu.memory_space<hbm>>
      tpu.enqueue_indirect_dma source(%dma_start3A_134 : memref<10000x128xf32, #tpu.memory_space<hbm>>) target(%arg19 : memref<80x128xf32, #tpu.memory_space<vmem>>) offsets(%arg17 : memref<80xi32, #tpu.memory_space<vmem>>) semaphore(%arg23 : memref<!tpu.dma_semaphore, #tpu.memory_space<semaphore_mem>>)
    }
    %scan3A_33 = arith.constant 62 : i32
    %dma_wait3A_34 = arith.constant 0 : i32
    %dma_wait3A_35 = tpu.memref_slice %arg4[%dma_wait3A_34] : memref<320000xi32, #tpu.memory_space<hbm>> -> memref<80xi32, #tpu.memory_space<hbm>>
    %dma_wait3A_36 = arith.constant 0 : i32
    %dma_wait3A_37 = tpu.memref_slice %arg4[%dma_wait3A_36] : memref<320000xi32, #tpu.memory_space<hbm>> -> memref<80xi32, #tpu.memory_space<hbm>>
    tpu.wait_dma2 semaphore(%arg13 : memref<!tpu.dma_semaphore, #tpu.memory_space<semaphore_mem>>) src(%dma_wait3A_37 : memref<80xi32, #tpu.memory_space<hbm>>) dst(%arg8 : memref<80xi32, #tpu.memory_space<vmem>>)
    %dma_wait3A_38 = arith.constant 0 : i32
    %dma_wait3A_39 = arith.constant 0 : i32
    %dma_wait3A_40 = tpu.memref_slice %arg2[%dma_wait3A_38, %dma_wait3A_39] : memref<320000x128xf32, #tpu.memory_space<hbm>> -> memref<80x128xf32, #tpu.memory_space<hbm>>
    %dma_wait3A_41 = arith.constant 0 : i32
    %dma_wait3A_42 = arith.constant 0 : i32
    %dma_wait3A_43 = tpu.memref_slice %arg2[%dma_wait3A_41, %dma_wait3A_42] : memref<320000x128xf32, #tpu.memory_space<hbm>> -> memref<80x128xf32, #tpu.memory_space<hbm>>
    tpu.wait_dma2 semaphore(%arg15 : memref<!tpu.dma_semaphore, #tpu.memory_space<semaphore_mem>>) src(%dma_wait3A_43 : memref<80x128xf32, #tpu.memory_space<hbm>>) dst(%arg10 : memref<80x128xf32, #tpu.memory_space<vmem>>)
    %dma_wait3A_44 = arith.constant 0 : i32
    %dma_wait3A_45 = arith.constant 0 : i32
    %dma_wait3A_46 = tpu.memref_slice %arg6[%dma_wait3A_44, %dma_wait3A_45] : memref<10000x128xf32, #tpu.memory_space<hbm>> -> memref<10000x128xf32, #tpu.memory_space<hbm>>
    tpu.wait_indirect_dma semaphore(%arg23 : memref<!tpu.dma_semaphore, #tpu.memory_space<semaphore_mem>>) src(%dma_wait3A_46 : memref<10000x128xf32, #tpu.memory_space<hbm>>) dst(%arg19 : memref<80x128xf32, #tpu.memory_space<vmem>>)
    %scan3A_47 = arith.constant 0 : i32
    %scan3A_48 = arith.constant 40 : i32
    %scan3A_49 = arith.addi %scan3A_47, %scan3A_48 : i32
    %scan3A_50 = arith.constant 1 : i32
    scf.for %scan3A_59 = %scan3A_47 to %scan3A_49 step %scan3A_50  : i32 {
      %mul3A_60 = arith.constant 2 : i32
      %mul3A_61 = arith.muli %scan3A_59, %mul3A_60 : i32
      %add3A_62 = arith.constant 0 : i32
      %add3A_63 = arith.addi %add3A_62, %mul3A_61 : i32
      %add3A_64 = arith.constant 0 : i32
      %add3A_65 = arith.addi %add3A_63, %add3A_64 : i32
      %get3A = arith.index_cast %add3A_65 : i32 to index
      %get3A_66 = arith.constant 0 : index
      %get3A_67 = tpu.vector_load %arg10[%get3A, %get3A_66] {strides = array<i32>} : memref<80x128xf32, #tpu.memory_space<vmem>>, vector<1x16xf32>,
      %get3A_68 = vector.shape_cast %get3A_67 : vector<1x16xf32> to vector<16xf32>
      %add3A_69 = arith.constant 0 : i32
      %add3A_70 = arith.addi %add3A_63, %add3A_69 : i32
      %get3A_71 = arith.index_cast %add3A_70 : i32 to index
      %get3A_72 = arith.constant 0 : index
      %get3A_73 = tpu.vector_load %arg19[%get3A_71, %get3A_72] {strides = array<i32>} : memref<80x128xf32, #tpu.memory_space<vmem>>, vector<1x16xf32>,
      %get3A_74 = vector.shape_cast %get3A_73 : vector<1x16xf32> to vector<16xf32>
      %add3A_75 = arith.addf %get3A_68, %get3A_74 : vector<16xf32>
      %max3A = arith.constant 0.000000e+00 : f32
      %max3A_76 = vector.broadcast %max3A : f32 to vector<16xf32>
      %max3A_77 = arith.maximumf %add3A_75, %max3A_76 : vector<16xf32>
      %add3A_78 = arith.constant 0 : i32
      %add3A_79 = arith.addi %add3A_63, %add3A_78 : i32
      %swap3A = arith.index_cast %add3A_79 : i32 to index
      %swap3A_80 = arith.constant 0 : index
      %swap3A_81 = tpu.vector_load %arg10[%swap3A, %swap3A_80] {strides = array<i32>} : memref<80x128xf32, #tpu.memory_space<vmem>>, vector<1x16xf32>,
      %swap3A_82 = vector.shape_cast %swap3A_81 : vector<1x16xf32> to vector<16xf32>
      %swap3A_83 = vector.shape_cast %max3A_77 : vector<16xf32> to vector<1x16xf32>
      tpu.vector_store %arg10[%swap3A, %swap3A_80], %swap3A_83 {strides = array<i32>} : memref<80x128xf32, #tpu.memory_space<vmem>>, vector<1x16xf32>,
      %add3A_84 = arith.constant 0 : i32
      %add3A_85 = arith.addi %add3A_63, %add3A_84 : i32
      %get3A_86 = arith.index_cast %add3A_85 : i32 to index
      %get3A_87 = arith.constant 16 : index
      %get3A_88 = tpu.vector_load %arg10[%get3A_86, %get3A_87] {strides = array<i32>} : memref<80x128xf32, #tpu.memory_space<vmem>>, vector<1x16xf32>,
      %get3A_89 = vector.shape_cast %get3A_88 : vector<1x16xf32> to vector<16xf32>
      %add3A_90 = arith.constant 0 : i32
      %add3A_91 = arith.addi %add3A_63, %add3A_90 : i32
      %get3A_92 = arith.index_cast %add3A_91 : i32 to index
      %get3A_93 = arith.constant 16 : index
      %get3A_94 = tpu.vector_load %arg19[%get3A_92, %get3A_93] {strides = array<i32>} : memref<80x128xf32, #tpu.memory_space<vmem>>, vector<1x16xf32>,
      %get3A_95 = vector.shape_cast %get3A_94 : vector<1x16xf32> to vector<16xf32>
      %add3A_96 = arith.addf %get3A_89, %get3A_95 : vector<16xf32>
      %max3A_97 = arith.constant 0.000000e+00 : f32
      %max3A_98 = vector.broadcast %max3A_97 : f32 to vector<16xf32>
      %max3A_99 = arith.maximumf %add3A_96, %max3A_98 : vector<16xf32>
      %add3A_100 = arith.constant 0 : i32
      %add3A_101 = arith.addi %add3A_63, %add3A_100 : i32
      %swap3A_102 = arith.index_cast %add3A_101 : i32 to index
      %swap3A_103 = arith.constant 16 : index
      %swap3A_104 = tpu.vector_load %arg10[%swap3A_102, %swap3A_103] {strides = array<i32>} : memref<80x128xf32, #tpu.memory_space<vmem>>, vector<1x16xf32>,
      %swap3A_105 = vector.shape_cast %swap3A_104 : vector<1x16xf32> to vector<16xf32>
      %swap3A_106 = vector.shape_cast %max3A_99 : vector<16xf32> to vector<1x16xf32>
      tpu.vector_store %arg10[%swap3A_102, %swap3A_103], %swap3A_106 {strides = array<i32>} : memref<80x128xf32, #tpu.memory_space<vmem>>, vector<1x16xf32>,
      %add3A_107 = arith.constant 0 : i32
      %add3A_108 = arith.addi %add3A_63, %add3A_107 : i32
      %get3A_109 = arith.index_cast %add3A_108 : i32 to index
      %get3A_110 = arith.constant 32 : index
      %get3A_111 = tpu.vector_load %arg10[%get3A_109, %get3A_110] {strides = array<i32>} : memref<80x128xf32, #tpu.memory_space<vmem>>, vector<1x16xf32>,
      %get3A_112 = vector.shape_cast %get3A_111 : vector<1x16xf32> to vector<16xf32>
      %add3A_113 = arith.constant 0 : i32
      %add3A_114 = arith.addi %add3A_63, %add3A_113 : i32
      %get3A_115 = arith.index_cast %add3A_114 : i32 to index
      %get3A_116 = arith.constant 32 : index
      %get3A_117 = tpu.vector_load %arg19[%get3A_115, %get3A_116] {strides = array<i32>} : memref<80x128xf32, #tpu.memory_space<vmem>>, vector<1x16xf32>,
      %get3A_118 = vector.shape_cast %get3A_117 : vector<1x16xf32> to vector<16xf32>
      %add3A_119 = arith.addf %get3A_112, %get3A_118 : vector<16xf32>
      %max3A_120 = arith.constant 0.000000e+00 : f32
      %max3A_121 = vector.broadcast %max3A_120 : f32 to vector<16xf32>
      %max3A_122 = arith.maximumf %add3A_119, %max3A_121 : vector<16xf32>
      %add3A_123 = arith.constant 0 : i32
      %add3A_124 = arith.addi %add3A_63, %add3A_123 : i32
      %swap3A_125 = arith.index_cast %add3A_124 : i32 to index
      %swap3A_126 = arith.constant 32 : index
      %swap3A_127 = tpu.vector_load %arg10[%swap3A_125, %swap3A_126] {strides = array<i32>} : memref<80x128xf32, #tpu.memory_space<vmem>>, vector<1x16xf32>,
      %swap3A_128 = vector.shape_cast %swap3A_127 : vector<1x16xf32> to vector<16xf32>
      %swap3A_129 = vector.shape_cast %max3A_122 : vector<16xf32> to vector<1x16xf32>
      tpu.vector_store %arg10[%swap3A_125, %swap3A_126], %swap3A_129 {strides = array<i32>} : memref<80x128xf32, #tpu.memory_space<vmem>>, vector<1x16xf32>,
      %add3A_130 = arith.constant 0 : i32
      %add3A_131 = arith.addi %add3A_63, %add3A_130 : i32
      %get3A_132 = arith.index_cast %add3A_131 : i32 to index
      %get3A_133 = arith.constant 48 : index
      %get3A_134 = tpu.vector_load %arg10[%get3A_132, %get3A_133] {strides = array<i32>} : memref<80x128xf32, #tpu.memory_space<vmem>>, vector<1x16xf32>,
      %get3A_135 = vector.shape_cast %get3A_134 : vector<1x16xf32> to vector<16xf32>
      %add3A_136 = arith.constant 0 : i32
      %add3A_137 = arith.addi %add3A_63, %add3A_136 : i32
      %get3A_138 = arith.index_cast %add3A_137 : i32 to index
      %get3A_139 = arith.constant 48 : index
      %get3A_140 = tpu.vector_load %arg19[%get3A_138, %get3A_139] {strides = array<i32>} : memref<80x128xf32, #tpu.memory_space<vmem>>, vector<1x16xf32>,
      %get3A_141 = vector.shape_cast %get3A_140 : vector<1x16xf32> to vector<16xf32>
      %add3A_142 = arith.addf %get3A_135, %get3A_141 : vector<16xf32>
      %max3A_143 = arith.constant 0.000000e+00 : f32
      %max3A_144 = vector.broadcast %max3A_143 : f32 to vector<16xf32>
      %max3A_145 = arith.maximumf %add3A_142, %max3A_144 : vector<16xf32>
      %add3A_146 = arith.constant 0 : i32
      %add3A_147 = arith.addi %add3A_63, %add3A_146 : i32
      %swap3A_148 = arith.index_cast %add3A_147 : i32 to index
      %swap3A_149 = arith.constant 48 : index
      %swap3A_150 = tpu.vector_load %arg10[%swap3A_148, %swap3A_149] {strides = array<i32>} : memref<80x128xf32, #tpu.memory_space<vmem>>, vector<1x16xf32>,
      %swap3A_151 = vector.shape_cast %swap3A_150 : vector<1x16xf32> to vector<16xf32>
      %swap3A_152 = vector.shape_cast %max3A_145 : vector<16xf32> to vector<1x16xf32>
      tpu.vector_store %arg10[%swap3A_148, %swap3A_149], %swap3A_152 {strides = array<i32>} : memref<80x128xf32, #tpu.memory_space<vmem>>, vector<1x16xf32>,
      %add3A_153 = arith.constant 0 : i32
      %add3A_154 = arith.addi %add3A_63, %add3A_153 : i32
      %get3A_155 = arith.index_cast %add3A_154 : i32 to index
      %get3A_156 = arith.constant 64 : index
      %get3A_157 = tpu.vector_load %arg10[%get3A_155, %get3A_156] {strides = array<i32>} : memref<80x128xf32, #tpu.memory_space<vmem>>, vector<1x16xf32>,
      %get3A_158 = vector.shape_cast %get3A_157 : vector<1x16xf32> to vector<16xf32>
      %add3A_159 = arith.constant 0 : i32
      %add3A_160 = arith.addi %add3A_63, %add3A_159 : i32
      %get3A_161 = arith.index_cast %add3A_160 : i32 to index
      %get3A_162 = arith.constant 64 : index
      %get3A_163 = tpu.vector_load %arg19[%get3A_161, %get3A_162] {strides = array<i32>} : memref<80x128xf32, #tpu.memory_space<vmem>>, vector<1x16xf32>,
      %get3A_164 = vector.shape_cast %get3A_163 : vector<1x16xf32> to vector<16xf32>
      %add3A_165 = arith.addf %get3A_158, %get3A_164 : vector<16xf32>
      %max3A_166 = arith.constant 0.000000e+00 : f32
      %max3A_167 = vector.broadcast %max3A_166 : f32 to vector<16xf32>
      %max3A_168 = arith.maximumf %add3A_165, %max3A_167 : vector<16xf32>
      %add3A_169 = arith.constant 0 : i32
      %add3A_170 = arith.addi %add3A_63, %add3A_169 : i32
      %swap3A_171 = arith.index_cast %add3A_170 : i32 to index
      %swap3A_172 = arith.constant 64 : index
      %swap3A_173 = tpu.vector_load %arg10[%swap3A_171, %swap3A_172] {strides = array<i32>} : memref<80x128xf32, #tpu.memory_space<vmem>>, vector<1x16xf32>,
      %swap3A_174 = vector.shape_cast %swap3A_173 : vector<1x16xf32> to vector<16xf32>
      %swap3A_175 = vector.shape_cast %max3A_168 : vector<16xf32> to vector<1x16xf32>
      tpu.vector_store %arg10[%swap3A_171, %swap3A_172], %swap3A_175 {strides = array<i32>} : memref<80x128xf32, #tpu.memory_space<vmem>>, vector<1x16xf32>,
      %add3A_176 = arith.constant 0 : i32
      %add3A_177 = arith.addi %add3A_63, %add3A_176 : i32
      %get3A_178 = arith.index_cast %add3A_177 : i32 to index
      %get3A_179 = arith.constant 80 : index
      %get3A_180 = tpu.vector_load %arg10[%get3A_178, %get3A_179] {strides = array<i32>} : memref<80x128xf32, #tpu.memory_space<vmem>>, vector<1x16xf32>,
      %get3A_181 = vector.shape_cast %get3A_180 : vector<1x16xf32> to vector<16xf32>
      %add3A_182 = arith.constant 0 : i32
      %add3A_183 = arith.addi %add3A_63, %add3A_182 : i32
      %get3A_184 = arith.index_cast %add3A_183 : i32 to index
      %get3A_185 = arith.constant 80 : index
      %get3A_186 = tpu.vector_load %arg19[%get3A_184, %get3A_185] {strides = array<i32>} : memref<80x128xf32, #tpu.memory_space<vmem>>, vector<1x16xf32>,
      %get3A_187 = vector.shape_cast %get3A_186 : vector<1x16xf32> to vector<16xf32>
      %add3A_188 = arith.addf %get3A_181, %get3A_187 : vector<16xf32>
      %max3A_189 = arith.constant 0.000000e+00 : f32
      %max3A_190 = vector.broadcast %max3A_189 : f32 to vector<16xf32>
      %max3A_191 = arith.maximumf %add3A_188, %max3A_190 : vector<16xf32>
      %add3A_192 = arith.constant 0 : i32
      %add3A_193 = arith.addi %add3A_63, %add3A_192 : i32
      %swap3A_194 = arith.index_cast %add3A_193 : i32 to index
      %swap3A_195 = arith.constant 80 : index
      %swap3A_196 = tpu.vector_load %arg10[%swap3A_194, %swap3A_195] {strides = array<i32>} : memref<80x128xf32, #tpu.memory_space<vmem>>, vector<1x16xf32>,
      %swap3A_197 = vector.shape_cast %swap3A_196 : vector<1x16xf32> to vector<16xf32>
      %swap3A_198 = vector.shape_cast %max3A_191 : vector<16xf32> to vector<1x16xf32>
      tpu.vector_store %arg10[%swap3A_194, %swap3A_195], %swap3A_198 {strides = array<i32>} : memref<80x128xf32, #tpu.memory_space<vmem>>, vector<1x16xf32>,
      %add3A_199 = arith.constant 0 : i32
      %add3A_200 = arith.addi %add3A_63, %add3A_199 : i32
      %get3A_201 = arith.index_cast %add3A_200 : i32 to index
      %get3A_202 = arith.constant 96 : index
      %get3A_203 = tpu.vector_load %arg10[%get3A_201, %get3A_202] {strides = array<i32>} : memref<80x128xf32, #tpu.memory_space<vmem>>, vector<1x16xf32>,
      %get3A_204 = vector.shape_cast %get3A_203 : vector<1x16xf32> to vector<16xf32>
      %add3A_205 = arith.constant 0 : i32
      %add3A_206 = arith.addi %add3A_63, %add3A_205 : i32
      %get3A_207 = arith.index_cast %add3A_206 : i32 to index
      %get3A_208 = arith.constant 96 : index
      %get3A_209 = tpu.vector_load %arg19[%get3A_207, %get3A_208] {strides = array<i32>} : memref<80x128xf32, #tpu.memory_space<vmem>>, vector<1x16xf32>,
      %get3A_210 = vector.shape_cast %get3A_209 : vector<1x16xf32> to vector<16xf32>
      %add3A_211 = arith.addf %get3A_204, %get3A_210 : vector<16xf32>
      %max3A_212 = arith.constant 0.000000e+00 : f32
      %max3A_213 = vector.broadcast %max3A_212 : f32 to vector<16xf32>
      %max3A_214 = arith.maximumf %add3A_211, %max3A_213 : vector<16xf32>
      %add3A_215 = arith.constant 0 : i32
      %add3A_216 = arith.addi %add3A_63, %add3A_215 : i32
      %swap3A_217 = arith.index_cast %add3A_216 : i32 to index
      %swap3A_218 = arith.constant 96 : index
      %swap3A_219 = tpu.vector_load %arg10[%swap3A_217, %swap3A_218] {strides = array<i32>} : memref<80x128xf32, #tpu.memory_space<vmem>>, vector<1x16xf32>,
      %swap3A_220 = vector.shape_cast %swap3A_219 : vector<1x16xf32> to vector<16xf32>
      %swap3A_221 = vector.shape_cast %max3A_214 : vector<16xf32> to vector<1x16xf32>
      tpu.vector_store %arg10[%swap3A_217, %swap3A_218], %swap3A_221 {strides = array<i32>} : memref<80x128xf32, #tpu.memory_space<vmem>>, vector<1x16xf32>,
      %add3A_222 = arith.constant 0 : i32
      %add3A_223 = arith.addi %add3A_63, %add3A_222 : i32
      %get3A_224 = arith.index_cast %add3A_223 : i32 to index
      %get3A_225 = arith.constant 112 : index
      %get3A_226 = tpu.vector_load %arg10[%get3A_224, %get3A_225] {strides = array<i32>} : memref<80x128xf32, #tpu.memory_space<vmem>>, vector<1x16xf32>,
      %get3A_227 = vector.shape_cast %get3A_226 : vector<1x16xf32> to vector<16xf32>
      %add3A_228 = arith.constant 0 : i32
      %add3A_229 = arith.addi %add3A_63, %add3A_228 : i32
      %get3A_230 = arith.index_cast %add3A_229 : i32 to index
      %get3A_231 = arith.constant 112 : index
      %get3A_232 = tpu.vector_load %arg19[%get3A_230, %get3A_231] {strides = array<i32>} : memref<80x128xf32, #tpu.memory_space<vmem>>, vector<1x16xf32>,
      %get3A_233 = vector.shape_cast %get3A_232 : vector<1x16xf32> to vector<16xf32>
      %add3A_234 = arith.addf %get3A_227, %get3A_233 : vector<16xf32>
      %max3A_235 = arith.constant 0.000000e+00 : f32
      %max3A_236 = vector.broadcast %max3A_235 : f32 to vector<16xf32>
      %max3A_237 = arith.maximumf %add3A_234, %max3A_236 : vector<16xf32>
      %add3A_238 = arith.constant 0 : i32
      %add3A_239 = arith.addi %add3A_63, %add3A_238 : i32
      %swap3A_240 = arith.index_cast %add3A_239 : i32 to index
      %swap3A_241 = arith.constant 112 : index
      %swap3A_242 = tpu.vector_load %arg10[%swap3A_240, %swap3A_241] {strides = array<i32>} : memref<80x128xf32, #tpu.memory_space<vmem>>, vector<1x16xf32>,
      %swap3A_243 = vector.shape_cast %swap3A_242 : vector<1x16xf32> to vector<16xf32>
      %swap3A_244 = vector.shape_cast %max3A_237 : vector<16xf32> to vector<1x16xf32>
      tpu.vector_store %arg10[%swap3A_240, %swap3A_241], %swap3A_244 {strides = array<i32>} : memref<80x128xf32, #tpu.memory_space<vmem>>, vector<1x16xf32>,
      %add3A_245 = arith.constant 1 : i32
      %add3A_246 = arith.addi %add3A_63, %add3A_245 : i32
      %get3A_247 = arith.index_cast %add3A_246 : i32 to index
      %get3A_248 = arith.constant 0 : index
      %get3A_249 = tpu.vector_load %arg10[%get3A_247, %get3A_248] {strides = array<i32>} : memref<80x128xf32, #tpu.memory_space<vmem>>, vector<1x16xf32>,
      %get3A_250 = vector.shape_cast %get3A_249 : vector<1x16xf32> to vector<16xf32>
      %add3A_251 = arith.constant 1 : i32
      %add3A_252 = arith.addi %add3A_63, %add3A_251 : i32
      %get3A_253 = arith.index_cast %add3A_252 : i32 to index
      %get3A_254 = arith.constant 0 : index
      %get3A_255 = tpu.vector_load %arg19[%get3A_253, %get3A_254] {strides = array<i32>} : memref<80x128xf32, #tpu.memory_space<vmem>>, vector<1x16xf32>,
      %get3A_256 = vector.shape_cast %get3A_255 : vector<1x16xf32> to vector<16xf32>
      %add3A_257 = arith.addf %get3A_250, %get3A_256 : vector<16xf32>
      %max3A_258 = arith.constant 0.000000e+00 : f32
      %max3A_259 = vector.broadcast %max3A_258 : f32 to vector<16xf32>
      %max3A_260 = arith.maximumf %add3A_257, %max3A_259 : vector<16xf32>
      %add3A_261 = arith.constant 1 : i32
      %add3A_262 = arith.addi %add3A_63, %add3A_261 : i32
      %swap3A_263 = arith.index_cast %add3A_262 : i32 to index
      %swap3A_264 = arith.constant 0 : index
      %swap3A_265 = tpu.vector_load %arg10[%swap3A_263, %swap3A_264] {strides = array<i32>} : memref<80x128xf32, #tpu.memory_space<vmem>>, vector<1x16xf32>,
      %swap3A_266 = vector.shape_cast %swap3A_265 : vector<1x16xf32> to vector<16xf32>
      %swap3A_267 = vector.shape_cast %max3A_260 : vector<16xf32> to vector<1x16xf32>
      tpu.vector_store %arg10[%swap3A_263, %swap3A_264], %swap3A_267 {strides = array<i32>} : memref<80x128xf32, #tpu.memory_space<vmem>>, vector<1x16xf32>,
      %add3A_268 = arith.constant 1 : i32
      %add3A_269 = arith.addi %add3A_63, %add3A_268 : i32
      %get3A_270 = arith.index_cast %add3A_269 : i32 to index
      %get3A_271 = arith.constant 16 : index
      %get3A_272 = tpu.vector_load %arg10[%get3A_270, %get3A_271] {strides = array<i32>} : memref<80x128xf32, #tpu.memory_space<vmem>>, vector<1x16xf32>,
      %get3A_273 = vector.shape_cast %get3A_272 : vector<1x16xf32> to vector<16xf32>
      %add3A_274 = arith.constant 1 : i32
      %add3A_275 = arith.addi %add3A_63, %add3A_274 : i32
      %get3A_276 = arith.index_cast %add3A_275 : i32 to index
      %get3A_277 = arith.constant 16 : index
      %get3A_278 = tpu.vector_load %arg19[%get3A_276, %get3A_277] {strides = array<i32>} : memref<80x128xf32, #tpu.memory_space<vmem>>, vector<1x16xf32>,
      %get3A_279 = vector.shape_cast %get3A_278 : vector<1x16xf32> to vector<16xf32>
      %add3A_280 = arith.addf %get3A_273, %get3A_279 : vector<16xf32>
      %max3A_281 = arith.constant 0.000000e+00 : f32
      %max3A_282 = vector.broadcast %max3A_281 : f32 to vector<16xf32>
      %max3A_283 = arith.maximumf %add3A_280, %max3A_282 : vector<16xf32>
      %add3A_284 = arith.constant 1 : i32
      %add3A_285 = arith.addi %add3A_63, %add3A_284 : i32
      %swap3A_286 = arith.index_cast %add3A_285 : i32 to index
      %swap3A_287 = arith.constant 16 : index
      %swap3A_288 = tpu.vector_load %arg10[%swap3A_286, %swap3A_287] {strides = array<i32>} : memref<80x128xf32, #tpu.memory_space<vmem>>, vector<1x16xf32>,
      %swap3A_289 = vector.shape_cast %swap3A_288 : vector<1x16xf32> to vector<16xf32>
      %swap3A_290 = vector.shape_cast %max3A_283 : vector<16xf32> to vector<1x16xf32>
      tpu.vector_store %arg10[%swap3A_286, %swap3A_287], %swap3A_290 {strides = array<i32>} : memref<80x128xf32, #tpu.memory_space<vmem>>, vector<1x16xf32>,
      %add3A_291 = arith.constant 1 : i32
      %add3A_292 = arith.addi %add3A_63, %add3A_291 : i32
      %get3A_293 = arith.index_cast %add3A_292 : i32 to index
      %get3A_294 = arith.constant 32 : index
      %get3A_295 = tpu.vector_load %arg10[%get3A_293, %get3A_294] {strides = array<i32>} : memref<80x128xf32, #tpu.memory_space<vmem>>, vector<1x16xf32>,
      %get3A_296 = vector.shape_cast %get3A_295 : vector<1x16xf32> to vector<16xf32>
      %add3A_297 = arith.constant 1 : i32
      %add3A_298 = arith.addi %add3A_63, %add3A_297 : i32
      %get3A_299 = arith.index_cast %add3A_298 : i32 to index
      %get3A_300 = arith.constant 32 : index
      %get3A_301 = tpu.vector_load %arg19[%get3A_299, %get3A_300] {strides = array<i32>} : memref<80x128xf32, #tpu.memory_space<vmem>>, vector<1x16xf32>,
      %get3A_302 = vector.shape_cast %get3A_301 : vector<1x16xf32> to vector<16xf32>
      %add3A_303 = arith.addf %get3A_296, %get3A_302 : vector<16xf32>
      %max3A_304 = arith.constant 0.000000e+00 : f32
      %max3A_305 = vector.broadcast %max3A_304 : f32 to vector<16xf32>
      %max3A_306 = arith.maximumf %add3A_303, %max3A_305 : vector<16xf32>
      %add3A_307 = arith.constant 1 : i32
      %add3A_308 = arith.addi %add3A_63, %add3A_307 : i32
      %swap3A_309 = arith.index_cast %add3A_308 : i32 to index
      %swap3A_310 = arith.constant 32 : index
      %swap3A_311 = tpu.vector_load %arg10[%swap3A_309, %swap3A_310] {strides = array<i32>} : memref<80x128xf32, #tpu.memory_space<vmem>>, vector<1x16xf32>,
      %swap3A_312 = vector.shape_cast %swap3A_311 : vector<1x16xf32> to vector<16xf32>
      %swap3A_313 = vector.shape_cast %max3A_306 : vector<16xf32> to vector<1x16xf32>
      tpu.vector_store %arg10[%swap3A_309, %swap3A_310], %swap3A_313 {strides = array<i32>} : memref<80x128xf32, #tpu.memory_space<vmem>>, vector<1x16xf32>,
      %add3A_314 = arith.constant 1 : i32
      %add3A_315 = arith.addi %add3A_63, %add3A_314 : i32
      %get3A_316 = arith.index_cast %add3A_315 : i32 to index
      %get3A_317 = arith.constant 48 : index
      %get3A_318 = tpu.vector_load %arg10[%get3A_316, %get3A_317] {strides = array<i32>} : memref<80x128xf32, #tpu.memory_space<vmem>>, vector<1x16xf32>,
      %get3A_319 = vector.shape_cast %get3A_318 : vector<1x16xf32> to vector<16xf32>
      %add3A_320 = arith.constant 1 : i32
      %add3A_321 = arith.addi %add3A_63, %add3A_320 : i32
      %get3A_322 = arith.index_cast %add3A_321 : i32 to index
      %get3A_323 = arith.constant 48 : index
      %get3A_324 = tpu.vector_load %arg19[%get3A_322, %get3A_323] {strides = array<i32>} : memref<80x128xf32, #tpu.memory_space<vmem>>, vector<1x16xf32>,
      %get3A_325 = vector.shape_cast %get3A_324 : vector<1x16xf32> to vector<16xf32>
      %add3A_326 = arith.addf %get3A_319, %get3A_325 : vector<16xf32>
      %max3A_327 = arith.constant 0.000000e+00 : f32
      %max3A_328 = vector.broadcast %max3A_327 : f32 to vector<16xf32>
      %max3A_329 = arith.maximumf %add3A_326, %max3A_328 : vector<16xf32>
      %add3A_330 = arith.constant 1 : i32
      %add3A_331 = arith.addi %add3A_63, %add3A_330 : i32
      %swap3A_332 = arith.index_cast %add3A_331 : i32 to index
      %swap3A_333 = arith.constant 48 : index
      %swap3A_334 = tpu.vector_load %arg10[%swap3A_332, %swap3A_333] {strides = array<i32>} : memref<80x128xf32, #tpu.memory_space<vmem>>, vector<1x16xf32>,
      %swap3A_335 = vector.shape_cast %swap3A_334 : vector<1x16xf32> to vector<16xf32>
      %swap3A_336 = vector.shape_cast %max3A_329 : vector<16xf32> to vector<1x16xf32>
      tpu.vector_store %arg10[%swap3A_332, %swap3A_333], %swap3A_336 {strides = array<i32>} : memref<80x128xf32, #tpu.memory_space<vmem>>, vector<1x16xf32>,
      %add3A_337 = arith.constant 1 : i32
      %add3A_338 = arith.addi %add3A_63, %add3A_337 : i32
      %get3A_339 = arith.index_cast %add3A_338 : i32 to index
      %get3A_340 = arith.constant 64 : index
      %get3A_341 = tpu.vector_load %arg10[%get3A_339, %get3A_340] {strides = array<i32>} : memref<80x128xf32, #tpu.memory_space<vmem>>, vector<1x16xf32>,
      %get3A_342 = vector.shape_cast %get3A_341 : vector<1x16xf32> to vector<16xf32>
      %add3A_343 = arith.constant 1 : i32
      %add3A_344 = arith.addi %add3A_63, %add3A_343 : i32
      %get3A_345 = arith.index_cast %add3A_344 : i32 to index
      %get3A_346 = arith.constant 64 : index
      %get3A_347 = tpu.vector_load %arg19[%get3A_345, %get3A_346] {strides = array<i32>} : memref<80x128xf32, #tpu.memory_space<vmem>>, vector<1x16xf32>,
      %get3A_348 = vector.shape_cast %get3A_347 : vector<1x16xf32> to vector<16xf32>
      %add3A_349 = arith.addf %get3A_342, %get3A_348 : vector<16xf32>
      %max3A_350 = arith.constant 0.000000e+00 : f32
      %max3A_351 = vector.broadcast %max3A_350 : f32 to vector<16xf32>
      %max3A_352 = arith.maximumf %add3A_349, %max3A_351 : vector<16xf32>
      %add3A_353 = arith.constant 1 : i32
      %add3A_354 = arith.addi %add3A_63, %add3A_353 : i32
      %swap3A_355 = arith.index_cast %add3A_354 : i32 to index
      %swap3A_356 = arith.constant 64 : index
      %swap3A_357 = tpu.vector_load %arg10[%swap3A_355, %swap3A_356] {strides = array<i32>} : memref<80x128xf32, #tpu.memory_space<vmem>>, vector<1x16xf32>,
      %swap3A_358 = vector.shape_cast %swap3A_357 : vector<1x16xf32> to vector<16xf32>
      %swap3A_359 = vector.shape_cast %max3A_352 : vector<16xf32> to vector<1x16xf32>
      tpu.vector_store %arg10[%swap3A_355, %swap3A_356], %swap3A_359 {strides = array<i32>} : memref<80x128xf32, #tpu.memory_space<vmem>>, vector<1x16xf32>,
      %add3A_360 = arith.constant 1 : i32
      %add3A_361 = arith.addi %add3A_63, %add3A_360 : i32
      %get3A_362 = arith.index_cast %add3A_361 : i32 to index
      %get3A_363 = arith.constant 80 : index
      %get3A_364 = tpu.vector_load %arg10[%get3A_362, %get3A_363] {strides = array<i32>} : memref<80x128xf32, #tpu.memory_space<vmem>>, vector<1x16xf32>,
      %get3A_365 = vector.shape_cast %get3A_364 : vector<1x16xf32> to vector<16xf32>
      %add3A_366 = arith.constant 1 : i32
      %add3A_367 = arith.addi %add3A_63, %add3A_366 : i32
      %get3A_368 = arith.index_cast %add3A_367 : i32 to index
      %get3A_369 = arith.constant 80 : index
      %get3A_370 = tpu.vector_load %arg19[%get3A_368, %get3A_369] {strides = array<i32>} : memref<80x128xf32, #tpu.memory_space<vmem>>, vector<1x16xf32>,
      %get3A_371 = vector.shape_cast %get3A_370 : vector<1x16xf32> to vector<16xf32>
      %add3A_372 = arith.addf %get3A_365, %get3A_371 : vector<16xf32>
      %max3A_373 = arith.constant 0.000000e+00 : f32
      %max3A_374 = vector.broadcast %max3A_373 : f32 to vector<16xf32>
      %max3A_375 = arith.maximumf %add3A_372, %max3A_374 : vector<16xf32>
      %add3A_376 = arith.constant 1 : i32
      %add3A_377 = arith.addi %add3A_63, %add3A_376 : i32
      %swap3A_378 = arith.index_cast %add3A_377 : i32 to index
      %swap3A_379 = arith.constant 80 : index
      %swap3A_380 = tpu.vector_load %arg10[%swap3A_378, %swap3A_379] {strides = array<i32>} : memref<80x128xf32, #tpu.memory_space<vmem>>, vector<1x16xf32>,
      %swap3A_381 = vector.shape_cast %swap3A_380 : vector<1x16xf32> to vector<16xf32>
      %swap3A_382 = vector.shape_cast %max3A_375 : vector<16xf32> to vector<1x16xf32>
      tpu.vector_store %arg10[%swap3A_378, %swap3A_379], %swap3A_382 {strides = array<i32>} : memref<80x128xf32, #tpu.memory_space<vmem>>, vector<1x16xf32>,
      %add3A_383 = arith.constant 1 : i32
      %add3A_384 = arith.addi %add3A_63, %add3A_383 : i32
      %get3A_385 = arith.index_cast %add3A_384 : i32 to index
      %get3A_386 = arith.constant 96 : index
      %get3A_387 = tpu.vector_load %arg10[%get3A_385, %get3A_386] {strides = array<i32>} : memref<80x128xf32, #tpu.memory_space<vmem>>, vector<1x16xf32>,
      %get3A_388 = vector.shape_cast %get3A_387 : vector<1x16xf32> to vector<16xf32>
      %add3A_389 = arith.constant 1 : i32
      %add3A_390 = arith.addi %add3A_63, %add3A_389 : i32
      %get3A_391 = arith.index_cast %add3A_390 : i32 to index
      %get3A_392 = arith.constant 96 : index
      %get3A_393 = tpu.vector_load %arg19[%get3A_391, %get3A_392] {strides = array<i32>} : memref<80x128xf32, #tpu.memory_space<vmem>>, vector<1x16xf32>,
      %get3A_394 = vector.shape_cast %get3A_393 : vector<1x16xf32> to vector<16xf32>
      %add3A_395 = arith.addf %get3A_388, %get3A_394 : vector<16xf32>
      %max3A_396 = arith.constant 0.000000e+00 : f32
      %max3A_397 = vector.broadcast %max3A_396 : f32 to vector<16xf32>
      %max3A_398 = arith.maximumf %add3A_395, %max3A_397 : vector<16xf32>
      %add3A_399 = arith.constant 1 : i32
      %add3A_400 = arith.addi %add3A_63, %add3A_399 : i32
      %swap3A_401 = arith.index_cast %add3A_400 : i32 to index
      %swap3A_402 = arith.constant 96 : index
      %swap3A_403 = tpu.vector_load %arg10[%swap3A_401, %swap3A_402] {strides = array<i32>} : memref<80x128xf32, #tpu.memory_space<vmem>>, vector<1x16xf32>,
      %swap3A_404 = vector.shape_cast %swap3A_403 : vector<1x16xf32> to vector<16xf32>
      %swap3A_405 = vector.shape_cast %max3A_398 : vector<16xf32> to vector<1x16xf32>
      tpu.vector_store %arg10[%swap3A_401, %swap3A_402], %swap3A_405 {strides = array<i32>} : memref<80x128xf32, #tpu.memory_space<vmem>>, vector<1x16xf32>,
      %add3A_406 = arith.constant 1 : i32
      %add3A_407 = arith.addi %add3A_63, %add3A_406 : i32
      %get3A_408 = arith.index_cast %add3A_407 : i32 to index
      %get3A_409 = arith.constant 112 : index
      %get3A_410 = tpu.vector_load %arg10[%get3A_408, %get3A_409] {strides = array<i32>} : memref<80x128xf32, #tpu.memory_space<vmem>>, vector<1x16xf32>,
      %get3A_411 = vector.shape_cast %get3A_410 : vector<1x16xf32> to vector<16xf32>
      %add3A_412 = arith.constant 1 : i32
      %add3A_413 = arith.addi %add3A_63, %add3A_412 : i32
      %get3A_414 = arith.index_cast %add3A_413 : i32 to index
      %get3A_415 = arith.constant 112 : index
      %get3A_416 = tpu.vector_load %arg19[%get3A_414, %get3A_415] {strides = array<i32>} : memref<80x128xf32, #tpu.memory_space<vmem>>, vector<1x16xf32>,
      %get3A_417 = vector.shape_cast %get3A_416 : vector<1x16xf32> to vector<16xf32>
      %add3A_418 = arith.addf %get3A_411, %get3A_417 : vector<16xf32>
      %max3A_419 = arith.constant 0.000000e+00 : f32
      %max3A_420 = vector.broadcast %max3A_419 : f32 to vector<16xf32>
      %max3A_421 = arith.maximumf %add3A_418, %max3A_420 : vector<16xf32>
      %add3A_422 = arith.constant 1 : i32
      %add3A_423 = arith.addi %add3A_63, %add3A_422 : i32
      %swap3A_424 = arith.index_cast %add3A_423 : i32 to index
      %swap3A_425 = arith.constant 112 : index
      %swap3A_426 = tpu.vector_load %arg10[%swap3A_424, %swap3A_425] {strides = array<i32>} : memref<80x128xf32, #tpu.memory_space<vmem>>, vector<1x16xf32>,
      %swap3A_427 = vector.shape_cast %swap3A_426 : vector<1x16xf32> to vector<16xf32>
      %swap3A_428 = vector.shape_cast %max3A_421 : vector<16xf32> to vector<1x16xf32>
      tpu.vector_store %arg10[%swap3A_424, %swap3A_425], %swap3A_428 {strides = array<i32>} : memref<80x128xf32, #tpu.memory_space<vmem>>, vector<1x16xf32>,
    }
    %scan3A_51 = arith.constant 40 : i32
    "tpu.region"() ({
      %run_scoped3A = tpu.sem_alloc : memref<!tpu.dma_semaphore, #tpu.memory_space<semaphore_mem>>
      %dma_start3A_59 = arith.constant 0 : i32
      %dma_start3A_60 = arith.constant 0 : i32
      %dma_start3A_61 = tpu.memref_slice %arg12[%dma_start3A_59, %dma_start3A_60] : memref<10240x128xf32, #tpu.memory_space<vmem_shared>> -> memref<10240x128xf32, #tpu.memory_space<vmem_shared>>
      tpu.enqueue_indirect_dma source(%arg10 : memref<80x128xf32, #tpu.memory_space<vmem>>) target(%dma_start3A_61 : memref<10240x128xf32, #tpu.memory_space<vmem_shared>>) offsets(%arg8 : memref<80xi32, #tpu.memory_space<vmem>>) semaphore(%run_scoped3A : memref<!tpu.dma_semaphore, #tpu.memory_space<semaphore_mem>>) {add = true}
      %dma_wait3A_62 = arith.constant 0 : i32
      %dma_wait3A_63 = arith.constant 0 : i32
      %dma_wait3A_64 = tpu.memref_slice %arg12[%dma_wait3A_62, %dma_wait3A_63] : memref<10240x128xf32, #tpu.memory_space<vmem_shared>> -> memref<10240x128xf32, #tpu.memory_space<vmem_shared>>
      tpu.wait_indirect_dma semaphore(%run_scoped3A : memref<!tpu.dma_semaphore, #tpu.memory_space<semaphore_mem>>) src(%arg10 : memref<80x128xf32, #tpu.memory_space<vmem>>) dst(%dma_wait3A_64 : memref<10240x128xf32, #tpu.memory_space<vmem_shared>>)
      tpu.yield
    }) : () -> ()
    %barrier3A_52 = arith.constant 0 : index
    tpu.barrier barrier_id(%barrier3A_52)
    %mul3A_53 = arith.constant 624 : i32
    %mul3A_54 = arith.muli %arg1, %mul3A_53 : i32
    %mul3A_55 = arith.constant 624 : i32
    %mul3A_56 = arith.muli %arg1, %mul3A_55 : i32
    "tpu.region"() ({
      %run_scoped3A = tpu.sem_alloc : memref<!tpu.dma_semaphore, #tpu.memory_space<semaphore_mem>>
      %dma_start3A_59 = arith.constant 0 : i32
      %dma_start3A_60 = tpu.memref_slice %arg7[%arg0, %mul3A_56, %dma_start3A_59] : memref<2x10000x128xf32, #tpu.memory_space<hbm>> -> memref<1x624x128xf32, #tpu.memory_space<hbm>>
      %dma_start3A_61 = tpu.memref_squeeze %dma_start3A_60 : memref<1x624x128xf32, #tpu.memory_space<hbm>> -> memref<624x128xf32, #tpu.memory_space<hbm>>
      %dma_start3A_62 = arith.constant 0 : i32
      %dma_start3A_63 = tpu.memref_slice %arg12[%mul3A_54, %dma_start3A_62] : memref<10240x128xf32, #tpu.memory_space<vmem_shared>> -> memref<624x128xf32, #tpu.memory_space<vmem_shared>>
      tpu.enqueue_dma source(%dma_start3A_63 : memref<624x128xf32, #tpu.memory_space<vmem_shared>>) target(%dma_start3A_61 : memref<624x128xf32, #tpu.memory_space<hbm>>) target_semaphore(%run_scoped3A : memref<!tpu.dma_semaphore, #tpu.memory_space<semaphore_mem>>)
      %dma_wait3A_64 = arith.constant 0 : i32
      %dma_wait3A_65 = tpu.memref_slice %arg7[%arg0, %mul3A_56, %dma_wait3A_64] : memref<2x10000x128xf32, #tpu.memory_space<hbm>> -> memref<1x624x128xf32, #tpu.memory_space<hbm>>
      %dma_wait3A_66 = tpu.memref_squeeze %dma_wait3A_65 : memref<1x624x128xf32, #tpu.memory_space<hbm>> -> memref<624x128xf32, #tpu.memory_space<hbm>>
      %dma_wait3A_67 = arith.constant 0 : i32
      %dma_wait3A_68 = tpu.memref_slice %arg12[%mul3A_54, %dma_wait3A_67] : memref<10240x128xf32, #tpu.memory_space<vmem_shared>> -> memref<624x128xf32, #tpu.memory_space<vmem_shared>>
      tpu.wait_dma2 semaphore(%run_scoped3A : memref<!tpu.dma_semaphore, #tpu.memory_space<semaphore_mem>>) src(%dma_wait3A_68 : memref<624x128xf32, #tpu.memory_space<vmem_shared>>) dst(%dma_wait3A_66 : memref<624x128xf32, #tpu.memory_space<hbm>>)
      tpu.yield
    }) : () -> ()
    %eq3A = arith.constant 0 : i32
    %eq3A_57 = arith.cmpi eq, %arg1, %eq3A : i32
    %convert_element_type3A = arith.extui %eq3A_57 : i1 to i32
    %cond3A = arith.constant 0 : i32
    %cond3A_58 = arith.cmpi ne, %convert_element_type3A, %cond3A : i32
    scf.if %cond3A_58 {
      "tpu.region"() ({
        %run_scoped3A = tpu.sem_alloc : memref<!tpu.dma_semaphore, #tpu.memory_space<semaphore_mem>>
        %dma_start3A_59 = arith.constant 9984 : i32
        %dma_start3A_60 = arith.constant 0 : i32
        %dma_start3A_61 = tpu.memref_slice %arg7[%arg0, %dma_start3A_59, %dma_start3A_60] : memref<2x10000x128xf32, #tpu.memory_space<hbm>> -> memref<1x16x128xf32, #tpu.memory_space<hbm>>
        %dma_start3A_62 = tpu.memref_squeeze %dma_start3A_61 : memref<1x16x128xf32, #tpu.memory_space<hbm>> -> memref<16x128xf32, #tpu.memory_space<hbm>>
        %dma_start3A_63 = arith.constant 9984 : i32
        %dma_start3A_64 = arith.constant 0 : i32
        %dma_start3A_65 = tpu.memref_slice %arg12[%dma_start3A_63, %dma_start3A_64] : memref<10240x128xf32, #tpu.memory_space<vmem_shared>> -> memref<16x128xf32, #tpu.memory_space<vmem_shared>>
        tpu.enqueue_dma source(%dma_start3A_65 : memref<16x128xf32, #tpu.memory_space<vmem_shared>>) target(%dma_start3A_62 : memref<16x128xf32, #tpu.memory_space<hbm>>) target_semaphore(%run_scoped3A : memref<!tpu.dma_semaphore, #tpu.memory_space<semaphore_mem>>)
        %dma_wait3A_66 = arith.constant 9984 : i32
        %dma_wait3A_67 = arith.constant 0 : i32
        %dma_wait3A_68 = tpu.memref_slice %arg7[%arg0, %dma_wait3A_66, %dma_wait3A_67] : memref<2x10000x128xf32, #tpu.memory_space<hbm>> -> memref<1x16x128xf32, #tpu.memory_space<hbm>>
        %dma_wait3A_69 = tpu.memref_squeeze %dma_wait3A_68 : memref<1x16x128xf32, #tpu.memory_space<hbm>> -> memref<16x128xf32, #tpu.memory_space<hbm>>
        %dma_wait3A_70 = arith.constant 9984 : i32
        %dma_wait3A_71 = arith.constant 0 : i32
        %dma_wait3A_72 = tpu.memref_slice %arg12[%dma_wait3A_70, %dma_wait3A_71] : memref<10240x128xf32, #tpu.memory_space<vmem_shared>> -> memref<16x128xf32, #tpu.memory_space<vmem_shared>>
        tpu.wait_dma2 semaphore(%run_scoped3A : memref<!tpu.dma_semaphore, #tpu.memory_space<semaphore_mem>>) src(%dma_wait3A_72 : memref<16x128xf32, #tpu.memory_space<vmem_shared>>) dst(%dma_wait3A_69 : memref<16x128xf32, #tpu.memory_space<hbm>>)
        tpu.yield
      }) : () -> ()
    } else {
    }
    return
  }
}

#map = affine_map<(d0, d1) -> (0, 0)>
#map1 = affine_map<(d0, d1) -> (0)>
#map2 = affine_map<(d0, d1) -> (0, 0, 0)>
module attributes {stable_mosaic.version = 14 : i64} {
  func.func @sc_stage(%arg0: i32, %arg1: i32, %arg2: memref<320000x128xf32, #tpu.memory_space<hbm>>, %arg3: memref<320000xi32, #tpu.memory_space<hbm>>, %arg4: memref<640x128xf32, #tpu.memory_space<hbm>>, %arg5: memref<2x10000x128xf32, #tpu.memory_space<hbm>>, %arg6: memref<80xi32, #tpu.memory_space<vmem>>, %arg7: memref<80xi32, #tpu.memory_space<vmem>>, %arg8: memref<80xi32, #tpu.memory_space<vmem>>, %arg9: memref<80xi32, #tpu.memory_space<vmem>>, %arg10: memref<80x128xf32, #tpu.memory_space<vmem>>, %arg11: memref<80x128xf32, #tpu.memory_space<vmem>>, %arg12: memref<80x128xf32, #tpu.memory_space<vmem>>, %arg13: memref<80x128xf32, #tpu.memory_space<vmem>>, %arg14: memref<10240x128xf32, #tpu.memory_space<vmem_shared>>, %arg15: memref<!tpu.dma_semaphore, #tpu.memory_space<semaphore_mem>>, %arg16: memref<!tpu.dma_semaphore, #tpu.memory_space<semaphore_mem>>, %arg17: memref<!tpu.dma_semaphore, #tpu.memory_space<semaphore_mem>>, %arg18: memref<!tpu.dma_semaphore, #tpu.memory_space<semaphore_mem>>, %arg19: memref<!tpu.dma_semaphore, #tpu.memory_space<semaphore_mem>>, %arg20: memref<!tpu.dma_semaphore, #tpu.memory_space<semaphore_mem>>, %arg21: memref<!tpu.dma_semaphore, #tpu.memory_space<semaphore_mem>>, %arg22: memref<!tpu.dma_semaphore, #tpu.memory_space<semaphore_mem>>, %arg23: memref<!tpu.dma_semaphore, #tpu.memory_space<semaphore_mem>>, %arg24: memref<!tpu.dma_semaphore, #tpu.memory_space<semaphore_mem>>, %arg25: memref<!tpu.dma_semaphore, #tpu.memory_space<semaphore_mem>>, %arg26: memref<!tpu.dma_semaphore, #tpu.memory_space<semaphore_mem>>) attributes {dimension_semantics = [#tpu.dimension_semantics<core_parallel>, #tpu.dimension_semantics<subcore_parallel>], iteration_bounds = array<i64: 2, 16>, scalar_prefetch = 0 : i64, scratch_operands = 21 : i64, tpu.core_type = #tpu.core_type<sc_vector_subcore>, window_params = [{transform_indices = #map}, {transform_indices = #map1}, {transform_indices = #map}, {transform_indices = #map2}]} {
    %mul3A = arith.constant 16 : i32
    %mul3A_0 = arith.muli %arg0, %mul3A : i32
    %add3A = arith.addi %mul3A_0, %arg1 : i32
    %mul3A_1 = arith.constant 10000 : i32
    %mul3A_2 = arith.muli %add3A, %mul3A_1 : i32
    %mul3A_3 = arith.constant 640 : i32
    %mul3A_4 = arith.muli %arg1, %mul3A_3 : i32
    "tpu.region"() ({
      %run_scoped3A = tpu.sem_alloc : memref<!tpu.dma_semaphore, #tpu.memory_space<semaphore_mem>>
      %dma_start3A_230 = arith.constant 0 : i32
      %dma_start3A_231 = tpu.memref_slice %arg14[%mul3A_4, %dma_start3A_230] : memref<10240x128xf32, #tpu.memory_space<vmem_shared>> -> memref<640x128xf32, #tpu.memory_space<vmem_shared>>
      tpu.enqueue_dma source(%arg4 : memref<640x128xf32, #tpu.memory_space<hbm>>) target(%dma_start3A_231 : memref<640x128xf32, #tpu.memory_space<vmem_shared>>) target_semaphore(%run_scoped3A : memref<!tpu.dma_semaphore, #tpu.memory_space<semaphore_mem>>)
      %dma_wait3A_232 = arith.constant 0 : i32
      %dma_wait3A_233 = tpu.memref_slice %arg14[%mul3A_4, %dma_wait3A_232] : memref<10240x128xf32, #tpu.memory_space<vmem_shared>> -> memref<640x128xf32, #tpu.memory_space<vmem_shared>>
      tpu.wait_dma2 semaphore(%run_scoped3A : memref<!tpu.dma_semaphore, #tpu.memory_space<semaphore_mem>>) src(%arg4 : memref<640x128xf32, #tpu.memory_space<hbm>>) dst(%dma_wait3A_233 : memref<640x128xf32, #tpu.memory_space<vmem_shared>>)
      tpu.yield
    }) : () -> ()
    %barrier3A = arith.constant 0 : index
    tpu.barrier barrier_id(%barrier3A)
    %add3A_5 = arith.constant 0 : i32
    %add3A_6 = arith.addi %mul3A_2, %add3A_5 : i32
    %dma_start3A = tpu.memref_slice %arg3[%add3A_6] : memref<320000xi32, #tpu.memory_space<hbm>> -> memref<80xi32, #tpu.memory_space<hbm>>
    %dma_start3A_7 = tpu.memref_slice %arg3[%add3A_6] : memref<320000xi32, #tpu.memory_space<hbm>> -> memref<80xi32, #tpu.memory_space<hbm>>
    tpu.enqueue_dma source(%dma_start3A_7 : memref<80xi32, #tpu.memory_space<hbm>>) target(%arg6 : memref<80xi32, #tpu.memory_space<vmem>>) target_semaphore(%arg15 : memref<!tpu.dma_semaphore, #tpu.memory_space<semaphore_mem>>)
    %dma_start3A_8 = arith.constant 0 : i32
    %dma_start3A_9 = tpu.memref_slice %arg2[%add3A_6, %dma_start3A_8] : memref<320000x128xf32, #tpu.memory_space<hbm>> -> memref<80x128xf32, #tpu.memory_space<hbm>>
    %dma_start3A_10 = arith.constant 0 : i32
    %dma_start3A_11 = tpu.memref_slice %arg2[%add3A_6, %dma_start3A_10] : memref<320000x128xf32, #tpu.memory_space<hbm>> -> memref<80x128xf32, #tpu.memory_space<hbm>>
    tpu.enqueue_dma source(%dma_start3A_11 : memref<80x128xf32, #tpu.memory_space<hbm>>) target(%arg10 : memref<80x128xf32, #tpu.memory_space<vmem>>) target_semaphore(%arg19 : memref<!tpu.dma_semaphore, #tpu.memory_space<semaphore_mem>>)
    %add3A_12 = arith.constant 80 : i32
    %add3A_13 = arith.addi %mul3A_2, %add3A_12 : i32
    %dma_start3A_14 = tpu.memref_slice %arg3[%add3A_13] : memref<320000xi32, #tpu.memory_space<hbm>> -> memref<80xi32, #tpu.memory_space<hbm>>
    %dma_start3A_15 = tpu.memref_slice %arg3[%add3A_13] : memref<320000xi32, #tpu.memory_space<hbm>> -> memref<80xi32, #tpu.memory_space<hbm>>
    tpu.enqueue_dma source(%dma_start3A_15 : memref<80xi32, #tpu.memory_space<hbm>>) target(%arg7 : memref<80xi32, #tpu.memory_space<vmem>>) target_semaphore(%arg16 : memref<!tpu.dma_semaphore, #tpu.memory_space<semaphore_mem>>)
    %dma_start3A_16 = arith.constant 0 : i32
    %dma_start3A_17 = tpu.memref_slice %arg2[%add3A_13, %dma_start3A_16] : memref<320000x128xf32, #tpu.memory_space<hbm>> -> memref<80x128xf32, #tpu.memory_space<hbm>>
    %dma_start3A_18 = arith.constant 0 : i32
    %dma_start3A_19 = tpu.memref_slice %arg2[%add3A_13, %dma_start3A_18] : memref<320000x128xf32, #tpu.memory_space<hbm>> -> memref<80x128xf32, #tpu.memory_space<hbm>>
    tpu.enqueue_dma source(%dma_start3A_19 : memref<80x128xf32, #tpu.memory_space<hbm>>) target(%arg11 : memref<80x128xf32, #tpu.memory_space<vmem>>) target_semaphore(%arg20 : memref<!tpu.dma_semaphore, #tpu.memory_space<semaphore_mem>>)
    %dma_wait3A = arith.constant 0 : i32
    %dma_wait3A_20 = tpu.memref_slice %arg3[%dma_wait3A] : memref<320000xi32, #tpu.memory_space<hbm>> -> memref<80xi32, #tpu.memory_space<hbm>>
    %dma_wait3A_21 = arith.constant 0 : i32
    %dma_wait3A_22 = tpu.memref_slice %arg3[%dma_wait3A_21] : memref<320000xi32, #tpu.memory_space<hbm>> -> memref<80xi32, #tpu.memory_space<hbm>>
    tpu.wait_dma2 semaphore(%arg15 : memref<!tpu.dma_semaphore, #tpu.memory_space<semaphore_mem>>) src(%dma_wait3A_22 : memref<80xi32, #tpu.memory_space<hbm>>) dst(%arg6 : memref<80xi32, #tpu.memory_space<vmem>>)
    %dma_wait3A_23 = arith.constant 0 : i32
    %dma_wait3A_24 = arith.constant 0 : i32
    %dma_wait3A_25 = tpu.memref_slice %arg2[%dma_wait3A_23, %dma_wait3A_24] : memref<320000x128xf32, #tpu.memory_space<hbm>> -> memref<80x128xf32, #tpu.memory_space<hbm>>
    %dma_wait3A_26 = arith.constant 0 : i32
    %dma_wait3A_27 = arith.constant 0 : i32
    %dma_wait3A_28 = tpu.memref_slice %arg2[%dma_wait3A_26, %dma_wait3A_27] : memref<320000x128xf32, #tpu.memory_space<hbm>> -> memref<80x128xf32, #tpu.memory_space<hbm>>
    tpu.wait_dma2 semaphore(%arg19 : memref<!tpu.dma_semaphore, #tpu.memory_space<semaphore_mem>>) src(%dma_wait3A_28 : memref<80x128xf32, #tpu.memory_space<hbm>>) dst(%arg10 : memref<80x128xf32, #tpu.memory_space<vmem>>)
    %dma_start3A_29 = arith.constant 0 : i32
    %dma_start3A_30 = arith.constant 0 : i32
    %dma_start3A_31 = tpu.memref_slice %arg14[%dma_start3A_29, %dma_start3A_30] : memref<10240x128xf32, #tpu.memory_space<vmem_shared>> -> memref<10240x128xf32, #tpu.memory_space<vmem_shared>>
    tpu.enqueue_indirect_dma source(%arg10 : memref<80x128xf32, #tpu.memory_space<vmem>>) target(%dma_start3A_31 : memref<10240x128xf32, #tpu.memory_space<vmem_shared>>) offsets(%arg6 : memref<80xi32, #tpu.memory_space<vmem>>) semaphore(%arg23 : memref<!tpu.dma_semaphore, #tpu.memory_space<semaphore_mem>>) {add = true}
    %add3A_32 = arith.constant 160 : i32
    %add3A_33 = arith.addi %mul3A_2, %add3A_32 : i32
    %dma_start3A_34 = tpu.memref_slice %arg3[%add3A_33] : memref<320000xi32, #tpu.memory_space<hbm>> -> memref<80xi32, #tpu.memory_space<hbm>>
    %dma_start3A_35 = tpu.memref_slice %arg3[%add3A_33] : memref<320000xi32, #tpu.memory_space<hbm>> -> memref<80xi32, #tpu.memory_space<hbm>>
    tpu.enqueue_dma source(%dma_start3A_35 : memref<80xi32, #tpu.memory_space<hbm>>) target(%arg8 : memref<80xi32, #tpu.memory_space<vmem>>) target_semaphore(%arg17 : memref<!tpu.dma_semaphore, #tpu.memory_space<semaphore_mem>>)
    %dma_start3A_36 = arith.constant 0 : i32
    %dma_start3A_37 = tpu.memref_slice %arg2[%add3A_33, %dma_start3A_36] : memref<320000x128xf32, #tpu.memory_space<hbm>> -> memref<80x128xf32, #tpu.memory_space<hbm>>
    %dma_start3A_38 = arith.constant 0 : i32
    %dma_start3A_39 = tpu.memref_slice %arg2[%add3A_33, %dma_start3A_38] : memref<320000x128xf32, #tpu.memory_space<hbm>> -> memref<80x128xf32, #tpu.memory_space<hbm>>
    tpu.enqueue_dma source(%dma_start3A_39 : memref<80x128xf32, #tpu.memory_space<hbm>>) target(%arg12 : memref<80x128xf32, #tpu.memory_space<vmem>>) target_semaphore(%arg21 : memref<!tpu.dma_semaphore, #tpu.memory_space<semaphore_mem>>)
    %dma_wait3A_40 = arith.constant 0 : i32
    %dma_wait3A_41 = tpu.memref_slice %arg3[%dma_wait3A_40] : memref<320000xi32, #tpu.memory_space<hbm>> -> memref<80xi32, #tpu.memory_space<hbm>>
    %dma_wait3A_42 = arith.constant 0 : i32
    %dma_wait3A_43 = tpu.memref_slice %arg3[%dma_wait3A_42] : memref<320000xi32, #tpu.memory_space<hbm>> -> memref<80xi32, #tpu.memory_space<hbm>>
    tpu.wait_dma2 semaphore(%arg16 : memref<!tpu.dma_semaphore, #tpu.memory_space<semaphore_mem>>) src(%dma_wait3A_43 : memref<80xi32, #tpu.memory_space<hbm>>) dst(%arg7 : memref<80xi32, #tpu.memory_space<vmem>>)
    %dma_wait3A_44 = arith.constant 0 : i32
    %dma_wait3A_45 = arith.constant 0 : i32
    %dma_wait3A_46 = tpu.memref_slice %arg2[%dma_wait3A_44, %dma_wait3A_45] : memref<320000x128xf32, #tpu.memory_space<hbm>> -> memref<80x128xf32, #tpu.memory_space<hbm>>
    %dma_wait3A_47 = arith.constant 0 : i32
    %dma_wait3A_48 = arith.constant 0 : i32
    %dma_wait3A_49 = tpu.memref_slice %arg2[%dma_wait3A_47, %dma_wait3A_48] : memref<320000x128xf32, #tpu.memory_space<hbm>> -> memref<80x128xf32, #tpu.memory_space<hbm>>
    tpu.wait_dma2 semaphore(%arg20 : memref<!tpu.dma_semaphore, #tpu.memory_space<semaphore_mem>>) src(%dma_wait3A_49 : memref<80x128xf32, #tpu.memory_space<hbm>>) dst(%arg11 : memref<80x128xf32, #tpu.memory_space<vmem>>)
    %dma_start3A_50 = arith.constant 0 : i32
    %dma_start3A_51 = arith.constant 0 : i32
    %dma_start3A_52 = tpu.memref_slice %arg14[%dma_start3A_50, %dma_start3A_51] : memref<10240x128xf32, #tpu.memory_space<vmem_shared>> -> memref<10240x128xf32, #tpu.memory_space<vmem_shared>>
    tpu.enqueue_indirect_dma source(%arg11 : memref<80x128xf32, #tpu.memory_space<vmem>>) target(%dma_start3A_52 : memref<10240x128xf32, #tpu.memory_space<vmem_shared>>) offsets(%arg7 : memref<80xi32, #tpu.memory_space<vmem>>) semaphore(%arg24 : memref<!tpu.dma_semaphore, #tpu.memory_space<semaphore_mem>>) {add = true}
    %add3A_53 = arith.constant 240 : i32
    %add3A_54 = arith.addi %mul3A_2, %add3A_53 : i32
    %dma_start3A_55 = tpu.memref_slice %arg3[%add3A_54] : memref<320000xi32, #tpu.memory_space<hbm>> -> memref<80xi32, #tpu.memory_space<hbm>>
    %dma_start3A_56 = tpu.memref_slice %arg3[%add3A_54] : memref<320000xi32, #tpu.memory_space<hbm>> -> memref<80xi32, #tpu.memory_space<hbm>>
    tpu.enqueue_dma source(%dma_start3A_56 : memref<80xi32, #tpu.memory_space<hbm>>) target(%arg9 : memref<80xi32, #tpu.memory_space<vmem>>) target_semaphore(%arg18 : memref<!tpu.dma_semaphore, #tpu.memory_space<semaphore_mem>>)
    %dma_start3A_57 = arith.constant 0 : i32
    %dma_start3A_58 = tpu.memref_slice %arg2[%add3A_54, %dma_start3A_57] : memref<320000x128xf32, #tpu.memory_space<hbm>> -> memref<80x128xf32, #tpu.memory_space<hbm>>
    %dma_start3A_59 = arith.constant 0 : i32
    %dma_start3A_60 = tpu.memref_slice %arg2[%add3A_54, %dma_start3A_59] : memref<320000x128xf32, #tpu.memory_space<hbm>> -> memref<80x128xf32, #tpu.memory_space<hbm>>
    tpu.enqueue_dma source(%dma_start3A_60 : memref<80x128xf32, #tpu.memory_space<hbm>>) target(%arg13 : memref<80x128xf32, #tpu.memory_space<vmem>>) target_semaphore(%arg22 : memref<!tpu.dma_semaphore, #tpu.memory_space<semaphore_mem>>)
    %dma_wait3A_61 = arith.constant 0 : i32
    %dma_wait3A_62 = tpu.memref_slice %arg3[%dma_wait3A_61] : memref<320000xi32, #tpu.memory_space<hbm>> -> memref<80xi32, #tpu.memory_space<hbm>>
    %dma_wait3A_63 = arith.constant 0 : i32
    %dma_wait3A_64 = tpu.memref_slice %arg3[%dma_wait3A_63] : memref<320000xi32, #tpu.memory_space<hbm>> -> memref<80xi32, #tpu.memory_space<hbm>>
    tpu.wait_dma2 semaphore(%arg17 : memref<!tpu.dma_semaphore, #tpu.memory_space<semaphore_mem>>) src(%dma_wait3A_64 : memref<80xi32, #tpu.memory_space<hbm>>) dst(%arg8 : memref<80xi32, #tpu.memory_space<vmem>>)
    %dma_wait3A_65 = arith.constant 0 : i32
    %dma_wait3A_66 = arith.constant 0 : i32
    %dma_wait3A_67 = tpu.memref_slice %arg2[%dma_wait3A_65, %dma_wait3A_66] : memref<320000x128xf32, #tpu.memory_space<hbm>> -> memref<80x128xf32, #tpu.memory_space<hbm>>
    %dma_wait3A_68 = arith.constant 0 : i32
    %dma_wait3A_69 = arith.constant 0 : i32
    %dma_wait3A_70 = tpu.memref_slice %arg2[%dma_wait3A_68, %dma_wait3A_69] : memref<320000x128xf32, #tpu.memory_space<hbm>> -> memref<80x128xf32, #tpu.memory_space<hbm>>
    tpu.wait_dma2 semaphore(%arg21 : memref<!tpu.dma_semaphore, #tpu.memory_space<semaphore_mem>>) src(%dma_wait3A_70 : memref<80x128xf32, #tpu.memory_space<hbm>>) dst(%arg12 : memref<80x128xf32, #tpu.memory_space<vmem>>)
    %dma_start3A_71 = arith.constant 0 : i32
    %dma_start3A_72 = arith.constant 0 : i32
    %dma_start3A_73 = tpu.memref_slice %arg14[%dma_start3A_71, %dma_start3A_72] : memref<10240x128xf32, #tpu.memory_space<vmem_shared>> -> memref<10240x128xf32, #tpu.memory_space<vmem_shared>>
    tpu.enqueue_indirect_dma source(%arg12 : memref<80x128xf32, #tpu.memory_space<vmem>>) target(%dma_start3A_73 : memref<10240x128xf32, #tpu.memory_space<vmem_shared>>) offsets(%arg8 : memref<80xi32, #tpu.memory_space<vmem>>) semaphore(%arg25 : memref<!tpu.dma_semaphore, #tpu.memory_space<semaphore_mem>>) {add = true}
    %dma_wait3A_74 = arith.constant 0 : i32
    %dma_wait3A_75 = arith.constant 0 : i32
    %dma_wait3A_76 = tpu.memref_slice %arg14[%dma_wait3A_74, %dma_wait3A_75] : memref<10240x128xf32, #tpu.memory_space<vmem_shared>> -> memref<10240x128xf32, #tpu.memory_space<vmem_shared>>
    tpu.wait_indirect_dma semaphore(%arg23 : memref<!tpu.dma_semaphore, #tpu.memory_space<semaphore_mem>>) src(%arg10 : memref<80x128xf32, #tpu.memory_space<vmem>>) dst(%dma_wait3A_76 : memref<10240x128xf32, #tpu.memory_space<vmem_shared>>)
    %add3A_77 = arith.constant 320 : i32
    %add3A_78 = arith.addi %mul3A_2, %add3A_77 : i32
    %dma_start3A_79 = tpu.memref_slice %arg3[%add3A_78] : memref<320000xi32, #tpu.memory_space<hbm>> -> memref<80xi32, #tpu.memory_space<hbm>>
    %dma_start3A_80 = tpu.memref_slice %arg3[%add3A_78] : memref<320000xi32, #tpu.memory_space<hbm>> -> memref<80xi32, #tpu.memory_space<hbm>>
    tpu.enqueue_dma source(%dma_start3A_80 : memref<80xi32, #tpu.memory_space<hbm>>) target(%arg6 : memref<80xi32, #tpu.memory_space<vmem>>) target_semaphore(%arg15 : memref<!tpu.dma_semaphore, #tpu.memory_space<semaphore_mem>>)
    %dma_start3A_81 = arith.constant 0 : i32
    %dma_start3A_82 = tpu.memref_slice %arg2[%add3A_78, %dma_start3A_81] : memref<320000x128xf32, #tpu.memory_space<hbm>> -> memref<80x128xf32, #tpu.memory_space<hbm>>
    %dma_start3A_83 = arith.constant 0 : i32
    %dma_start3A_84 = tpu.memref_slice %arg2[%add3A_78, %dma_start3A_83] : memref<320000x128xf32, #tpu.memory_space<hbm>> -> memref<80x128xf32, #tpu.memory_space<hbm>>
    tpu.enqueue_dma source(%dma_start3A_84 : memref<80x128xf32, #tpu.memory_space<hbm>>) target(%arg10 : memref<80x128xf32, #tpu.memory_space<vmem>>) target_semaphore(%arg19 : memref<!tpu.dma_semaphore, #tpu.memory_space<semaphore_mem>>)
    %dma_wait3A_85 = arith.constant 0 : i32
    %dma_wait3A_86 = tpu.memref_slice %arg3[%dma_wait3A_85] : memref<320000xi32, #tpu.memory_space<hbm>> -> memref<80xi32, #tpu.memory_space<hbm>>
    %dma_wait3A_87 = arith.constant 0 : i32
    %dma_wait3A_88 = tpu.memref_slice %arg3[%dma_wait3A_87] : memref<320000xi32, #tpu.memory_space<hbm>> -> memref<80xi32, #tpu.memory_space<hbm>>
    tpu.wait_dma2 semaphore(%arg18 : memref<!tpu.dma_semaphore, #tpu.memory_space<semaphore_mem>>) src(%dma_wait3A_88 : memref<80xi32, #tpu.memory_space<hbm>>) dst(%arg9 : memref<80xi32, #tpu.memory_space<vmem>>)
    %dma_wait3A_89 = arith.constant 0 : i32
    %dma_wait3A_90 = arith.constant 0 : i32
    %dma_wait3A_91 = tpu.memref_slice %arg2[%dma_wait3A_89, %dma_wait3A_90] : memref<320000x128xf32, #tpu.memory_space<hbm>> -> memref<80x128xf32, #tpu.memory_space<hbm>>
    %dma_wait3A_92 = arith.constant 0 : i32
    %dma_wait3A_93 = arith.constant 0 : i32
    %dma_wait3A_94 = tpu.memref_slice %arg2[%dma_wait3A_92, %dma_wait3A_93] : memref<320000x128xf32, #tpu.memory_space<hbm>> -> memref<80x128xf32, #tpu.memory_space<hbm>>
    tpu.wait_dma2 semaphore(%arg22 : memref<!tpu.dma_semaphore, #tpu.memory_space<semaphore_mem>>) src(%dma_wait3A_94 : memref<80x128xf32, #tpu.memory_space<hbm>>) dst(%arg13 : memref<80x128xf32, #tpu.memory_space<vmem>>)
    %dma_start3A_95 = arith.constant 0 : i32
    %dma_start3A_96 = arith.constant 0 : i32
    %dma_start3A_97 = tpu.memref_slice %arg14[%dma_start3A_95, %dma_start3A_96] : memref<10240x128xf32, #tpu.memory_space<vmem_shared>> -> memref<10240x128xf32, #tpu.memory_space<vmem_shared>>
    tpu.enqueue_indirect_dma source(%arg13 : memref<80x128xf32, #tpu.memory_space<vmem>>) target(%dma_start3A_97 : memref<10240x128xf32, #tpu.memory_space<vmem_shared>>) offsets(%arg9 : memref<80xi32, #tpu.memory_space<vmem>>) semaphore(%arg26 : memref<!tpu.dma_semaphore, #tpu.memory_space<semaphore_mem>>) {add = true}
    %dma_wait3A_98 = arith.constant 0 : i32
    %dma_wait3A_99 = arith.constant 0 : i32
    %dma_wait3A_100 = tpu.memref_slice %arg14[%dma_wait3A_98, %dma_wait3A_99] : memref<10240x128xf32, #tpu.memory_space<vmem_shared>> -> memref<10240x128xf32, #tpu.memory_space<vmem_shared>>
    tpu.wait_indirect_dma semaphore(%arg24 : memref<!tpu.dma_semaphore, #tpu.memory_space<semaphore_mem>>) src(%arg11 : memref<80x128xf32, #tpu.memory_space<vmem>>) dst(%dma_wait3A_100 : memref<10240x128xf32, #tpu.memory_space<vmem_shared>>)
    %add3A_101 = arith.constant 400 : i32
    %add3A_102 = arith.addi %mul3A_2, %add3A_101 : i32
    %dma_start3A_103 = tpu.memref_slice %arg3[%add3A_102] : memref<320000xi32, #tpu.memory_space<hbm>> -> memref<80xi32, #tpu.memory_space<hbm>>
    %dma_start3A_104 = tpu.memref_slice %arg3[%add3A_102] : memref<320000xi32, #tpu.memory_space<hbm>> -> memref<80xi32, #tpu.memory_space<hbm>>
    tpu.enqueue_dma source(%dma_start3A_104 : memref<80xi32, #tpu.memory_space<hbm>>) target(%arg7 : memref<80xi32, #tpu.memory_space<vmem>>) target_semaphore(%arg16 : memref<!tpu.dma_semaphore, #tpu.memory_space<semaphore_mem>>)
    %dma_start3A_105 = arith.constant 0 : i32
    %dma_start3A_106 = tpu.memref_slice %arg2[%add3A_102, %dma_start3A_105] : memref<320000x128xf32, #tpu.memory_space<hbm>> -> memref<80x128xf32, #tpu.memory_space<hbm>>
    %dma_start3A_107 = arith.constant 0 : i32
    %dma_start3A_108 = tpu.memref_slice %arg2[%add3A_102, %dma_start3A_107] : memref<320000x128xf32, #tpu.memory_space<hbm>> -> memref<80x128xf32, #tpu.memory_space<hbm>>
    tpu.enqueue_dma source(%dma_start3A_108 : memref<80x128xf32, #tpu.memory_space<hbm>>) target(%arg11 : memref<80x128xf32, #tpu.memory_space<vmem>>) target_semaphore(%arg20 : memref<!tpu.dma_semaphore, #tpu.memory_space<semaphore_mem>>)
    %scan3A = arith.constant 0 : i32
    %scan3A_109 = arith.constant 29 : i32
    %scan3A_110 = arith.addi %scan3A, %scan3A_109 : i32
    %scan3A_111 = arith.constant 1 : i32
    scf.for %scan3A_230 = %scan3A to %scan3A_110 step %scan3A_111  : i32 {
      %mul3A_231 = arith.constant 4 : i32
      %mul3A_232 = arith.muli %scan3A_230, %mul3A_231 : i32
      %add3A_233 = arith.constant 4 : i32
      %add3A_234 = arith.addi %add3A_233, %mul3A_232 : i32
      %add3A_235 = arith.constant 0 : i32
      %add3A_236 = arith.addi %add3A_234, %add3A_235 : i32
      %dma_wait3A_237 = arith.constant 0 : i32
      %dma_wait3A_238 = tpu.memref_slice %arg3[%dma_wait3A_237] : memref<320000xi32, #tpu.memory_space<hbm>> -> memref<80xi32, #tpu.memory_space<hbm>>
      %dma_wait3A_239 = arith.constant 0 : i32
      %dma_wait3A_240 = tpu.memref_slice %arg3[%dma_wait3A_239] : memref<320000xi32, #tpu.memory_space<hbm>> -> memref<80xi32, #tpu.memory_space<hbm>>
      tpu.wait_dma2 semaphore(%arg15 : memref<!tpu.dma_semaphore, #tpu.memory_space<semaphore_mem>>) src(%dma_wait3A_240 : memref<80xi32, #tpu.memory_space<hbm>>) dst(%arg6 : memref<80xi32, #tpu.memory_space<vmem>>)
      %dma_wait3A_241 = arith.constant 0 : i32
      %dma_wait3A_242 = arith.constant 0 : i32
      %dma_wait3A_243 = tpu.memref_slice %arg2[%dma_wait3A_241, %dma_wait3A_242] : memref<320000x128xf32, #tpu.memory_space<hbm>> -> memref<80x128xf32, #tpu.memory_space<hbm>>
      %dma_wait3A_244 = arith.constant 0 : i32
      %dma_wait3A_245 = arith.constant 0 : i32
      %dma_wait3A_246 = tpu.memref_slice %arg2[%dma_wait3A_244, %dma_wait3A_245] : memref<320000x128xf32, #tpu.memory_space<hbm>> -> memref<80x128xf32, #tpu.memory_space<hbm>>
      tpu.wait_dma2 semaphore(%arg19 : memref<!tpu.dma_semaphore, #tpu.memory_space<semaphore_mem>>) src(%dma_wait3A_246 : memref<80x128xf32, #tpu.memory_space<hbm>>) dst(%arg10 : memref<80x128xf32, #tpu.memory_space<vmem>>)
      %dma_start3A_247 = arith.constant 0 : i32
      %dma_start3A_248 = arith.constant 0 : i32
      %dma_start3A_249 = tpu.memref_slice %arg14[%dma_start3A_247, %dma_start3A_248] : memref<10240x128xf32, #tpu.memory_space<vmem_shared>> -> memref<10240x128xf32, #tpu.memory_space<vmem_shared>>
      tpu.enqueue_indirect_dma source(%arg10 : memref<80x128xf32, #tpu.memory_space<vmem>>) target(%dma_start3A_249 : memref<10240x128xf32, #tpu.memory_space<vmem_shared>>) offsets(%arg6 : memref<80xi32, #tpu.memory_space<vmem>>) semaphore(%arg23 : memref<!tpu.dma_semaphore, #tpu.memory_space<semaphore_mem>>) {add = true}
      %dma_wait3A_250 = arith.constant 0 : i32
      %dma_wait3A_251 = arith.constant 0 : i32
      %dma_wait3A_252 = tpu.memref_slice %arg14[%dma_wait3A_250, %dma_wait3A_251] : memref<10240x128xf32, #tpu.memory_space<vmem_shared>> -> memref<10240x128xf32, #tpu.memory_space<vmem_shared>>
      tpu.wait_indirect_dma semaphore(%arg25 : memref<!tpu.dma_semaphore, #tpu.memory_space<semaphore_mem>>) src(%arg12 : memref<80x128xf32, #tpu.memory_space<vmem>>) dst(%dma_wait3A_252 : memref<10240x128xf32, #tpu.memory_space<vmem_shared>>)
      %add3A_253 = arith.constant 2 : i32
      %add3A_254 = arith.addi %add3A_236, %add3A_253 : i32
      %mul3A_255 = arith.constant 80 : i32
      %mul3A_256 = arith.muli %add3A_254, %mul3A_255 : i32
      %add3A_257 = arith.addi %mul3A_2, %mul3A_256 : i32
      %dma_start3A_258 = tpu.memref_slice %arg3[%add3A_257] : memref<320000xi32, #tpu.memory_space<hbm>> -> memref<80xi32, #tpu.memory_space<hbm>>
      %dma_start3A_259 = tpu.memref_slice %arg3[%add3A_257] : memref<320000xi32, #tpu.memory_space<hbm>> -> memref<80xi32, #tpu.memory_space<hbm>>
      tpu.enqueue_dma source(%dma_start3A_259 : memref<80xi32, #tpu.memory_space<hbm>>) target(%arg8 : memref<80xi32, #tpu.memory_space<vmem>>) target_semaphore(%arg17 : memref<!tpu.dma_semaphore, #tpu.memory_space<semaphore_mem>>)
      %dma_start3A_260 = arith.constant 0 : i32
      %dma_start3A_261 = tpu.memref_slice %arg2[%add3A_257, %dma_start3A_260] : memref<320000x128xf32, #tpu.memory_space<hbm>> -> memref<80x128xf32, #tpu.memory_space<hbm>>
      %dma_start3A_262 = arith.constant 0 : i32
      %dma_start3A_263 = tpu.memref_slice %arg2[%add3A_257, %dma_start3A_262] : memref<320000x128xf32, #tpu.memory_space<hbm>> -> memref<80x128xf32, #tpu.memory_space<hbm>>
      tpu.enqueue_dma source(%dma_start3A_263 : memref<80x128xf32, #tpu.memory_space<hbm>>) target(%arg12 : memref<80x128xf32, #tpu.memory_space<vmem>>) target_semaphore(%arg21 : memref<!tpu.dma_semaphore, #tpu.memory_space<semaphore_mem>>)
      %add3A_264 = arith.constant 1 : i32
      %add3A_265 = arith.addi %add3A_234, %add3A_264 : i32
      %dma_wait3A_266 = arith.constant 0 : i32
      %dma_wait3A_267 = tpu.memref_slice %arg3[%dma_wait3A_266] : memref<320000xi32, #tpu.memory_space<hbm>> -> memref<80xi32, #tpu.memory_space<hbm>>
      %dma_wait3A_268 = arith.constant 0 : i32
      %dma_wait3A_269 = tpu.memref_slice %arg3[%dma_wait3A_268] : memref<320000xi32, #tpu.memory_space<hbm>> -> memref<80xi32, #tpu.memory_space<hbm>>
      tpu.wait_dma2 semaphore(%arg16 : memref<!tpu.dma_semaphore, #tpu.memory_space<semaphore_mem>>) src(%dma_wait3A_269 : memref<80xi32, #tpu.memory_space<hbm>>) dst(%arg7 : memref<80xi32, #tpu.memory_space<vmem>>)
      %dma_wait3A_270 = arith.constant 0 : i32
      %dma_wait3A_271 = arith.constant 0 : i32
      %dma_wait3A_272 = tpu.memref_slice %arg2[%dma_wait3A_270, %dma_wait3A_271] : memref<320000x128xf32, #tpu.memory_space<hbm>> -> memref<80x128xf32, #tpu.memory_space<hbm>>
      %dma_wait3A_273 = arith.constant 0 : i32
      %dma_wait3A_274 = arith.constant 0 : i32
      %dma_wait3A_275 = tpu.memref_slice %arg2[%dma_wait3A_273, %dma_wait3A_274] : memref<320000x128xf32, #tpu.memory_space<hbm>> -> memref<80x128xf32, #tpu.memory_space<hbm>>
      tpu.wait_dma2 semaphore(%arg20 : memref<!tpu.dma_semaphore, #tpu.memory_space<semaphore_mem>>) src(%dma_wait3A_275 : memref<80x128xf32, #tpu.memory_space<hbm>>) dst(%arg11 : memref<80x128xf32, #tpu.memory_space<vmem>>)
      %dma_start3A_276 = arith.constant 0 : i32
      %dma_start3A_277 = arith.constant 0 : i32
      %dma_start3A_278 = tpu.memref_slice %arg14[%dma_start3A_276, %dma_start3A_277] : memref<10240x128xf32, #tpu.memory_space<vmem_shared>> -> memref<10240x128xf32, #tpu.memory_space<vmem_shared>>
      tpu.enqueue_indirect_dma source(%arg11 : memref<80x128xf32, #tpu.memory_space<vmem>>) target(%dma_start3A_278 : memref<10240x128xf32, #tpu.memory_space<vmem_shared>>) offsets(%arg7 : memref<80xi32, #tpu.memory_space<vmem>>) semaphore(%arg24 : memref<!tpu.dma_semaphore, #tpu.memory_space<semaphore_mem>>) {add = true}
      %dma_wait3A_279 = arith.constant 0 : i32
      %dma_wait3A_280 = arith.constant 0 : i32
      %dma_wait3A_281 = tpu.memref_slice %arg14[%dma_wait3A_279, %dma_wait3A_280] : memref<10240x128xf32, #tpu.memory_space<vmem_shared>> -> memref<10240x128xf32, #tpu.memory_space<vmem_shared>>
      tpu.wait_indirect_dma semaphore(%arg26 : memref<!tpu.dma_semaphore, #tpu.memory_space<semaphore_mem>>) src(%arg13 : memref<80x128xf32, #tpu.memory_space<vmem>>) dst(%dma_wait3A_281 : memref<10240x128xf32, #tpu.memory_space<vmem_shared>>)
      %add3A_282 = arith.constant 2 : i32
      %add3A_283 = arith.addi %add3A_265, %add3A_282 : i32
      %mul3A_284 = arith.constant 80 : i32
      %mul3A_285 = arith.muli %add3A_283, %mul3A_284 : i32
      %add3A_286 = arith.addi %mul3A_2, %mul3A_285 : i32
      %dma_start3A_287 = tpu.memref_slice %arg3[%add3A_286] : memref<320000xi32, #tpu.memory_space<hbm>> -> memref<80xi32, #tpu.memory_space<hbm>>
      %dma_start3A_288 = tpu.memref_slice %arg3[%add3A_286] : memref<320000xi32, #tpu.memory_space<hbm>> -> memref<80xi32, #tpu.memory_space<hbm>>
      tpu.enqueue_dma source(%dma_start3A_288 : memref<80xi32, #tpu.memory_space<hbm>>) target(%arg9 : memref<80xi32, #tpu.memory_space<vmem>>) target_semaphore(%arg18 : memref<!tpu.dma_semaphore, #tpu.memory_space<semaphore_mem>>)
      %dma_start3A_289 = arith.constant 0 : i32
      %dma_start3A_290 = tpu.memref_slice %arg2[%add3A_286, %dma_start3A_289] : memref<320000x128xf32, #tpu.memory_space<hbm>> -> memref<80x128xf32, #tpu.memory_space<hbm>>
      %dma_start3A_291 = arith.constant 0 : i32
      %dma_start3A_292 = tpu.memref_slice %arg2[%add3A_286, %dma_start3A_291] : memref<320000x128xf32, #tpu.memory_space<hbm>> -> memref<80x128xf32, #tpu.memory_space<hbm>>
      tpu.enqueue_dma source(%dma_start3A_292 : memref<80x128xf32, #tpu.memory_space<hbm>>) target(%arg13 : memref<80x128xf32, #tpu.memory_space<vmem>>) target_semaphore(%arg22 : memref<!tpu.dma_semaphore, #tpu.memory_space<semaphore_mem>>)
      %add3A_293 = arith.constant 2 : i32
      %add3A_294 = arith.addi %add3A_234, %add3A_293 : i32
      %dma_wait3A_295 = arith.constant 0 : i32
      %dma_wait3A_296 = tpu.memref_slice %arg3[%dma_wait3A_295] : memref<320000xi32, #tpu.memory_space<hbm>> -> memref<80xi32, #tpu.memory_space<hbm>>
      %dma_wait3A_297 = arith.constant 0 : i32
      %dma_wait3A_298 = tpu.memref_slice %arg3[%dma_wait3A_297] : memref<320000xi32, #tpu.memory_space<hbm>> -> memref<80xi32, #tpu.memory_space<hbm>>
      tpu.wait_dma2 semaphore(%arg17 : memref<!tpu.dma_semaphore, #tpu.memory_space<semaphore_mem>>) src(%dma_wait3A_298 : memref<80xi32, #tpu.memory_space<hbm>>) dst(%arg8 : memref<80xi32, #tpu.memory_space<vmem>>)
      %dma_wait3A_299 = arith.constant 0 : i32
      %dma_wait3A_300 = arith.constant 0 : i32
      %dma_wait3A_301 = tpu.memref_slice %arg2[%dma_wait3A_299, %dma_wait3A_300] : memref<320000x128xf32, #tpu.memory_space<hbm>> -> memref<80x128xf32, #tpu.memory_space<hbm>>
      %dma_wait3A_302 = arith.constant 0 : i32
      %dma_wait3A_303 = arith.constant 0 : i32
      %dma_wait3A_304 = tpu.memref_slice %arg2[%dma_wait3A_302, %dma_wait3A_303] : memref<320000x128xf32, #tpu.memory_space<hbm>> -> memref<80x128xf32, #tpu.memory_space<hbm>>
      tpu.wait_dma2 semaphore(%arg21 : memref<!tpu.dma_semaphore, #tpu.memory_space<semaphore_mem>>) src(%dma_wait3A_304 : memref<80x128xf32, #tpu.memory_space<hbm>>) dst(%arg12 : memref<80x128xf32, #tpu.memory_space<vmem>>)
      %dma_start3A_305 = arith.constant 0 : i32
      %dma_start3A_306 = arith.constant 0 : i32
      %dma_start3A_307 = tpu.memref_slice %arg14[%dma_start3A_305, %dma_start3A_306] : memref<10240x128xf32, #tpu.memory_space<vmem_shared>> -> memref<10240x128xf32, #tpu.memory_space<vmem_shared>>
      tpu.enqueue_indirect_dma source(%arg12 : memref<80x128xf32, #tpu.memory_space<vmem>>) target(%dma_start3A_307 : memref<10240x128xf32, #tpu.memory_space<vmem_shared>>) offsets(%arg8 : memref<80xi32, #tpu.memory_space<vmem>>) semaphore(%arg25 : memref<!tpu.dma_semaphore, #tpu.memory_space<semaphore_mem>>) {add = true}
      %dma_wait3A_308 = arith.constant 0 : i32
      %dma_wait3A_309 = arith.constant 0 : i32
      %dma_wait3A_310 = tpu.memref_slice %arg14[%dma_wait3A_308, %dma_wait3A_309] : memref<10240x128xf32, #tpu.memory_space<vmem_shared>> -> memref<10240x128xf32, #tpu.memory_space<vmem_shared>>
      tpu.wait_indirect_dma semaphore(%arg23 : memref<!tpu.dma_semaphore, #tpu.memory_space<semaphore_mem>>) src(%arg10 : memref<80x128xf32, #tpu.memory_space<vmem>>) dst(%dma_wait3A_310 : memref<10240x128xf32, #tpu.memory_space<vmem_shared>>)
      %add3A_311 = arith.constant 2 : i32
      %add3A_312 = arith.addi %add3A_294, %add3A_311 : i32
      %mul3A_313 = arith.constant 80 : i32
      %mul3A_314 = arith.muli %add3A_312, %mul3A_313 : i32
      %add3A_315 = arith.addi %mul3A_2, %mul3A_314 : i32
      %dma_start3A_316 = tpu.memref_slice %arg3[%add3A_315] : memref<320000xi32, #tpu.memory_space<hbm>> -> memref<80xi32, #tpu.memory_space<hbm>>
      %dma_start3A_317 = tpu.memref_slice %arg3[%add3A_315] : memref<320000xi32, #tpu.memory_space<hbm>> -> memref<80xi32, #tpu.memory_space<hbm>>
      tpu.enqueue_dma source(%dma_start3A_317 : memref<80xi32, #tpu.memory_space<hbm>>) target(%arg6 : memref<80xi32, #tpu.memory_space<vmem>>) target_semaphore(%arg15 : memref<!tpu.dma_semaphore, #tpu.memory_space<semaphore_mem>>)
      %dma_start3A_318 = arith.constant 0 : i32
      %dma_start3A_319 = tpu.memref_slice %arg2[%add3A_315, %dma_start3A_318] : memref<320000x128xf32, #tpu.memory_space<hbm>> -> memref<80x128xf32, #tpu.memory_space<hbm>>
      %dma_start3A_320 = arith.constant 0 : i32
      %dma_start3A_321 = tpu.memref_slice %arg2[%add3A_315, %dma_start3A_320] : memref<320000x128xf32, #tpu.memory_space<hbm>> -> memref<80x128xf32, #tpu.memory_space<hbm>>
      tpu.enqueue_dma source(%dma_start3A_321 : memref<80x128xf32, #tpu.memory_space<hbm>>) target(%arg10 : memref<80x128xf32, #tpu.memory_space<vmem>>) target_semaphore(%arg19 : memref<!tpu.dma_semaphore, #tpu.memory_space<semaphore_mem>>)
      %add3A_322 = arith.constant 3 : i32
      %add3A_323 = arith.addi %add3A_234, %add3A_322 : i32
      %dma_wait3A_324 = arith.constant 0 : i32
      %dma_wait3A_325 = tpu.memref_slice %arg3[%dma_wait3A_324] : memref<320000xi32, #tpu.memory_space<hbm>> -> memref<80xi32, #tpu.memory_space<hbm>>
      %dma_wait3A_326 = arith.constant 0 : i32
      %dma_wait3A_327 = tpu.memref_slice %arg3[%dma_wait3A_326] : memref<320000xi32, #tpu.memory_space<hbm>> -> memref<80xi32, #tpu.memory_space<hbm>>
      tpu.wait_dma2 semaphore(%arg18 : memref<!tpu.dma_semaphore, #tpu.memory_space<semaphore_mem>>) src(%dma_wait3A_327 : memref<80xi32, #tpu.memory_space<hbm>>) dst(%arg9 : memref<80xi32, #tpu.memory_space<vmem>>)
      %dma_wait3A_328 = arith.constant 0 : i32
      %dma_wait3A_329 = arith.constant 0 : i32
      %dma_wait3A_330 = tpu.memref_slice %arg2[%dma_wait3A_328, %dma_wait3A_329] : memref<320000x128xf32, #tpu.memory_space<hbm>> -> memref<80x128xf32, #tpu.memory_space<hbm>>
      %dma_wait3A_331 = arith.constant 0 : i32
      %dma_wait3A_332 = arith.constant 0 : i32
      %dma_wait3A_333 = tpu.memref_slice %arg2[%dma_wait3A_331, %dma_wait3A_332] : memref<320000x128xf32, #tpu.memory_space<hbm>> -> memref<80x128xf32, #tpu.memory_space<hbm>>
      tpu.wait_dma2 semaphore(%arg22 : memref<!tpu.dma_semaphore, #tpu.memory_space<semaphore_mem>>) src(%dma_wait3A_333 : memref<80x128xf32, #tpu.memory_space<hbm>>) dst(%arg13 : memref<80x128xf32, #tpu.memory_space<vmem>>)
      %dma_start3A_334 = arith.constant 0 : i32
      %dma_start3A_335 = arith.constant 0 : i32
      %dma_start3A_336 = tpu.memref_slice %arg14[%dma_start3A_334, %dma_start3A_335] : memref<10240x128xf32, #tpu.memory_space<vmem_shared>> -> memref<10240x128xf32, #tpu.memory_space<vmem_shared>>
      tpu.enqueue_indirect_dma source(%arg13 : memref<80x128xf32, #tpu.memory_space<vmem>>) target(%dma_start3A_336 : memref<10240x128xf32, #tpu.memory_space<vmem_shared>>) offsets(%arg9 : memref<80xi32, #tpu.memory_space<vmem>>) semaphore(%arg26 : memref<!tpu.dma_semaphore, #tpu.memory_space<semaphore_mem>>) {add = true}
      %dma_wait3A_337 = arith.constant 0 : i32
      %dma_wait3A_338 = arith.constant 0 : i32
      %dma_wait3A_339 = tpu.memref_slice %arg14[%dma_wait3A_337, %dma_wait3A_338] : memref<10240x128xf32, #tpu.memory_space<vmem_shared>> -> memref<10240x128xf32, #tpu.memory_space<vmem_shared>>
      tpu.wait_indirect_dma semaphore(%arg24 : memref<!tpu.dma_semaphore, #tpu.memory_space<semaphore_mem>>) src(%arg11 : memref<80x128xf32, #tpu.memory_space<vmem>>) dst(%dma_wait3A_339 : memref<10240x128xf32, #tpu.memory_space<vmem_shared>>)
      %add3A_340 = arith.constant 2 : i32
      %add3A_341 = arith.addi %add3A_323, %add3A_340 : i32
      %mul3A_342 = arith.constant 80 : i32
      %mul3A_343 = arith.muli %add3A_341, %mul3A_342 : i32
      %add3A_344 = arith.addi %mul3A_2, %mul3A_343 : i32
      %dma_start3A_345 = tpu.memref_slice %arg3[%add3A_344] : memref<320000xi32, #tpu.memory_space<hbm>> -> memref<80xi32, #tpu.memory_space<hbm>>
      %dma_start3A_346 = tpu.memref_slice %arg3[%add3A_344] : memref<320000xi32, #tpu.memory_space<hbm>> -> memref<80xi32, #tpu.memory_space<hbm>>
      tpu.enqueue_dma source(%dma_start3A_346 : memref<80xi32, #tpu.memory_space<hbm>>) target(%arg7 : memref<80xi32, #tpu.memory_space<vmem>>) target_semaphore(%arg16 : memref<!tpu.dma_semaphore, #tpu.memory_space<semaphore_mem>>)
      %dma_start3A_347 = arith.constant 0 : i32
      %dma_start3A_348 = tpu.memref_slice %arg2[%add3A_344, %dma_start3A_347] : memref<320000x128xf32, #tpu.memory_space<hbm>> -> memref<80x128xf32, #tpu.memory_space<hbm>>
      %dma_start3A_349 = arith.constant 0 : i32
      %dma_start3A_350 = tpu.memref_slice %arg2[%add3A_344, %dma_start3A_349] : memref<320000x128xf32, #tpu.memory_space<hbm>> -> memref<80x128xf32, #tpu.memory_space<hbm>>
      tpu.enqueue_dma source(%dma_start3A_350 : memref<80x128xf32, #tpu.memory_space<hbm>>) target(%arg11 : memref<80x128xf32, #tpu.memory_space<vmem>>) target_semaphore(%arg20 : memref<!tpu.dma_semaphore, #tpu.memory_space<semaphore_mem>>)
    }
    %scan3A_112 = arith.constant 29 : i32
    %dma_wait3A_113 = arith.constant 0 : i32
    %dma_wait3A_114 = tpu.memref_slice %arg3[%dma_wait3A_113] : memref<320000xi32, #tpu.memory_space<hbm>> -> memref<80xi32, #tpu.memory_space<hbm>>
    %dma_wait3A_115 = arith.constant 0 : i32
    %dma_wait3A_116 = tpu.memref_slice %arg3[%dma_wait3A_115] : memref<320000xi32, #tpu.memory_space<hbm>> -> memref<80xi32, #tpu.memory_space<hbm>>
    tpu.wait_dma2 semaphore(%arg15 : memref<!tpu.dma_semaphore, #tpu.memory_space<semaphore_mem>>) src(%dma_wait3A_116 : memref<80xi32, #tpu.memory_space<hbm>>) dst(%arg6 : memref<80xi32, #tpu.memory_space<vmem>>)
    %dma_wait3A_117 = arith.constant 0 : i32
    %dma_wait3A_118 = arith.constant 0 : i32
    %dma_wait3A_119 = tpu.memref_slice %arg2[%dma_wait3A_117, %dma_wait3A_118] : memref<320000x128xf32, #tpu.memory_space<hbm>> -> memref<80x128xf32, #tpu.memory_space<hbm>>
    %dma_wait3A_120 = arith.constant 0 : i32
    %dma_wait3A_121 = arith.constant 0 : i32
    %dma_wait3A_122 = tpu.memref_slice %arg2[%dma_wait3A_120, %dma_wait3A_121] : memref<320000x128xf32, #tpu.memory_space<hbm>> -> memref<80x128xf32, #tpu.memory_space<hbm>>
    tpu.wait_dma2 semaphore(%arg19 : memref<!tpu.dma_semaphore, #tpu.memory_space<semaphore_mem>>) src(%dma_wait3A_122 : memref<80x128xf32, #tpu.memory_space<hbm>>) dst(%arg10 : memref<80x128xf32, #tpu.memory_space<vmem>>)
    %dma_start3A_123 = arith.constant 0 : i32
    %dma_start3A_124 = arith.constant 0 : i32
    %dma_start3A_125 = tpu.memref_slice %arg14[%dma_start3A_123, %dma_start3A_124] : memref<10240x128xf32, #tpu.memory_space<vmem_shared>> -> memref<10240x128xf32, #tpu.memory_space<vmem_shared>>
    tpu.enqueue_indirect_dma source(%arg10 : memref<80x128xf32, #tpu.memory_space<vmem>>) target(%dma_start3A_125 : memref<10240x128xf32, #tpu.memory_space<vmem_shared>>) offsets(%arg6 : memref<80xi32, #tpu.memory_space<vmem>>) semaphore(%arg23 : memref<!tpu.dma_semaphore, #tpu.memory_space<semaphore_mem>>) {add = true}
    %dma_wait3A_126 = arith.constant 0 : i32
    %dma_wait3A_127 = arith.constant 0 : i32
    %dma_wait3A_128 = tpu.memref_slice %arg14[%dma_wait3A_126, %dma_wait3A_127] : memref<10240x128xf32, #tpu.memory_space<vmem_shared>> -> memref<10240x128xf32, #tpu.memory_space<vmem_shared>>
    tpu.wait_indirect_dma semaphore(%arg25 : memref<!tpu.dma_semaphore, #tpu.memory_space<semaphore_mem>>) src(%arg12 : memref<80x128xf32, #tpu.memory_space<vmem>>) dst(%dma_wait3A_128 : memref<10240x128xf32, #tpu.memory_space<vmem_shared>>)
    %add3A_129 = arith.constant 9760 : i32
    %add3A_130 = arith.addi %mul3A_2, %add3A_129 : i32
    %dma_start3A_131 = tpu.memref_slice %arg3[%add3A_130] : memref<320000xi32, #tpu.memory_space<hbm>> -> memref<80xi32, #tpu.memory_space<hbm>>
    %dma_start3A_132 = tpu.memref_slice %arg3[%add3A_130] : memref<320000xi32, #tpu.memory_space<hbm>> -> memref<80xi32, #tpu.memory_space<hbm>>
    tpu.enqueue_dma source(%dma_start3A_132 : memref<80xi32, #tpu.memory_space<hbm>>) target(%arg8 : memref<80xi32, #tpu.memory_space<vmem>>) target_semaphore(%arg17 : memref<!tpu.dma_semaphore, #tpu.memory_space<semaphore_mem>>)
    %dma_start3A_133 = arith.constant 0 : i32
    %dma_start3A_134 = tpu.memref_slice %arg2[%add3A_130, %dma_start3A_133] : memref<320000x128xf32, #tpu.memory_space<hbm>> -> memref<80x128xf32, #tpu.memory_space<hbm>>
    %dma_start3A_135 = arith.constant 0 : i32
    %dma_start3A_136 = tpu.memref_slice %arg2[%add3A_130, %dma_start3A_135] : memref<320000x128xf32, #tpu.memory_space<hbm>> -> memref<80x128xf32, #tpu.memory_space<hbm>>
    tpu.enqueue_dma source(%dma_start3A_136 : memref<80x128xf32, #tpu.memory_space<hbm>>) target(%arg12 : memref<80x128xf32, #tpu.memory_space<vmem>>) target_semaphore(%arg21 : memref<!tpu.dma_semaphore, #tpu.memory_space<semaphore_mem>>)
    %dma_wait3A_137 = arith.constant 0 : i32
    %dma_wait3A_138 = tpu.memref_slice %arg3[%dma_wait3A_137] : memref<320000xi32, #tpu.memory_space<hbm>> -> memref<80xi32, #tpu.memory_space<hbm>>
    %dma_wait3A_139 = arith.constant 0 : i32
    %dma_wait3A_140 = tpu.memref_slice %arg3[%dma_wait3A_139] : memref<320000xi32, #tpu.memory_space<hbm>> -> memref<80xi32, #tpu.memory_space<hbm>>
    tpu.wait_dma2 semaphore(%arg16 : memref<!tpu.dma_semaphore, #tpu.memory_space<semaphore_mem>>) src(%dma_wait3A_140 : memref<80xi32, #tpu.memory_space<hbm>>) dst(%arg7 : memref<80xi32, #tpu.memory_space<vmem>>)
    %dma_wait3A_141 = arith.constant 0 : i32
    %dma_wait3A_142 = arith.constant 0 : i32
    %dma_wait3A_143 = tpu.memref_slice %arg2[%dma_wait3A_141, %dma_wait3A_142] : memref<320000x128xf32, #tpu.memory_space<hbm>> -> memref<80x128xf32, #tpu.memory_space<hbm>>
    %dma_wait3A_144 = arith.constant 0 : i32
    %dma_wait3A_145 = arith.constant 0 : i32
    %dma_wait3A_146 = tpu.memref_slice %arg2[%dma_wait3A_144, %dma_wait3A_145] : memref<320000x128xf32, #tpu.memory_space<hbm>> -> memref<80x128xf32, #tpu.memory_space<hbm>>
    tpu.wait_dma2 semaphore(%arg20 : memref<!tpu.dma_semaphore, #tpu.memory_space<semaphore_mem>>) src(%dma_wait3A_146 : memref<80x128xf32, #tpu.memory_space<hbm>>) dst(%arg11 : memref<80x128xf32, #tpu.memory_space<vmem>>)
    %dma_start3A_147 = arith.constant 0 : i32
    %dma_start3A_148 = arith.constant 0 : i32
    %dma_start3A_149 = tpu.memref_slice %arg14[%dma_start3A_147, %dma_start3A_148] : memref<10240x128xf32, #tpu.memory_space<vmem_shared>> -> memref<10240x128xf32, #tpu.memory_space<vmem_shared>>
    tpu.enqueue_indirect_dma source(%arg11 : memref<80x128xf32, #tpu.memory_space<vmem>>) target(%dma_start3A_149 : memref<10240x128xf32, #tpu.memory_space<vmem_shared>>) offsets(%arg7 : memref<80xi32, #tpu.memory_space<vmem>>) semaphore(%arg24 : memref<!tpu.dma_semaphore, #tpu.memory_space<semaphore_mem>>) {add = true}
    %dma_wait3A_150 = arith.constant 0 : i32
    %dma_wait3A_151 = arith.constant 0 : i32
    %dma_wait3A_152 = tpu.memref_slice %arg14[%dma_wait3A_150, %dma_wait3A_151] : memref<10240x128xf32, #tpu.memory_space<vmem_shared>> -> memref<10240x128xf32, #tpu.memory_space<vmem_shared>>
    tpu.wait_indirect_dma semaphore(%arg26 : memref<!tpu.dma_semaphore, #tpu.memory_space<semaphore_mem>>) src(%arg13 : memref<80x128xf32, #tpu.memory_space<vmem>>) dst(%dma_wait3A_152 : memref<10240x128xf32, #tpu.memory_space<vmem_shared>>)
    %add3A_153 = arith.constant 9840 : i32
    %add3A_154 = arith.addi %mul3A_2, %add3A_153 : i32
    %dma_start3A_155 = tpu.memref_slice %arg3[%add3A_154] : memref<320000xi32, #tpu.memory_space<hbm>> -> memref<80xi32, #tpu.memory_space<hbm>>
    %dma_start3A_156 = tpu.memref_slice %arg3[%add3A_154] : memref<320000xi32, #tpu.memory_space<hbm>> -> memref<80xi32, #tpu.memory_space<hbm>>
    tpu.enqueue_dma source(%dma_start3A_156 : memref<80xi32, #tpu.memory_space<hbm>>) target(%arg9 : memref<80xi32, #tpu.memory_space<vmem>>) target_semaphore(%arg18 : memref<!tpu.dma_semaphore, #tpu.memory_space<semaphore_mem>>)
    %dma_start3A_157 = arith.constant 0 : i32
    %dma_start3A_158 = tpu.memref_slice %arg2[%add3A_154, %dma_start3A_157] : memref<320000x128xf32, #tpu.memory_space<hbm>> -> memref<80x128xf32, #tpu.memory_space<hbm>>
    %dma_start3A_159 = arith.constant 0 : i32
    %dma_start3A_160 = tpu.memref_slice %arg2[%add3A_154, %dma_start3A_159] : memref<320000x128xf32, #tpu.memory_space<hbm>> -> memref<80x128xf32, #tpu.memory_space<hbm>>
    tpu.enqueue_dma source(%dma_start3A_160 : memref<80x128xf32, #tpu.memory_space<hbm>>) target(%arg13 : memref<80x128xf32, #tpu.memory_space<vmem>>) target_semaphore(%arg22 : memref<!tpu.dma_semaphore, #tpu.memory_space<semaphore_mem>>)
    %dma_wait3A_161 = arith.constant 0 : i32
    %dma_wait3A_162 = tpu.memref_slice %arg3[%dma_wait3A_161] : memref<320000xi32, #tpu.memory_space<hbm>> -> memref<80xi32, #tpu.memory_space<hbm>>
    %dma_wait3A_163 = arith.constant 0 : i32
    %dma_wait3A_164 = tpu.memref_slice %arg3[%dma_wait3A_163] : memref<320000xi32, #tpu.memory_space<hbm>> -> memref<80xi32, #tpu.memory_space<hbm>>
    tpu.wait_dma2 semaphore(%arg17 : memref<!tpu.dma_semaphore, #tpu.memory_space<semaphore_mem>>) src(%dma_wait3A_164 : memref<80xi32, #tpu.memory_space<hbm>>) dst(%arg8 : memref<80xi32, #tpu.memory_space<vmem>>)
    %dma_wait3A_165 = arith.constant 0 : i32
    %dma_wait3A_166 = arith.constant 0 : i32
    %dma_wait3A_167 = tpu.memref_slice %arg2[%dma_wait3A_165, %dma_wait3A_166] : memref<320000x128xf32, #tpu.memory_space<hbm>> -> memref<80x128xf32, #tpu.memory_space<hbm>>
    %dma_wait3A_168 = arith.constant 0 : i32
    %dma_wait3A_169 = arith.constant 0 : i32
    %dma_wait3A_170 = tpu.memref_slice %arg2[%dma_wait3A_168, %dma_wait3A_169] : memref<320000x128xf32, #tpu.memory_space<hbm>> -> memref<80x128xf32, #tpu.memory_space<hbm>>
    tpu.wait_dma2 semaphore(%arg21 : memref<!tpu.dma_semaphore, #tpu.memory_space<semaphore_mem>>) src(%dma_wait3A_170 : memref<80x128xf32, #tpu.memory_space<hbm>>) dst(%arg12 : memref<80x128xf32, #tpu.memory_space<vmem>>)
    %dma_start3A_171 = arith.constant 0 : i32
    %dma_start3A_172 = arith.constant 0 : i32
    %dma_start3A_173 = tpu.memref_slice %arg14[%dma_start3A_171, %dma_start3A_172] : memref<10240x128xf32, #tpu.memory_space<vmem_shared>> -> memref<10240x128xf32, #tpu.memory_space<vmem_shared>>
    tpu.enqueue_indirect_dma source(%arg12 : memref<80x128xf32, #tpu.memory_space<vmem>>) target(%dma_start3A_173 : memref<10240x128xf32, #tpu.memory_space<vmem_shared>>) offsets(%arg8 : memref<80xi32, #tpu.memory_space<vmem>>) semaphore(%arg25 : memref<!tpu.dma_semaphore, #tpu.memory_space<semaphore_mem>>) {add = true}
    %dma_wait3A_174 = arith.constant 0 : i32
    %dma_wait3A_175 = arith.constant 0 : i32
    %dma_wait3A_176 = tpu.memref_slice %arg14[%dma_wait3A_174, %dma_wait3A_175] : memref<10240x128xf32, #tpu.memory_space<vmem_shared>> -> memref<10240x128xf32, #tpu.memory_space<vmem_shared>>
    tpu.wait_indirect_dma semaphore(%arg23 : memref<!tpu.dma_semaphore, #tpu.memory_space<semaphore_mem>>) src(%arg10 : memref<80x128xf32, #tpu.memory_space<vmem>>) dst(%dma_wait3A_176 : memref<10240x128xf32, #tpu.memory_space<vmem_shared>>)
    %add3A_177 = arith.constant 9920 : i32
    %add3A_178 = arith.addi %mul3A_2, %add3A_177 : i32
    %dma_start3A_179 = tpu.memref_slice %arg3[%add3A_178] : memref<320000xi32, #tpu.memory_space<hbm>> -> memref<80xi32, #tpu.memory_space<hbm>>
    %dma_start3A_180 = tpu.memref_slice %arg3[%add3A_178] : memref<320000xi32, #tpu.memory_space<hbm>> -> memref<80xi32, #tpu.memory_space<hbm>>
    tpu.enqueue_dma source(%dma_start3A_180 : memref<80xi32, #tpu.memory_space<hbm>>) target(%arg6 : memref<80xi32, #tpu.memory_space<vmem>>) target_semaphore(%arg15 : memref<!tpu.dma_semaphore, #tpu.memory_space<semaphore_mem>>)
    %dma_start3A_181 = arith.constant 0 : i32
    %dma_start3A_182 = tpu.memref_slice %arg2[%add3A_178, %dma_start3A_181] : memref<320000x128xf32, #tpu.memory_space<hbm>> -> memref<80x128xf32, #tpu.memory_space<hbm>>
    %dma_start3A_183 = arith.constant 0 : i32
    %dma_start3A_184 = tpu.memref_slice %arg2[%add3A_178, %dma_start3A_183] : memref<320000x128xf32, #tpu.memory_space<hbm>> -> memref<80x128xf32, #tpu.memory_space<hbm>>
    tpu.enqueue_dma source(%dma_start3A_184 : memref<80x128xf32, #tpu.memory_space<hbm>>) target(%arg10 : memref<80x128xf32, #tpu.memory_space<vmem>>) target_semaphore(%arg19 : memref<!tpu.dma_semaphore, #tpu.memory_space<semaphore_mem>>)
    %dma_wait3A_185 = arith.constant 0 : i32
    %dma_wait3A_186 = tpu.memref_slice %arg3[%dma_wait3A_185] : memref<320000xi32, #tpu.memory_space<hbm>> -> memref<80xi32, #tpu.memory_space<hbm>>
    %dma_wait3A_187 = arith.constant 0 : i32
    %dma_wait3A_188 = tpu.memref_slice %arg3[%dma_wait3A_187] : memref<320000xi32, #tpu.memory_space<hbm>> -> memref<80xi32, #tpu.memory_space<hbm>>
    tpu.wait_dma2 semaphore(%arg18 : memref<!tpu.dma_semaphore, #tpu.memory_space<semaphore_mem>>) src(%dma_wait3A_188 : memref<80xi32, #tpu.memory_space<hbm>>) dst(%arg9 : memref<80xi32, #tpu.memory_space<vmem>>)
    %dma_wait3A_189 = arith.constant 0 : i32
    %dma_wait3A_190 = arith.constant 0 : i32
    %dma_wait3A_191 = tpu.memref_slice %arg2[%dma_wait3A_189, %dma_wait3A_190] : memref<320000x128xf32, #tpu.memory_space<hbm>> -> memref<80x128xf32, #tpu.memory_space<hbm>>
    %dma_wait3A_192 = arith.constant 0 : i32
    %dma_wait3A_193 = arith.constant 0 : i32
    %dma_wait3A_194 = tpu.memref_slice %arg2[%dma_wait3A_192, %dma_wait3A_193] : memref<320000x128xf32, #tpu.memory_space<hbm>> -> memref<80x128xf32, #tpu.memory_space<hbm>>
    tpu.wait_dma2 semaphore(%arg22 : memref<!tpu.dma_semaphore, #tpu.memory_space<semaphore_mem>>) src(%dma_wait3A_194 : memref<80x128xf32, #tpu.memory_space<hbm>>) dst(%arg13 : memref<80x128xf32, #tpu.memory_space<vmem>>)
    %dma_start3A_195 = arith.constant 0 : i32
    %dma_start3A_196 = arith.constant 0 : i32
    %dma_start3A_197 = tpu.memref_slice %arg14[%dma_start3A_195, %dma_start3A_196] : memref<10240x128xf32, #tpu.memory_space<vmem_shared>> -> memref<10240x128xf32, #tpu.memory_space<vmem_shared>>
    tpu.enqueue_indirect_dma source(%arg13 : memref<80x128xf32, #tpu.memory_space<vmem>>) target(%dma_start3A_197 : memref<10240x128xf32, #tpu.memory_space<vmem_shared>>) offsets(%arg9 : memref<80xi32, #tpu.memory_space<vmem>>) semaphore(%arg26 : memref<!tpu.dma_semaphore, #tpu.memory_space<semaphore_mem>>) {add = true}
    %dma_wait3A_198 = arith.constant 0 : i32
    %dma_wait3A_199 = arith.constant 0 : i32
    %dma_wait3A_200 = tpu.memref_slice %arg14[%dma_wait3A_198, %dma_wait3A_199] : memref<10240x128xf32, #tpu.memory_space<vmem_shared>> -> memref<10240x128xf32, #tpu.memory_space<vmem_shared>>
    tpu.wait_indirect_dma semaphore(%arg24 : memref<!tpu.dma_semaphore, #tpu.memory_space<semaphore_mem>>) src(%arg11 : memref<80x128xf32, #tpu.memory_space<vmem>>) dst(%dma_wait3A_200 : memref<10240x128xf32, #tpu.memory_space<vmem_shared>>)
    %dma_wait3A_201 = arith.constant 0 : i32
    %dma_wait3A_202 = tpu.memref_slice %arg3[%dma_wait3A_201] : memref<320000xi32, #tpu.memory_space<hbm>> -> memref<80xi32, #tpu.memory_space<hbm>>
    %dma_wait3A_203 = arith.constant 0 : i32
    %dma_wait3A_204 = tpu.memref_slice %arg3[%dma_wait3A_203] : memref<320000xi32, #tpu.memory_space<hbm>> -> memref<80xi32, #tpu.memory_space<hbm>>
    tpu.wait_dma2 semaphore(%arg15 : memref<!tpu.dma_semaphore, #tpu.memory_space<semaphore_mem>>) src(%dma_wait3A_204 : memref<80xi32, #tpu.memory_space<hbm>>) dst(%arg6 : memref<80xi32, #tpu.memory_space<vmem>>)
    %dma_wait3A_205 = arith.constant 0 : i32
    %dma_wait3A_206 = arith.constant 0 : i32
    %dma_wait3A_207 = tpu.memref_slice %arg2[%dma_wait3A_205, %dma_wait3A_206] : memref<320000x128xf32, #tpu.memory_space<hbm>> -> memref<80x128xf32, #tpu.memory_space<hbm>>
    %dma_wait3A_208 = arith.constant 0 : i32
    %dma_wait3A_209 = arith.constant 0 : i32
    %dma_wait3A_210 = tpu.memref_slice %arg2[%dma_wait3A_208, %dma_wait3A_209] : memref<320000x128xf32, #tpu.memory_space<hbm>> -> memref<80x128xf32, #tpu.memory_space<hbm>>
    tpu.wait_dma2 semaphore(%arg19 : memref<!tpu.dma_semaphore, #tpu.memory_space<semaphore_mem>>) src(%dma_wait3A_210 : memref<80x128xf32, #tpu.memory_space<hbm>>) dst(%arg10 : memref<80x128xf32, #tpu.memory_space<vmem>>)
    %dma_start3A_211 = arith.constant 0 : i32
    %dma_start3A_212 = arith.constant 0 : i32
    %dma_start3A_213 = tpu.memref_slice %arg14[%dma_start3A_211, %dma_start3A_212] : memref<10240x128xf32, #tpu.memory_space<vmem_shared>> -> memref<10240x128xf32, #tpu.memory_space<vmem_shared>>
    tpu.enqueue_indirect_dma source(%arg10 : memref<80x128xf32, #tpu.memory_space<vmem>>) target(%dma_start3A_213 : memref<10240x128xf32, #tpu.memory_space<vmem_shared>>) offsets(%arg6 : memref<80xi32, #tpu.memory_space<vmem>>) semaphore(%arg23 : memref<!tpu.dma_semaphore, #tpu.memory_space<semaphore_mem>>) {add = true}
    %dma_wait3A_214 = arith.constant 0 : i32
    %dma_wait3A_215 = arith.constant 0 : i32
    %dma_wait3A_216 = tpu.memref_slice %arg14[%dma_wait3A_214, %dma_wait3A_215] : memref<10240x128xf32, #tpu.memory_space<vmem_shared>> -> memref<10240x128xf32, #tpu.memory_space<vmem_shared>>
    tpu.wait_indirect_dma semaphore(%arg25 : memref<!tpu.dma_semaphore, #tpu.memory_space<semaphore_mem>>) src(%arg12 : memref<80x128xf32, #tpu.memory_space<vmem>>) dst(%dma_wait3A_216 : memref<10240x128xf32, #tpu.memory_space<vmem_shared>>)
    %dma_wait3A_217 = arith.constant 0 : i32
    %dma_wait3A_218 = arith.constant 0 : i32
    %dma_wait3A_219 = tpu.memref_slice %arg14[%dma_wait3A_217, %dma_wait3A_218] : memref<10240x128xf32, #tpu.memory_space<vmem_shared>> -> memref<10240x128xf32, #tpu.memory_space<vmem_shared>>
    tpu.wait_indirect_dma semaphore(%arg26 : memref<!tpu.dma_semaphore, #tpu.memory_space<semaphore_mem>>) src(%arg13 : memref<80x128xf32, #tpu.memory_space<vmem>>) dst(%dma_wait3A_219 : memref<10240x128xf32, #tpu.memory_space<vmem_shared>>)
    %dma_wait3A_220 = arith.constant 0 : i32
    %dma_wait3A_221 = arith.constant 0 : i32
    %dma_wait3A_222 = tpu.memref_slice %arg14[%dma_wait3A_220, %dma_wait3A_221] : memref<10240x128xf32, #tpu.memory_space<vmem_shared>> -> memref<10240x128xf32, #tpu.memory_space<vmem_shared>>
    tpu.wait_indirect_dma semaphore(%arg23 : memref<!tpu.dma_semaphore, #tpu.memory_space<semaphore_mem>>) src(%arg10 : memref<80x128xf32, #tpu.memory_space<vmem>>) dst(%dma_wait3A_222 : memref<10240x128xf32, #tpu.memory_space<vmem_shared>>)
    %barrier3A_223 = arith.constant 0 : index
    tpu.barrier barrier_id(%barrier3A_223)
    %mul3A_224 = arith.constant 624 : i32
    %mul3A_225 = arith.muli %arg1, %mul3A_224 : i32
    %mul3A_226 = arith.constant 624 : i32
    %mul3A_227 = arith.muli %arg1, %mul3A_226 : i32
    "tpu.region"() ({
      %run_scoped3A = tpu.sem_alloc : memref<!tpu.dma_semaphore, #tpu.memory_space<semaphore_mem>>
      %dma_start3A_230 = arith.constant 0 : i32
      %dma_start3A_231 = tpu.memref_slice %arg5[%arg0, %mul3A_227, %dma_start3A_230] : memref<2x10000x128xf32, #tpu.memory_space<hbm>> -> memref<1x624x128xf32, #tpu.memory_space<hbm>>
      %dma_start3A_232 = tpu.memref_squeeze %dma_start3A_231 : memref<1x624x128xf32, #tpu.memory_space<hbm>> -> memref<624x128xf32, #tpu.memory_space<hbm>>
      %dma_start3A_233 = arith.constant 0 : i32
      %dma_start3A_234 = tpu.memref_slice %arg14[%mul3A_225, %dma_start3A_233] : memref<10240x128xf32, #tpu.memory_space<vmem_shared>> -> memref<624x128xf32, #tpu.memory_space<vmem_shared>>
      tpu.enqueue_dma source(%dma_start3A_234 : memref<624x128xf32, #tpu.memory_space<vmem_shared>>) target(%dma_start3A_232 : memref<624x128xf32, #tpu.memory_space<hbm>>) target_semaphore(%run_scoped3A : memref<!tpu.dma_semaphore, #tpu.memory_space<semaphore_mem>>)
      %dma_wait3A_235 = arith.constant 0 : i32
      %dma_wait3A_236 = tpu.memref_slice %arg5[%arg0, %mul3A_227, %dma_wait3A_235] : memref<2x10000x128xf32, #tpu.memory_space<hbm>> -> memref<1x624x128xf32, #tpu.memory_space<hbm>>
      %dma_wait3A_237 = tpu.memref_squeeze %dma_wait3A_236 : memref<1x624x128xf32, #tpu.memory_space<hbm>> -> memref<624x128xf32, #tpu.memory_space<hbm>>
      %dma_wait3A_238 = arith.constant 0 : i32
      %dma_wait3A_239 = tpu.memref_slice %arg14[%mul3A_225, %dma_wait3A_238] : memref<10240x128xf32, #tpu.memory_space<vmem_shared>> -> memref<624x128xf32, #tpu.memory_space<vmem_shared>>
      tpu.wait_dma2 semaphore(%run_scoped3A : memref<!tpu.dma_semaphore, #tpu.memory_space<semaphore_mem>>) src(%dma_wait3A_239 : memref<624x128xf32, #tpu.memory_space<vmem_shared>>) dst(%dma_wait3A_237 : memref<624x128xf32, #tpu.memory_space<hbm>>)
      tpu.yield
    }) : () -> ()
    %eq3A = arith.constant 0 : i32
    %eq3A_228 = arith.cmpi eq, %arg1, %eq3A : i32
    %convert_element_type3A = arith.extui %eq3A_228 : i1 to i32
    %cond3A = arith.constant 0 : i32
    %cond3A_229 = arith.cmpi ne, %convert_element_type3A, %cond3A : i32
    scf.if %cond3A_229 {
      "tpu.region"() ({
        %run_scoped3A = tpu.sem_alloc : memref<!tpu.dma_semaphore, #tpu.memory_space<semaphore_mem>>
        %dma_start3A_230 = arith.constant 9984 : i32
        %dma_start3A_231 = arith.constant 0 : i32
        %dma_start3A_232 = tpu.memref_slice %arg5[%arg0, %dma_start3A_230, %dma_start3A_231] : memref<2x10000x128xf32, #tpu.memory_space<hbm>> -> memref<1x16x128xf32, #tpu.memory_space<hbm>>
        %dma_start3A_233 = tpu.memref_squeeze %dma_start3A_232 : memref<1x16x128xf32, #tpu.memory_space<hbm>> -> memref<16x128xf32, #tpu.memory_space<hbm>>
        %dma_start3A_234 = arith.constant 9984 : i32
        %dma_start3A_235 = arith.constant 0 : i32
        %dma_start3A_236 = tpu.memref_slice %arg14[%dma_start3A_234, %dma_start3A_235] : memref<10240x128xf32, #tpu.memory_space<vmem_shared>> -> memref<16x128xf32, #tpu.memory_space<vmem_shared>>
        tpu.enqueue_dma source(%dma_start3A_236 : memref<16x128xf32, #tpu.memory_space<vmem_shared>>) target(%dma_start3A_233 : memref<16x128xf32, #tpu.memory_space<hbm>>) target_semaphore(%run_scoped3A : memref<!tpu.dma_semaphore, #tpu.memory_space<semaphore_mem>>)
        %dma_wait3A_237 = arith.constant 9984 : i32
        %dma_wait3A_238 = arith.constant 0 : i32
        %dma_wait3A_239 = tpu.memref_slice %arg5[%arg0, %dma_wait3A_237, %dma_wait3A_238] : memref<2x10000x128xf32, #tpu.memory_space<hbm>> -> memref<1x16x128xf32, #tpu.memory_space<hbm>>
        %dma_wait3A_240 = tpu.memref_squeeze %dma_wait3A_239 : memref<1x16x128xf32, #tpu.memory_space<hbm>> -> memref<16x128xf32, #tpu.memory_space<hbm>>
        %dma_wait3A_241 = arith.constant 9984 : i32
        %dma_wait3A_242 = arith.constant 0 : i32
        %dma_wait3A_243 = tpu.memref_slice %arg14[%dma_wait3A_241, %dma_wait3A_242] : memref<10240x128xf32, #tpu.memory_space<vmem_shared>> -> memref<16x128xf32, #tpu.memory_space<vmem_shared>>
        tpu.wait_dma2 semaphore(%run_scoped3A : memref<!tpu.dma_semaphore, #tpu.memory_space<semaphore_mem>>) src(%dma_wait3A_243 : memref<16x128xf32, #tpu.memory_space<vmem_shared>>) dst(%dma_wait3A_240 : memref<16x128xf32, #tpu.memory_space<hbm>>)
        tpu.yield
      }) : () -> ()
    } else {
    }
    return
  }
}

module attributes {stable_mosaic.version = 14 : i64} {
  func.func @_edge_body(%arg0: i32, %arg1: memref<3200x7xf32, #tpu.memory_space<vmem>>, %arg2: memref<1x7x128xf32, #tpu.memory_space<vmem>>, %arg3: memref<2x128xf32, #tpu.memory_space<vmem>>, %arg4: memref<1x128xf32, #tpu.memory_space<vmem>>, %arg5: memref<3200x128xf32, #tpu.memory_space<vmem>>) attributes {dimension_semantics = [#tpu.dimension_semantics<arbitrary>], iteration_bounds = array<i64: 100>, scalar_prefetch = 0 : i64, scratch_operands = 0 : i64, tpu.core_type = #tpu.core_type<tc>, window_params = [{transform_indices = @transform_0, window_bounds = array<i64: 3200, 7>}, {transform_indices = @transform_1, window_bounds = array<i64: 1, 7, 128>}, {pipeline_mode = #tpu.pipeline_mode<synchronous>, transform_indices = @transform_2, window_bounds = array<i64: 2, 128>}, {pipeline_mode = #tpu.pipeline_mode<synchronous>, transform_indices = @transform_3, window_bounds = array<i64: 1, 128>}, {transform_indices = @transform_4, window_bounds = array<i64: 3200, 128>}]} {
    %get3A = arith.constant 0 : index
    %get3A_0 = arith.constant 0 : index
    %get3A_1 = vector.load %arg3[%get3A, %get3A_0] : memref<2x128xf32, #tpu.memory_space<vmem>>, vector<1x128xf32>
    %get3A_2 = arith.constant 0 : index
    %get3A_3 = arith.constant 0 : index
    %get3A_4 = vector.load %arg4[%get3A_2, %get3A_3] : memref<1x128xf32, #tpu.memory_space<vmem>>, vector<1x128xf32>
    %add3A = arith.addf %get3A_1, %get3A_4 : vector<1x128xf32>
    %get3A_5 = arith.constant 0 : index
    %get3A_6 = arith.constant 0 : index
    %get3A_7 = vector.load %arg1[%get3A_5, %get3A_6] : memref<3200x7xf32, #tpu.memory_space<vmem>>, vector<3200x7xf32>
    %get3A_8 = arith.constant 0 : index
    %get3A_9 = arith.constant 0 : index
    %get3A_10 = arith.constant 0 : index
    %get3A_11 = vector.load %arg2[%get3A_8, %get3A_9, %get3A_10] : memref<1x7x128xf32, #tpu.memory_space<vmem>>, vector<1x7x128xf32>
    %get3A_12 = vector.shape_cast %get3A_11 : vector<1x7x128xf32> to vector<7x128xf32>
    %dot_general3A = arith.constant dense<0.000000e+00> : vector<3200x128xf32>
    %dot_general3A_13 = tpu.matmul %get3A_7, %get3A_12, %dot_general3A {dimension_numbers = #tpu.dot_dimension_numbers<[1], [0], [0], [1], [0, 0, 1, 1], [], []>, transpose_lhs_hint = false} : vector<3200x7xf32>, vector<7x128xf32>, vector<3200x128xf32> -> vector<3200x128xf32>
    %add3A_14 = vector.broadcast %add3A : vector<1x128xf32> to vector<3200x128xf32>
    %add3A_15 = arith.addf %dot_general3A_13, %add3A_14 : vector<3200x128xf32>
    %max3A = arith.constant 0.000000e+00 : f32
    %max3A_16 = vector.broadcast %max3A : f32 to vector<3200x128xf32>
    %max3A_17 = arith.maximumf %add3A_15, %max3A_16 : vector<3200x128xf32>
    %swap3A = arith.constant 0 : index
    %swap3A_18 = arith.constant 0 : index
    %swap3A_19 = vector.load %arg5[%swap3A, %swap3A_18] : memref<3200x128xf32, #tpu.memory_space<vmem>>, vector<3200x128xf32>
    tpu.vector_store %arg5[%swap3A, %swap3A_18], %max3A_17 {strides = array<i32>} : memref<3200x128xf32, #tpu.memory_space<vmem>>, vector<3200x128xf32>,
    return
  }
  func.func @transform_0(%arg0: i32) -> (i32, i32) {
    %c0_i32 = arith.constant 0 : i32
    %c0_i32_0 = arith.constant 0 : i32
    return %arg0, %c0_i32 : i32, i32
  }
  func.func @transform_1(%arg0: i32) -> (i32, i32, i32) {
    %c0_i32 = arith.constant 0 : i32
    %c0_i32_0 = arith.constant 0 : i32
    %c0_i32_1 = arith.constant 0 : i32
    %c0_i32_2 = arith.constant 0 : i32
    return %c0_i32, %c0_i32_0, %c0_i32_1 : i32, i32, i32
  }
  func.func @transform_2(%arg0: i32) -> (i32, i32) {
    %c0_i32 = arith.constant 0 : i32
    %c0_i32_0 = arith.constant 0 : i32
    %c0_i32_1 = arith.constant 0 : i32
    return %c0_i32, %c0_i32_0 : i32, i32
  }
  func.func @transform_3(%arg0: i32) -> (i32, i32) {
    %c0_i32 = arith.constant 0 : i32
    %c0_i32_0 = arith.constant 0 : i32
    %c0_i32_1 = arith.constant 0 : i32
    return %c0_i32, %c0_i32_0 : i32, i32
  }
  func.func @transform_4(%arg0: i32) -> (i32, i32) {
    %c0_i32 = arith.constant 0 : i32
    %c0_i32_0 = arith.constant 0 : i32
    return %arg0, %c0_i32 : i32, i32
  }
}

module attributes {stable_mosaic.version = 14 : i64} {
  func.func @_split_body(%arg0: memref<2x320000xi32, #tpu.memory_space<vmem>>, %arg1: memref<320000xi32, #tpu.memory_space<vmem>>, %arg2: memref<320000xi32, #tpu.memory_space<vmem>>) attributes {dimension_semantics = [], scalar_prefetch = 0 : i64, scratch_operands = 0 : i64, tpu.core_type = #tpu.core_type<tc>} {
    %get3A = arith.constant 0 : index
    %get3A_0 = arith.constant 0 : index
    %get3A_1 = vector.load %arg0[%get3A, %get3A_0] : memref<2x320000xi32, #tpu.memory_space<vmem>>, vector<1x320000xi32>
    %get3A_2 = vector.shape_cast %get3A_1 : vector<1x320000xi32> to vector<320000xi32>
    %swap3A = arith.constant 0 : index
    %swap3A_3 = vector.load %arg1[%swap3A] : memref<320000xi32, #tpu.memory_space<vmem>>, vector<320000xi32>
    tpu.vector_store %arg1[%swap3A], %get3A_2 {strides = array<i32>} : memref<320000xi32, #tpu.memory_space<vmem>>, vector<320000xi32>,
    %get3A_4 = arith.constant 1 : index
    %get3A_5 = arith.constant 0 : index
    %get3A_6 = vector.load %arg0[%get3A_4, %get3A_5] : memref<2x320000xi32, #tpu.memory_space<vmem>>, vector<1x320000xi32>
    %get3A_7 = vector.shape_cast %get3A_6 : vector<1x320000xi32> to vector<320000xi32>
    %swap3A_8 = arith.constant 0 : index
    %swap3A_9 = vector.load %arg2[%swap3A_8] : memref<320000xi32, #tpu.memory_space<vmem>>, vector<320000xi32>
    tpu.vector_store %arg2[%swap3A_8], %get3A_7 {strides = array<i32>} : memref<320000xi32, #tpu.memory_space<vmem>>, vector<320000xi32>,
    return
  }
}

module attributes {stable_mosaic.version = 14 : i64} {
  func.func @_edge_body(%arg0: i32, %arg1: memref<3200x7xf32, #tpu.memory_space<vmem>>, %arg2: memref<1x7x128xf32, #tpu.memory_space<vmem>>, %arg3: memref<2x128xf32, #tpu.memory_space<vmem>>, %arg4: memref<3200x128xf32, #tpu.memory_space<vmem>>) attributes {dimension_semantics = [#tpu.dimension_semantics<arbitrary>], iteration_bounds = array<i64: 100>, scalar_prefetch = 0 : i64, scratch_operands = 0 : i64, tpu.core_type = #tpu.core_type<tc>, window_params = [{transform_indices = @transform_0, window_bounds = array<i64: 3200, 7>}, {transform_indices = @transform_1, window_bounds = array<i64: 1, 7, 128>}, {pipeline_mode = #tpu.pipeline_mode<synchronous>, transform_indices = @transform_2, window_bounds = array<i64: 2, 128>}, {transform_indices = @transform_3, window_bounds = array<i64: 3200, 128>}]} {
    %get3A = arith.constant 1 : index
    %get3A_0 = arith.constant 0 : index
    %get3A_1 = vector.load %arg3[%get3A, %get3A_0] : memref<2x128xf32, #tpu.memory_space<vmem>>, vector<1x128xf32>
    %get3A_2 = arith.constant 0 : index
    %get3A_3 = arith.constant 0 : index
    %get3A_4 = vector.load %arg1[%get3A_2, %get3A_3] : memref<3200x7xf32, #tpu.memory_space<vmem>>, vector<3200x7xf32>
    %get3A_5 = arith.constant 0 : index
    %get3A_6 = arith.constant 0 : index
    %get3A_7 = arith.constant 0 : index
    %get3A_8 = vector.load %arg2[%get3A_5, %get3A_6, %get3A_7] : memref<1x7x128xf32, #tpu.memory_space<vmem>>, vector<1x7x128xf32>
    %get3A_9 = vector.shape_cast %get3A_8 : vector<1x7x128xf32> to vector<7x128xf32>
    %dot_general3A = arith.constant dense<0.000000e+00> : vector<3200x128xf32>
    %dot_general3A_10 = tpu.matmul %get3A_4, %get3A_9, %dot_general3A {dimension_numbers = #tpu.dot_dimension_numbers<[1], [0], [0], [1], [0, 0, 1, 1], [], []>, transpose_lhs_hint = false} : vector<3200x7xf32>, vector<7x128xf32>, vector<3200x128xf32> -> vector<3200x128xf32>
    %add3A = vector.broadcast %get3A_1 : vector<1x128xf32> to vector<3200x128xf32>
    %add3A_11 = arith.addf %dot_general3A_10, %add3A : vector<3200x128xf32>
    %swap3A = arith.constant 0 : index
    %swap3A_12 = arith.constant 0 : index
    %swap3A_13 = vector.load %arg4[%swap3A, %swap3A_12] : memref<3200x128xf32, #tpu.memory_space<vmem>>, vector<3200x128xf32>
    tpu.vector_store %arg4[%swap3A, %swap3A_12], %add3A_11 {strides = array<i32>} : memref<3200x128xf32, #tpu.memory_space<vmem>>, vector<3200x128xf32>,
    return
  }
  func.func @transform_0(%arg0: i32) -> (i32, i32) {
    %c0_i32 = arith.constant 0 : i32
    %c0_i32_0 = arith.constant 0 : i32
    return %arg0, %c0_i32 : i32, i32
  }
  func.func @transform_1(%arg0: i32) -> (i32, i32, i32) {
    %c1_i32 = arith.constant 1 : i32
    %c0_i32 = arith.constant 0 : i32
    %c0_i32_0 = arith.constant 0 : i32
    %c0_i32_1 = arith.constant 0 : i32
    return %c1_i32, %c0_i32, %c0_i32_0 : i32, i32, i32
  }
  func.func @transform_2(%arg0: i32) -> (i32, i32) {
    %c0_i32 = arith.constant 0 : i32
    %c0_i32_0 = arith.constant 0 : i32
    %c0_i32_1 = arith.constant 0 : i32
    return %c0_i32, %c0_i32_0 : i32, i32
  }
  func.func @transform_3(%arg0: i32) -> (i32, i32) {
    %c0_i32 = arith.constant 0 : i32
    %c0_i32_0 = arith.constant 0 : i32
    return %arg0, %c0_i32 : i32, i32
  }
}

module attributes {stable_mosaic.version = 14 : i64} {
  func.func @_node_body(%arg0: i32, %arg1: memref<1x128xf32, #tpu.memory_space<vmem>>, %arg2: memref<2x10000x128xf32, #tpu.memory_space<vmem>>, %arg3: memref<1x2xf32, #tpu.memory_space<vmem>>, %arg4: memref<1x128x256xf32, #tpu.memory_space<vmem>>, %arg5: memref<2x256xf32, #tpu.memory_space<vmem>>, %arg6: memref<2x256xf32, #tpu.memory_space<vmem>>, %arg7: memref<2x256xf32, #tpu.memory_space<vmem>>, %arg8: memref<1x256x128xf32, #tpu.memory_space<vmem>>, %arg9: memref<2x128xf32, #tpu.memory_space<vmem>>, %arg10: memref<2x128xf32, #tpu.memory_space<vmem>>, %arg11: memref<2x128xf32, #tpu.memory_space<vmem>>, %arg12: memref<10000x128xf32, #tpu.memory_space<vmem>>) attributes {dimension_semantics = [#tpu.dimension_semantics<arbitrary>], iteration_bounds = array<i64: 1>, scalar_prefetch = 0 : i64, scratch_operands = 0 : i64, tpu.core_type = #tpu.core_type<tc>, window_params = [{pipeline_mode = #tpu.pipeline_mode<synchronous>, transform_indices = @transform_0, window_bounds = array<i64: 1, 128>}, {pipeline_mode = #tpu.pipeline_mode<synchronous>, transform_indices = @transform_1, window_bounds = array<i64: 2, 10000, 128>}, {pipeline_mode = #tpu.pipeline_mode<synchronous>, transform_indices = @transform_2, window_bounds = array<i64: 1, 2>}, {transform_indices = @transform_3, window_bounds = array<i64: 1, 128, 256>}, {pipeline_mode = #tpu.pipeline_mode<synchronous>, transform_indices = @transform_4, window_bounds = array<i64: 2, 256>}, {pipeline_mode = #tpu.pipeline_mode<synchronous>, transform_indices = @transform_5, window_bounds = array<i64: 2, 256>}, {pipeline_mode = #tpu.pipeline_mode<synchronous>, transform_indices = @transform_6, window_bounds = array<i64: 2, 256>}, {transform_indices = @transform_7, window_bounds = array<i64: 1, 256, 128>}, {pipeline_mode = #tpu.pipeline_mode<synchronous>, transform_indices = @transform_8, window_bounds = array<i64: 2, 128>}, {pipeline_mode = #tpu.pipeline_mode<synchronous>, transform_indices = @transform_9, window_bounds = array<i64: 2, 128>}, {pipeline_mode = #tpu.pipeline_mode<synchronous>, transform_indices = @transform_10, window_bounds = array<i64: 2, 128>}, {pipeline_mode = #tpu.pipeline_mode<synchronous>, transform_indices = @transform_11, window_bounds = array<i64: 10000, 128>}]} {
    %get3A = arith.constant 0 : index
    %get3A_0 = arith.constant 0 : index
    %get3A_1 = arith.constant 0 : index
    %get3A_2 = vector.load %arg2[%get3A, %get3A_0, %get3A_1] : memref<2x10000x128xf32, #tpu.memory_space<vmem>>, vector<1x10000x128xf32>
    %get3A_3 = vector.shape_cast %get3A_2 : vector<1x10000x128xf32> to vector<10000x128xf32>
    %get3A_4 = arith.constant 1 : index
    %get3A_5 = arith.constant 0 : index
    %get3A_6 = arith.constant 0 : index
    %get3A_7 = vector.load %arg2[%get3A_4, %get3A_5, %get3A_6] : memref<2x10000x128xf32, #tpu.memory_space<vmem>>, vector<1x10000x128xf32>
    %get3A_8 = vector.shape_cast %get3A_7 : vector<1x10000x128xf32> to vector<10000x128xf32>
    %add3A = arith.addf %get3A_3, %get3A_8 : vector<10000x128xf32>
    %get3A_9 = arith.constant 0 : index
    %get3A_10 = arith.constant 0 : index
    %get3A_11 = vector.load %arg3[%get3A_9, %get3A_10] : memref<1x2xf32, #tpu.memory_space<vmem>>, vector<1x1xf32>
    %get3A_12 = vector.extract %get3A_11[0, 0] : f32 from vector<1x1xf32>
    %add3A_13 = arith.constant 1.000000e+00 : f32
    %add3A_14 = arith.addf %add3A_13, %get3A_12 : f32
    %get3A_15 = arith.constant 0 : index
    %get3A_16 = arith.constant 0 : index
    %get3A_17 = vector.load %arg1[%get3A_15, %get3A_16] : memref<1x128xf32, #tpu.memory_space<vmem>>, vector<1x128xf32>
    %mul3A = vector.broadcast %add3A_14 : f32 to vector<1x128xf32>
    %mul3A_18 = arith.mulf %mul3A, %get3A_17 : vector<1x128xf32>
    %add3A_19 = vector.broadcast %mul3A_18 : vector<1x128xf32> to vector<10000x128xf32>
    %add3A_20 = arith.addf %add3A_19, %add3A : vector<10000x128xf32>
    %get3A_21 = arith.constant 0 : index
    %get3A_22 = arith.constant 0 : index
    %get3A_23 = arith.constant 0 : index
    %get3A_24 = vector.load %arg4[%get3A_21, %get3A_22, %get3A_23] : memref<1x128x256xf32, #tpu.memory_space<vmem>>, vector<1x128x256xf32>
    %get3A_25 = vector.shape_cast %get3A_24 : vector<1x128x256xf32> to vector<128x256xf32>
    %dot_general3A = arith.constant dense<0.000000e+00> : vector<10000x256xf32>
    %dot_general3A_26 = tpu.matmul %add3A_20, %get3A_25, %dot_general3A {dimension_numbers = #tpu.dot_dimension_numbers<[1], [0], [0], [1], [0, 0, 1, 1], [], []>, transpose_lhs_hint = false} : vector<10000x128xf32>, vector<128x256xf32>, vector<10000x256xf32> -> vector<10000x256xf32>
    %get3A_27 = arith.constant 0 : index
    %get3A_28 = arith.constant 0 : index
    %get3A_29 = vector.load %arg5[%get3A_27, %get3A_28] : memref<2x256xf32, #tpu.memory_space<vmem>>, vector<1x256xf32>
    %add3A_30 = vector.broadcast %get3A_29 : vector<1x256xf32> to vector<10000x256xf32>
    %add3A_31 = arith.addf %dot_general3A_26, %add3A_30 : vector<10000x256xf32>
    %reduce_sum3A = arith.constant dense<0.000000e+00> : vector<256xf32>
    %reduce_sum3A_32 = vector.multi_reduction <add>, %add3A_31, %reduce_sum3A [0] : vector<10000x256xf32> to vector<256xf32>
    %broadcast_in_dim3A = vector.shape_cast %reduce_sum3A_32 : vector<256xf32> to vector<1x256xf32>
    %div3A = arith.constant 1.000000e+04 : f32
    %div3A_33 = vector.broadcast %div3A : f32 to vector<1x256xf32>
    %div3A_34 = arith.divf %broadcast_in_dim3A, %div3A_33 : vector<1x256xf32>
    %sub3A = vector.broadcast %div3A_34 : vector<1x256xf32> to vector<10000x256xf32>
    %sub3A_35 = arith.subf %add3A_31, %sub3A : vector<10000x256xf32>
    %integer_pow3A = arith.mulf %sub3A_35, %sub3A_35 : vector<10000x256xf32>
    %reduce_sum3A_36 = arith.constant dense<0.000000e+00> : vector<256xf32>
    %reduce_sum3A_37 = vector.multi_reduction <add>, %integer_pow3A, %reduce_sum3A_36 [0] : vector<10000x256xf32> to vector<256xf32>
    %broadcast_in_dim3A_38 = vector.shape_cast %reduce_sum3A_37 : vector<256xf32> to vector<1x256xf32>
    %div3A_39 = arith.constant 1.000000e+04 : f32
    %div3A_40 = vector.broadcast %div3A_39 : f32 to vector<1x256xf32>
    %div3A_41 = arith.divf %broadcast_in_dim3A_38, %div3A_40 : vector<1x256xf32>
    %sub3A_42 = vector.broadcast %div3A_34 : vector<1x256xf32> to vector<10000x256xf32>
    %sub3A_43 = arith.subf %add3A_31, %sub3A_42 : vector<10000x256xf32>
    %add3A_44 = arith.constant 9.99999974E-6 : f32
    %add3A_45 = vector.broadcast %add3A_44 : f32 to vector<1x256xf32>
    %add3A_46 = arith.addf %div3A_41, %add3A_45 : vector<1x256xf32>
    %rsqrt3A = math.rsqrt %add3A_46 : vector<1x256xf32>
    %mul3A_47 = vector.broadcast %rsqrt3A : vector<1x256xf32> to vector<10000x256xf32>
    %mul3A_48 = arith.mulf %sub3A_43, %mul3A_47 : vector<10000x256xf32>
    %get3A_49 = arith.constant 0 : index
    %get3A_50 = arith.constant 0 : index
    %get3A_51 = vector.load %arg6[%get3A_49, %get3A_50] : memref<2x256xf32, #tpu.memory_space<vmem>>, vector<1x256xf32>
    %mul3A_52 = vector.broadcast %get3A_51 : vector<1x256xf32> to vector<10000x256xf32>
    %mul3A_53 = arith.mulf %mul3A_48, %mul3A_52 : vector<10000x256xf32>
    %get3A_54 = arith.constant 0 : index
    %get3A_55 = arith.constant 0 : index
    %get3A_56 = vector.load %arg7[%get3A_54, %get3A_55] : memref<2x256xf32, #tpu.memory_space<vmem>>, vector<1x256xf32>
    %add3A_57 = vector.broadcast %get3A_56 : vector<1x256xf32> to vector<10000x256xf32>
    %add3A_58 = arith.addf %mul3A_53, %add3A_57 : vector<10000x256xf32>
    %max3A = arith.constant 0.000000e+00 : f32
    %max3A_59 = vector.broadcast %max3A : f32 to vector<10000x256xf32>
    %max3A_60 = arith.maximumf %add3A_58, %max3A_59 : vector<10000x256xf32>
    %get3A_61 = arith.constant 0 : index
    %get3A_62 = arith.constant 0 : index
    %get3A_63 = arith.constant 0 : index
    %get3A_64 = vector.load %arg8[%get3A_61, %get3A_62, %get3A_63] : memref<1x256x128xf32, #tpu.memory_space<vmem>>, vector<1x256x128xf32>
    %get3A_65 = vector.shape_cast %get3A_64 : vector<1x256x128xf32> to vector<256x128xf32>
    %dot_general3A_66 = arith.constant dense<0.000000e+00> : vector<10000x128xf32>
    %dot_general3A_67 = tpu.matmul %max3A_60, %get3A_65, %dot_general3A_66 {dimension_numbers = #tpu.dot_dimension_numbers<[1], [0], [0], [1], [0, 0, 1, 1], [], []>, transpose_lhs_hint = false} : vector<10000x256xf32>, vector<256x128xf32>, vector<10000x128xf32> -> vector<10000x128xf32>
    %get3A_68 = arith.constant 0 : index
    %get3A_69 = arith.constant 0 : index
    %get3A_70 = vector.load %arg9[%get3A_68, %get3A_69] : memref<2x128xf32, #tpu.memory_space<vmem>>, vector<1x128xf32>
    %add3A_71 = vector.broadcast %get3A_70 : vector<1x128xf32> to vector<10000x128xf32>
    %add3A_72 = arith.addf %dot_general3A_67, %add3A_71 : vector<10000x128xf32>
    %reduce_sum3A_73 = arith.constant dense<0.000000e+00> : vector<128xf32>
    %reduce_sum3A_74 = vector.multi_reduction <add>, %add3A_72, %reduce_sum3A_73 [0] : vector<10000x128xf32> to vector<128xf32>
    %broadcast_in_dim3A_75 = vector.shape_cast %reduce_sum3A_74 : vector<128xf32> to vector<1x128xf32>
    %div3A_76 = arith.constant 1.000000e+04 : f32
    %div3A_77 = vector.broadcast %div3A_76 : f32 to vector<1x128xf32>
    %div3A_78 = arith.divf %broadcast_in_dim3A_75, %div3A_77 : vector<1x128xf32>
    %sub3A_79 = vector.broadcast %div3A_78 : vector<1x128xf32> to vector<10000x128xf32>
    %sub3A_80 = arith.subf %add3A_72, %sub3A_79 : vector<10000x128xf32>
    %integer_pow3A_81 = arith.mulf %sub3A_80, %sub3A_80 : vector<10000x128xf32>
    %reduce_sum3A_82 = arith.constant dense<0.000000e+00> : vector<128xf32>
    %reduce_sum3A_83 = vector.multi_reduction <add>, %integer_pow3A_81, %reduce_sum3A_82 [0] : vector<10000x128xf32> to vector<128xf32>
    %broadcast_in_dim3A_84 = vector.shape_cast %reduce_sum3A_83 : vector<128xf32> to vector<1x128xf32>
    %div3A_85 = arith.constant 1.000000e+04 : f32
    %div3A_86 = vector.broadcast %div3A_85 : f32 to vector<1x128xf32>
    %div3A_87 = arith.divf %broadcast_in_dim3A_84, %div3A_86 : vector<1x128xf32>
    %sub3A_88 = vector.broadcast %div3A_78 : vector<1x128xf32> to vector<10000x128xf32>
    %sub3A_89 = arith.subf %add3A_72, %sub3A_88 : vector<10000x128xf32>
    %add3A_90 = arith.constant 9.99999974E-6 : f32
    %add3A_91 = vector.broadcast %add3A_90 : f32 to vector<1x128xf32>
    %add3A_92 = arith.addf %div3A_87, %add3A_91 : vector<1x128xf32>
    %rsqrt3A_93 = math.rsqrt %add3A_92 : vector<1x128xf32>
    %mul3A_94 = vector.broadcast %rsqrt3A_93 : vector<1x128xf32> to vector<10000x128xf32>
    %mul3A_95 = arith.mulf %sub3A_89, %mul3A_94 : vector<10000x128xf32>
    %get3A_96 = arith.constant 0 : index
    %get3A_97 = arith.constant 0 : index
    %get3A_98 = vector.load %arg10[%get3A_96, %get3A_97] : memref<2x128xf32, #tpu.memory_space<vmem>>, vector<1x128xf32>
    %mul3A_99 = vector.broadcast %get3A_98 : vector<1x128xf32> to vector<10000x128xf32>
    %mul3A_100 = arith.mulf %mul3A_95, %mul3A_99 : vector<10000x128xf32>
    %get3A_101 = arith.constant 0 : index
    %get3A_102 = arith.constant 0 : index
    %get3A_103 = vector.load %arg11[%get3A_101, %get3A_102] : memref<2x128xf32, #tpu.memory_space<vmem>>, vector<1x128xf32>
    %add3A_104 = vector.broadcast %get3A_103 : vector<1x128xf32> to vector<10000x128xf32>
    %add3A_105 = arith.addf %mul3A_100, %add3A_104 : vector<10000x128xf32>
    %max3A_106 = arith.constant 0.000000e+00 : f32
    %max3A_107 = vector.broadcast %max3A_106 : f32 to vector<10000x128xf32>
    %max3A_108 = arith.maximumf %add3A_105, %max3A_107 : vector<10000x128xf32>
    %swap3A = arith.constant 0 : index
    %swap3A_109 = arith.constant 0 : index
    %swap3A_110 = vector.load %arg12[%swap3A, %swap3A_109] : memref<10000x128xf32, #tpu.memory_space<vmem>>, vector<10000x128xf32>
    tpu.vector_store %arg12[%swap3A, %swap3A_109], %max3A_108 {strides = array<i32>} : memref<10000x128xf32, #tpu.memory_space<vmem>>, vector<10000x128xf32>,
    return
  }
  func.func @transform_0(%arg0: i32) -> (i32, i32) {
    %c0_i32 = arith.constant 0 : i32
    %c0_i32_0 = arith.constant 0 : i32
    %c0_i32_1 = arith.constant 0 : i32
    return %c0_i32, %c0_i32_0 : i32, i32
  }
  func.func @transform_1(%arg0: i32) -> (i32, i32, i32) {
    %c0_i32 = arith.constant 0 : i32
    %c0_i32_0 = arith.constant 0 : i32
    %c0_i32_1 = arith.constant 0 : i32
    %c0_i32_2 = arith.constant 0 : i32
    return %c0_i32, %c0_i32_0, %c0_i32_1 : i32, i32, i32
  }
  func.func @transform_2(%arg0: i32) -> (i32, i32) {
    %c0_i32 = arith.constant 0 : i32
    %c0_i32_0 = arith.constant 0 : i32
    %c0_i32_1 = arith.constant 0 : i32
    return %c0_i32, %c0_i32_0 : i32, i32
  }
  func.func @transform_3(%arg0: i32) -> (i32, i32, i32) {
    %c0_i32 = arith.constant 0 : i32
    %c0_i32_0 = arith.constant 0 : i32
    %c0_i32_1 = arith.constant 0 : i32
    %c0_i32_2 = arith.constant 0 : i32
    return %c0_i32, %c0_i32_0, %c0_i32_1 : i32, i32, i32
  }
  func.func @transform_4(%arg0: i32) -> (i32, i32) {
    %c0_i32 = arith.constant 0 : i32
    %c0_i32_0 = arith.constant 0 : i32
    %c0_i32_1 = arith.constant 0 : i32
    return %c0_i32, %c0_i32_0 : i32, i32
  }
  func.func @transform_5(%arg0: i32) -> (i32, i32) {
    %c0_i32 = arith.constant 0 : i32
    %c0_i32_0 = arith.constant 0 : i32
    %c0_i32_1 = arith.constant 0 : i32
    return %c0_i32, %c0_i32_0 : i32, i32
  }
  func.func @transform_6(%arg0: i32) -> (i32, i32) {
    %c0_i32 = arith.constant 0 : i32
    %c0_i32_0 = arith.constant 0 : i32
    %c0_i32_1 = arith.constant 0 : i32
    return %c0_i32, %c0_i32_0 : i32, i32
  }
  func.func @transform_7(%arg0: i32) -> (i32, i32, i32) {
    %c0_i32 = arith.constant 0 : i32
    %c0_i32_0 = arith.constant 0 : i32
    %c0_i32_1 = arith.constant 0 : i32
    %c0_i32_2 = arith.constant 0 : i32
    return %c0_i32, %c0_i32_0, %c0_i32_1 : i32, i32, i32
  }
  func.func @transform_8(%arg0: i32) -> (i32, i32) {
    %c0_i32 = arith.constant 0 : i32
    %c0_i32_0 = arith.constant 0 : i32
    %c0_i32_1 = arith.constant 0 : i32
    return %c0_i32, %c0_i32_0 : i32, i32
  }
  func.func @transform_9(%arg0: i32) -> (i32, i32) {
    %c0_i32 = arith.constant 0 : i32
    %c0_i32_0 = arith.constant 0 : i32
    %c0_i32_1 = arith.constant 0 : i32
    return %c0_i32, %c0_i32_0 : i32, i32
  }
  func.func @transform_10(%arg0: i32) -> (i32, i32) {
    %c0_i32 = arith.constant 0 : i32
    %c0_i32_0 = arith.constant 0 : i32
    %c0_i32_1 = arith.constant 0 : i32
    return %c0_i32, %c0_i32_0 : i32, i32
  }
  func.func @transform_11(%arg0: i32) -> (i32, i32) {
    %c0_i32 = arith.constant 0 : i32
    %c0_i32_0 = arith.constant 0 : i32
    %c0_i32_1 = arith.constant 0 : i32
    return %c0_i32, %c0_i32_0 : i32, i32
  }
}

module attributes {stable_mosaic.version = 14 : i64} {
  func.func @_node_body(%arg0: i32, %arg1: memref<10000x128xf32, #tpu.memory_space<vmem>>, %arg2: memref<2x10000x128xf32, #tpu.memory_space<vmem>>, %arg3: memref<1x2xf32, #tpu.memory_space<vmem>>, %arg4: memref<1x128x256xf32, #tpu.memory_space<vmem>>, %arg5: memref<2x256xf32, #tpu.memory_space<vmem>>, %arg6: memref<2x256xf32, #tpu.memory_space<vmem>>, %arg7: memref<2x256xf32, #tpu.memory_space<vmem>>, %arg8: memref<1x256x128xf32, #tpu.memory_space<vmem>>, %arg9: memref<2x128xf32, #tpu.memory_space<vmem>>, %arg10: memref<2x128xf32, #tpu.memory_space<vmem>>, %arg11: memref<2x128xf32, #tpu.memory_space<vmem>>, %arg12: memref<10000x128xf32, #tpu.memory_space<vmem>>) attributes {dimension_semantics = [#tpu.dimension_semantics<arbitrary>], iteration_bounds = array<i64: 1>, scalar_prefetch = 0 : i64, scratch_operands = 0 : i64, tpu.core_type = #tpu.core_type<tc>, window_params = [{pipeline_mode = #tpu.pipeline_mode<synchronous>, transform_indices = @transform_0, window_bounds = array<i64: 10000, 128>}, {pipeline_mode = #tpu.pipeline_mode<synchronous>, transform_indices = @transform_1, window_bounds = array<i64: 2, 10000, 128>}, {pipeline_mode = #tpu.pipeline_mode<synchronous>, transform_indices = @transform_2, window_bounds = array<i64: 1, 2>}, {transform_indices = @transform_3, window_bounds = array<i64: 1, 128, 256>}, {pipeline_mode = #tpu.pipeline_mode<synchronous>, transform_indices = @transform_4, window_bounds = array<i64: 2, 256>}, {pipeline_mode = #tpu.pipeline_mode<synchronous>, transform_indices = @transform_5, window_bounds = array<i64: 2, 256>}, {pipeline_mode = #tpu.pipeline_mode<synchronous>, transform_indices = @transform_6, window_bounds = array<i64: 2, 256>}, {transform_indices = @transform_7, window_bounds = array<i64: 1, 256, 128>}, {pipeline_mode = #tpu.pipeline_mode<synchronous>, transform_indices = @transform_8, window_bounds = array<i64: 2, 128>}, {pipeline_mode = #tpu.pipeline_mode<synchronous>, transform_indices = @transform_9, window_bounds = array<i64: 2, 128>}, {pipeline_mode = #tpu.pipeline_mode<synchronous>, transform_indices = @transform_10, window_bounds = array<i64: 2, 128>}, {pipeline_mode = #tpu.pipeline_mode<synchronous>, transform_indices = @transform_11, window_bounds = array<i64: 10000, 128>}]} {
    %get3A = arith.constant 0 : index
    %get3A_0 = arith.constant 0 : index
    %get3A_1 = arith.constant 0 : index
    %get3A_2 = vector.load %arg2[%get3A, %get3A_0, %get3A_1] : memref<2x10000x128xf32, #tpu.memory_space<vmem>>, vector<1x10000x128xf32>
    %get3A_3 = vector.shape_cast %get3A_2 : vector<1x10000x128xf32> to vector<10000x128xf32>
    %get3A_4 = arith.constant 1 : index
    %get3A_5 = arith.constant 0 : index
    %get3A_6 = arith.constant 0 : index
    %get3A_7 = vector.load %arg2[%get3A_4, %get3A_5, %get3A_6] : memref<2x10000x128xf32, #tpu.memory_space<vmem>>, vector<1x10000x128xf32>
    %get3A_8 = vector.shape_cast %get3A_7 : vector<1x10000x128xf32> to vector<10000x128xf32>
    %add3A = arith.addf %get3A_3, %get3A_8 : vector<10000x128xf32>
    %get3A_9 = arith.constant 0 : index
    %get3A_10 = arith.constant 1 : index
    %get3A_11 = vector.load %arg3[%get3A_9, %get3A_10] : memref<1x2xf32, #tpu.memory_space<vmem>>, vector<1x1xf32>
    %get3A_12 = vector.extract %get3A_11[0, 0] : f32 from vector<1x1xf32>
    %add3A_13 = arith.constant 1.000000e+00 : f32
    %add3A_14 = arith.addf %add3A_13, %get3A_12 : f32
    %get3A_15 = arith.constant 0 : index
    %get3A_16 = arith.constant 0 : index
    %get3A_17 = vector.load %arg1[%get3A_15, %get3A_16] : memref<10000x128xf32, #tpu.memory_space<vmem>>, vector<10000x128xf32>
    %mul3A = vector.broadcast %add3A_14 : f32 to vector<10000x128xf32>
    %mul3A_18 = arith.mulf %mul3A, %get3A_17 : vector<10000x128xf32>
    %add3A_19 = arith.addf %mul3A_18, %add3A : vector<10000x128xf32>
    %get3A_20 = arith.constant 0 : index
    %get3A_21 = arith.constant 0 : index
    %get3A_22 = arith.constant 0 : index
    %get3A_23 = vector.load %arg4[%get3A_20, %get3A_21, %get3A_22] : memref<1x128x256xf32, #tpu.memory_space<vmem>>, vector<1x128x256xf32>
    %get3A_24 = vector.shape_cast %get3A_23 : vector<1x128x256xf32> to vector<128x256xf32>
    %dot_general3A = arith.constant dense<0.000000e+00> : vector<10000x256xf32>
    %dot_general3A_25 = tpu.matmul %add3A_19, %get3A_24, %dot_general3A {dimension_numbers = #tpu.dot_dimension_numbers<[1], [0], [0], [1], [0, 0, 1, 1], [], []>, transpose_lhs_hint = false} : vector<10000x128xf32>, vector<128x256xf32>, vector<10000x256xf32> -> vector<10000x256xf32>
    %get3A_26 = arith.constant 1 : index
    %get3A_27 = arith.constant 0 : index
    %get3A_28 = vector.load %arg5[%get3A_26, %get3A_27] : memref<2x256xf32, #tpu.memory_space<vmem>>, vector<1x256xf32>
    %add3A_29 = vector.broadcast %get3A_28 : vector<1x256xf32> to vector<10000x256xf32>
    %add3A_30 = arith.addf %dot_general3A_25, %add3A_29 : vector<10000x256xf32>
    %reduce_sum3A = arith.constant dense<0.000000e+00> : vector<256xf32>
    %reduce_sum3A_31 = vector.multi_reduction <add>, %add3A_30, %reduce_sum3A [0] : vector<10000x256xf32> to vector<256xf32>
    %broadcast_in_dim3A = vector.shape_cast %reduce_sum3A_31 : vector<256xf32> to vector<1x256xf32>
    %div3A = arith.constant 1.000000e+04 : f32
    %div3A_32 = vector.broadcast %div3A : f32 to vector<1x256xf32>
    %div3A_33 = arith.divf %broadcast_in_dim3A, %div3A_32 : vector<1x256xf32>
    %sub3A = vector.broadcast %div3A_33 : vector<1x256xf32> to vector<10000x256xf32>
    %sub3A_34 = arith.subf %add3A_30, %sub3A : vector<10000x256xf32>
    %integer_pow3A = arith.mulf %sub3A_34, %sub3A_34 : vector<10000x256xf32>
    %reduce_sum3A_35 = arith.constant dense<0.000000e+00> : vector<256xf32>
    %reduce_sum3A_36 = vector.multi_reduction <add>, %integer_pow3A, %reduce_sum3A_35 [0] : vector<10000x256xf32> to vector<256xf32>
    %broadcast_in_dim3A_37 = vector.shape_cast %reduce_sum3A_36 : vector<256xf32> to vector<1x256xf32>
    %div3A_38 = arith.constant 1.000000e+04 : f32
    %div3A_39 = vector.broadcast %div3A_38 : f32 to vector<1x256xf32>
    %div3A_40 = arith.divf %broadcast_in_dim3A_37, %div3A_39 : vector<1x256xf32>
    %sub3A_41 = vector.broadcast %div3A_33 : vector<1x256xf32> to vector<10000x256xf32>
    %sub3A_42 = arith.subf %add3A_30, %sub3A_41 : vector<10000x256xf32>
    %add3A_43 = arith.constant 9.99999974E-6 : f32
    %add3A_44 = vector.broadcast %add3A_43 : f32 to vector<1x256xf32>
    %add3A_45 = arith.addf %div3A_40, %add3A_44 : vector<1x256xf32>
    %rsqrt3A = math.rsqrt %add3A_45 : vector<1x256xf32>
    %mul3A_46 = vector.broadcast %rsqrt3A : vector<1x256xf32> to vector<10000x256xf32>
    %mul3A_47 = arith.mulf %sub3A_42, %mul3A_46 : vector<10000x256xf32>
    %get3A_48 = arith.constant 1 : index
    %get3A_49 = arith.constant 0 : index
    %get3A_50 = vector.load %arg6[%get3A_48, %get3A_49] : memref<2x256xf32, #tpu.memory_space<vmem>>, vector<1x256xf32>
    %mul3A_51 = vector.broadcast %get3A_50 : vector<1x256xf32> to vector<10000x256xf32>
    %mul3A_52 = arith.mulf %mul3A_47, %mul3A_51 : vector<10000x256xf32>
    %get3A_53 = arith.constant 1 : index
    %get3A_54 = arith.constant 0 : index
    %get3A_55 = vector.load %arg7[%get3A_53, %get3A_54] : memref<2x256xf32, #tpu.memory_space<vmem>>, vector<1x256xf32>
    %add3A_56 = vector.broadcast %get3A_55 : vector<1x256xf32> to vector<10000x256xf32>
    %add3A_57 = arith.addf %mul3A_52, %add3A_56 : vector<10000x256xf32>
    %max3A = arith.constant 0.000000e+00 : f32
    %max3A_58 = vector.broadcast %max3A : f32 to vector<10000x256xf32>
    %max3A_59 = arith.maximumf %add3A_57, %max3A_58 : vector<10000x256xf32>
    %get3A_60 = arith.constant 0 : index
    %get3A_61 = arith.constant 0 : index
    %get3A_62 = arith.constant 0 : index
    %get3A_63 = vector.load %arg8[%get3A_60, %get3A_61, %get3A_62] : memref<1x256x128xf32, #tpu.memory_space<vmem>>, vector<1x256x128xf32>
    %get3A_64 = vector.shape_cast %get3A_63 : vector<1x256x128xf32> to vector<256x128xf32>
    %dot_general3A_65 = arith.constant dense<0.000000e+00> : vector<10000x128xf32>
    %dot_general3A_66 = tpu.matmul %max3A_59, %get3A_64, %dot_general3A_65 {dimension_numbers = #tpu.dot_dimension_numbers<[1], [0], [0], [1], [0, 0, 1, 1], [], []>, transpose_lhs_hint = false} : vector<10000x256xf32>, vector<256x128xf32>, vector<10000x128xf32> -> vector<10000x128xf32>
    %get3A_67 = arith.constant 1 : index
    %get3A_68 = arith.constant 0 : index
    %get3A_69 = vector.load %arg9[%get3A_67, %get3A_68] : memref<2x128xf32, #tpu.memory_space<vmem>>, vector<1x128xf32>
    %add3A_70 = vector.broadcast %get3A_69 : vector<1x128xf32> to vector<10000x128xf32>
    %add3A_71 = arith.addf %dot_general3A_66, %add3A_70 : vector<10000x128xf32>
    %reduce_sum3A_72 = arith.constant dense<0.000000e+00> : vector<128xf32>
    %reduce_sum3A_73 = vector.multi_reduction <add>, %add3A_71, %reduce_sum3A_72 [0] : vector<10000x128xf32> to vector<128xf32>
    %broadcast_in_dim3A_74 = vector.shape_cast %reduce_sum3A_73 : vector<128xf32> to vector<1x128xf32>
    %div3A_75 = arith.constant 1.000000e+04 : f32
    %div3A_76 = vector.broadcast %div3A_75 : f32 to vector<1x128xf32>
    %div3A_77 = arith.divf %broadcast_in_dim3A_74, %div3A_76 : vector<1x128xf32>
    %sub3A_78 = vector.broadcast %div3A_77 : vector<1x128xf32> to vector<10000x128xf32>
    %sub3A_79 = arith.subf %add3A_71, %sub3A_78 : vector<10000x128xf32>
    %integer_pow3A_80 = arith.mulf %sub3A_79, %sub3A_79 : vector<10000x128xf32>
    %reduce_sum3A_81 = arith.constant dense<0.000000e+00> : vector<128xf32>
    %reduce_sum3A_82 = vector.multi_reduction <add>, %integer_pow3A_80, %reduce_sum3A_81 [0] : vector<10000x128xf32> to vector<128xf32>
    %broadcast_in_dim3A_83 = vector.shape_cast %reduce_sum3A_82 : vector<128xf32> to vector<1x128xf32>
    %div3A_84 = arith.constant 1.000000e+04 : f32
    %div3A_85 = vector.broadcast %div3A_84 : f32 to vector<1x128xf32>
    %div3A_86 = arith.divf %broadcast_in_dim3A_83, %div3A_85 : vector<1x128xf32>
    %sub3A_87 = vector.broadcast %div3A_77 : vector<1x128xf32> to vector<10000x128xf32>
    %sub3A_88 = arith.subf %add3A_71, %sub3A_87 : vector<10000x128xf32>
    %add3A_89 = arith.constant 9.99999974E-6 : f32
    %add3A_90 = vector.broadcast %add3A_89 : f32 to vector<1x128xf32>
    %add3A_91 = arith.addf %div3A_86, %add3A_90 : vector<1x128xf32>
    %rsqrt3A_92 = math.rsqrt %add3A_91 : vector<1x128xf32>
    %mul3A_93 = vector.broadcast %rsqrt3A_92 : vector<1x128xf32> to vector<10000x128xf32>
    %mul3A_94 = arith.mulf %sub3A_88, %mul3A_93 : vector<10000x128xf32>
    %get3A_95 = arith.constant 1 : index
    %get3A_96 = arith.constant 0 : index
    %get3A_97 = vector.load %arg10[%get3A_95, %get3A_96] : memref<2x128xf32, #tpu.memory_space<vmem>>, vector<1x128xf32>
    %mul3A_98 = vector.broadcast %get3A_97 : vector<1x128xf32> to vector<10000x128xf32>
    %mul3A_99 = arith.mulf %mul3A_94, %mul3A_98 : vector<10000x128xf32>
    %get3A_100 = arith.constant 1 : index
    %get3A_101 = arith.constant 0 : index
    %get3A_102 = vector.load %arg11[%get3A_100, %get3A_101] : memref<2x128xf32, #tpu.memory_space<vmem>>, vector<1x128xf32>
    %add3A_103 = vector.broadcast %get3A_102 : vector<1x128xf32> to vector<10000x128xf32>
    %add3A_104 = arith.addf %mul3A_99, %add3A_103 : vector<10000x128xf32>
    %swap3A = arith.constant 0 : index
    %swap3A_105 = arith.constant 0 : index
    %swap3A_106 = vector.load %arg12[%swap3A, %swap3A_105] : memref<10000x128xf32, #tpu.memory_space<vmem>>, vector<10000x128xf32>
    tpu.vector_store %arg12[%swap3A, %swap3A_105], %add3A_104 {strides = array<i32>} : memref<10000x128xf32, #tpu.memory_space<vmem>>, vector<10000x128xf32>,
    return
  }
  func.func @transform_0(%arg0: i32) -> (i32, i32) {
    %c0_i32 = arith.constant 0 : i32
    %c0_i32_0 = arith.constant 0 : i32
    %c0_i32_1 = arith.constant 0 : i32
    return %c0_i32, %c0_i32_0 : i32, i32
  }
  func.func @transform_1(%arg0: i32) -> (i32, i32, i32) {
    %c0_i32 = arith.constant 0 : i32
    %c0_i32_0 = arith.constant 0 : i32
    %c0_i32_1 = arith.constant 0 : i32
    %c0_i32_2 = arith.constant 0 : i32
    return %c0_i32, %c0_i32_0, %c0_i32_1 : i32, i32, i32
  }
  func.func @transform_2(%arg0: i32) -> (i32, i32) {
    %c0_i32 = arith.constant 0 : i32
    %c0_i32_0 = arith.constant 0 : i32
    %c0_i32_1 = arith.constant 0 : i32
    return %c0_i32, %c0_i32_0 : i32, i32
  }
  func.func @transform_3(%arg0: i32) -> (i32, i32, i32) {
    %c1_i32 = arith.constant 1 : i32
    %c0_i32 = arith.constant 0 : i32
    %c0_i32_0 = arith.constant 0 : i32
    %c0_i32_1 = arith.constant 0 : i32
    return %c1_i32, %c0_i32, %c0_i32_0 : i32, i32, i32
  }
  func.func @transform_4(%arg0: i32) -> (i32, i32) {
    %c0_i32 = arith.constant 0 : i32
    %c0_i32_0 = arith.constant 0 : i32
    %c0_i32_1 = arith.constant 0 : i32
    return %c0_i32, %c0_i32_0 : i32, i32
  }
  func.func @transform_5(%arg0: i32) -> (i32, i32) {
    %c0_i32 = arith.constant 0 : i32
    %c0_i32_0 = arith.constant 0 : i32
    %c0_i32_1 = arith.constant 0 : i32
    return %c0_i32, %c0_i32_0 : i32, i32
  }
  func.func @transform_6(%arg0: i32) -> (i32, i32) {
    %c0_i32 = arith.constant 0 : i32
    %c0_i32_0 = arith.constant 0 : i32
    %c0_i32_1 = arith.constant 0 : i32
    return %c0_i32, %c0_i32_0 : i32, i32
  }
  func.func @transform_7(%arg0: i32) -> (i32, i32, i32) {
    %c1_i32 = arith.constant 1 : i32
    %c0_i32 = arith.constant 0 : i32
    %c0_i32_0 = arith.constant 0 : i32
    %c0_i32_1 = arith.constant 0 : i32
    return %c1_i32, %c0_i32, %c0_i32_0 : i32, i32, i32
  }
  func.func @transform_8(%arg0: i32) -> (i32, i32) {
    %c0_i32 = arith.constant 0 : i32
    %c0_i32_0 = arith.constant 0 : i32
    %c0_i32_1 = arith.constant 0 : i32
    return %c0_i32, %c0_i32_0 : i32, i32
  }
  func.func @transform_9(%arg0: i32) -> (i32, i32) {
    %c0_i32 = arith.constant 0 : i32
    %c0_i32_0 = arith.constant 0 : i32
    %c0_i32_1 = arith.constant 0 : i32
    return %c0_i32, %c0_i32_0 : i32, i32
  }
  func.func @transform_10(%arg0: i32) -> (i32, i32) {
    %c0_i32 = arith.constant 0 : i32
    %c0_i32_0 = arith.constant 0 : i32
    %c0_i32_1 = arith.constant 0 : i32
    return %c0_i32, %c0_i32_0 : i32, i32
  }
  func.func @transform_11(%arg0: i32) -> (i32, i32) {
    %c0_i32 = arith.constant 0 : i32
    %c0_i32_0 = arith.constant 0 : i32
    %c0_i32_1 = arith.constant 0 : i32
    return %c0_i32, %c0_i32_0 : i32, i32
  }
}

</mosaic_0001>

<sc_bundles>
// kernel: kernel.12.cloned.1.call-start
scs
__scs_entry_jumppad:
0x0: {  	(pc) =	sbr.rel $0x88, $3  }
0x1: {  	(tag) =	ssettag $0x0;
	lr =	simm.s32 $0x1  }
0x2: {  	[smem:$0x3F93] =	sst lr;
	_ =	strace $0xD0000000  }
0x3: {  	_ = 	snop  }
0x4: {  	_ = 	snop  }
0x5: {  	_ = 	snop  }
0x6: {  	_ = 	snop  }
0x7: {  	_ = 	snop  }
__scs_overlays_trampoline_lowered:
0x8: {  	[smem:$0x3FA2] =	sst s0  }
0x9: {  	[smem:$0x3FA3] =	sst s1  }
0xa: {  	[smem:$0x3FA4] =	sst s2  }
0xb: {  	[smem:$0x3FA5] =	sst s3  }
0xc: {  	[smem:$0x3FA6] =	sst s4  }
0xd: {  	[smem:$0x3FA7] =	sst s5  }
0xe: {  	[smem:$0x3FA8] =	sst s6  }
0xf: {  	[smem:$0x3FA9] =	sst s7  }
0x10: {  	[smem:$0x3FAA] =	sst s8  }
0x11: {  	[smem:$0x3FAB] =	sst s9;
	s0 =	simm.s32 @!p0 $0x0  }
0x12: {  	s1 =	sld [smem:$0x3F91];
	s0 =	simm.s32 @p0 $0x1  }
0x13: {  	[smem:$0x3FAC] =	sst s0;
	s0 =	simm.s32 @!p1 $0x0  }
0x14: {  	s2 =	sld [smem:$0x3F90];
	s0 =	simm.s32 @p1 $0x1  }
0x15: {  	[smem:$0x3FAD] =	sst s0;
	s0 =	simm.s32 @!p2 $0x0  }
0x16: {  	s3 =	sld [smem:$0x3FDB];
	s0 =	simm.s32 @p2 $0x1  }
0x17: {  	s4 =	simm.s32 $0x1BF5;
	[smem:$0x3FAF] =	sst s0  }
0x18: {  	s0 =	sld [smem:$0x3F92];
	_ =	swait.ge [sflag:s4], $0x0  }
0x19: {  	s7 =	sld [smem:$0x3F93]  }
0x1a: {  	s8 =	sadd.s32 $0xFFFFE003, lr  }
0x1b: {  	s9 =	sadd.s32 $0xFFFFFEF7, lr;
	s5 =	simm.s32 $0xFFFFFFFF;
	p2 =	slt.u32 s8, $0xFFFFF086  }
0x1c: {  	p1 =	slt.u32 s9, $0xF7A;
	s5 =	simm.s32 @!p2 $0x0  }
0x1d: {  	s5 =	simm.s32 @p1 $0x1;
	p0 =	seq.s32 s7, s2  }
0x1e: {  	s7 =	smul.u32 @!p0 $0xF7A, s2;
	p2 =	seq.s32 @!p0 s5, $0x0  }
0x1f: {  	s9 =	smul.u32 $0xF7A, s1;
	s8 =	simm.s32 @!p0 $0x1BF5;
	p2 =	por !p2, p0  }
0x20: {  	[sflag:s8] =	ssyncset.s32 @!p0 $0xFFFFF086;
	s6 =	sadd.s32 @!p0 s3, s7;
	s7 =	simm.s32 @!p0 $0x108  }
0x21: {  	s3 =	sadd.s32 s3, s9;
	s6 =	sadd.s32 @!p0 $0x88, s6;
	s7 =	simm.s32 @p2 $0x1082  }
0x22: {  	[simem:s7], [sflag:s8] =	dma.local @!p0 [hbm:s6], $0xF7A  }
0x23: {  	s9 =	sor.u32 $0xD0000000, s2;
	s6 =	simm.s32 $0x108;
	_ =	swait.ge @!p0 [sflag:s8], $0x0  }
0x24: {  	s3 =	sadd.s32 $0x88, s3;
	s6 =	simm.s32 @!p1 $0x1082;
	[sflag:s4] =	ssyncset.s32 $0xFFFFF086  }
0x25: {  	[simem:s6], [sflag:s4] =	dma.local [hbm:s3], $0xF7A  }
0x26: {  	[smem:$0x3F93] =	sst s1;
	(tag) =	ssettag s2;
	_ =	strace s9  }
0x27: {  	s1 =	sld [smem:$0x3FA3]  }
0x28: {  	s2 =	sld [smem:$0x3FA4]  }
0x29: {  	s4 =	sld [smem:$0x3FA6]  }
0x2a: {  	p0 =	seq.s32 s5, $0x0;
	s5 =	sld [smem:$0x3FA7]  }
0x2b: {  	s6 =	sld [smem:$0x3FA8]  }
0x2c: {  	s7 =	sld [smem:$0x3FA9]  }
0x2d: {  	s3 =	simm.s32 $0x108;
	s8 =	sld [smem:$0x3FAA]  }
0x2e: {  	s3 =	simm.s32 @!p0 $0x1082;
	s9 =	sld [smem:$0x3FAB]  }
0x2f: {  	lr =	sadd.s32 s0, s3;
	s0 =	sld [smem:$0x3FA2]  }
0x30: {  	s3 =	sld [smem:$0x3FA5]  }
0x31: {  	[smem:$0x3FAE] =	sst s10  }
0x32: {  	s10 =	sld [smem:$0x3FAC];
	_ =	sdelay $0x3  }
0x33: {  	p0 =	seq.s32 s10, $0x1;
	s10 =	sld [smem:$0x3FAE];
	_ =	sdelay $0x3  }
0x34: {  	[smem:$0x3FAE] =	sst s10  }
0x35: {  	s10 =	sld [smem:$0x3FAD];
	_ =	sdelay $0x3  }
0x36: {  	p1 =	seq.s32 s10, $0x1;
	s10 =	sld [smem:$0x3FAE];
	_ =	sdelay $0x3  }
0x37: {  	[smem:$0x3FAE] =	sst s10  }
0x38: {  	s10 =	sld [smem:$0x3FAF]  }
0x39: {  	_ = 	snop;
	(pc) =	sbr.ind lr, $3  }
0x3a: {  	_ = 	snop  }
0x3b: {  	_ = 	snop  }
0x3c: {  	p2 =	seq.s32 s10, $0x1;
	s10 =	sld [smem:$0x3FAE]  }
0x3d: {  	_ =	shalt  }
0x3e: {  	_ =	shalt  }
0x3f: {  	_ =	shalt  }
0x40: {  	_ =	shalt  }
0x41: {  	_ =	shalt  }
0x42: {  	_ =	shalt  }
0x43: {  	_ =	shalt  }
0x44: {  	_ =	shalt  }
0x45: {  	_ =	shalt  }
0x46: {  	_ =	shalt  }
0x47: {  	_ =	shalt  }
0x48: {  	_ =	shalt  }
0x49: {  	_ =	shalt  }
0x4a: {  	_ =	shalt  }
0x4b: {  	_ =	shalt  }
0x4c: {  	_ =	shalt  }
0x4d: {  	_ =	shalt  }
0x4e: {  	_ =	shalt  }
0x4f: {  	_ =	shalt  }
0x50: {  	_ =	shalt  }
0x51: {  	_ =	shalt  }
0x52: {  	_ =	shalt  }
0x53: {  	_ =	shalt  }
0x54: {  	_ =	shalt  }
0x55: {  	_ =	shalt  }
0x56: {  	_ =	shalt  }
0x57: {  	_ =	shalt  }
0x58: {  	_ =	shalt  }
0x59: {  	_ =	shalt  }
0x5a: {  	_ =	shalt  }
0x5b: {  	_ =	shalt  }
0x5c: {  	_ =	shalt  }
0x5d: {  	_ =	shalt  }
0x5e: {  	_ =	shalt  }
0x5f: {  	_ =	shalt  }
0x60: {  	_ =	shalt  }
0x61: {  	_ =	shalt  }
0x62: {  	_ =	shalt  }
0x63: {  	_ =	shalt  }
0x64: {  	_ =	shalt  }
0x65: {  	_ =	shalt  }
0x66: {  	_ =	shalt  }
0x67: {  	_ =	shalt  }
0x68: {  	_ =	shalt  }
0x69: {  	_ =	shalt  }
0x6a: {  	_ =	shalt  }
0x6b: {  	_ =	shalt  }
0x6c: {  	_ =	shalt  }
0x6d: {  	_ =	shalt  }
0x6e: {  	_ =	shalt  }
0x6f: {  	_ =	shalt  }
0x70: {  	_ =	shalt  }
0x71: {  	_ =	shalt  }
0x72: {  	_ =	shalt  }
0x73: {  	_ =	shalt  }
0x74: {  	_ =	shalt  }
0x75: {  	_ =	shalt  }
0x76: {  	_ =	shalt  }
0x77: {  	_ =	shalt  }
0x78: {  	_ =	shalt  }
0x79: {  	_ =	shalt  }
0x7a: {  	_ =	shalt  }
0x7b: {  	_ =	shalt  }
0x7c: {  	_ =	shalt  }
0x7d: {  	_ =	shalt  }
0x7e: {  	_ =	shalt  }
0x7f: {  	_ =	shalt  }
0x80: {  	_ =	shalt  }
0x81: {  	_ =	shalt  }
0x82: {  	_ =	shalt  }
0x83: {  	_ =	shalt  }
0x84: {  	_ =	shalt  }
0x85: {  	_ =	shalt  }
0x86: {  	_ =	shalt  }
0x87: {  	_ =	shalt  }
.Lfunc_end0:
.L_simem_size_0:
called_computation.1_lowered:
.L_overlay_start_0:
0x88: {  	s2 =	sld [smem:$0x3FD9]  }
0x89: {  	s3 =	sld [smem:$0x3FFE];
	_ =	sdelay $0x1  }
0x8a: {  	s1 =	srdreg.scid  }
0x8b: {  	s0 =	sand.u32 $0x1, s1  }
0x8c: {  	s17 =	sshll.u32 s0, $0xA;
	s2 =	sadd.s32 s3, s2  }
0x8d: {  	s2 =	sadd.s32 s2, s17  }
0x8e: {  	[smem:$0x3FBA] =	sst s2  }
0x8f: {  	_ = 	snop  }
0x90: {  	s2 =	sld [smem:$0x3FD0];
	(tm) =	ssettm $0x1  }
0x91: {  	s18 =	sld [smem:$0x3FFB];
	_ =	sdelay $0x3  }
0x92: {  	_ =	strace s18  }
0x93: {  	s3 =	sld [smem:$0x3FFC];
	_ =	sdelay $0x3  }
0x94: {  	_ =	strace s3  }
0x95: {  	s3 =	sld [smem:$0x3FFD];
	_ =	sdelay $0x3  }
0x96: {  	_ =	strace s3  }
0x97: {  	_ =	strace $0x8FFFFFFF  }
0x98: {  	s19 =	sld [smem:$0x3FDB];
	_ =	sdelay $0x1  }
0x99: {  	s4 =	simm.s32 $_scs_section_size  }
0x9a: {  	s5 =	simm.s32 $_size__tile_overlayer_lowered;
	s6 =	simm.s32 $_tile_overlayer_lowered  }
0x9b: {  	s22 =	simm.s32 $0x1BFF;
	s21 =	sshll.u32 s6, $0x1;
	s3 =	sadd.s32 s4, s19  }
0x9c: {  	s7 =	simm.s32 $0x0;
	s20 =	sshll.u32 s5, $0x1;
	s5 =	sadd.s32 s21, s3  }
0x9d: {  	[timem:s7], [sflag:s22] =	dma.local [hbm:s5], s20  }
0x9e: {  	_ =	swait.ge [sflag:s22], s20  }
0x9f: {  	s4 =	ssub.s32 $0x0, s20;
	[sflag:s22] =	ssyncset.done $0x0  }
0xa0: {  	[sflag:s22] =	ssyncadd.s32 s4;
	_ =	sdelay $0x1  }
0xa1: {  	s23 =	simm.s32 $0x1B8B  }
0xa2: {  	_ =	swait.ge [sflag:s23], $0x1  }
0xa3: {  	[sflag:s23] =	ssyncset.done $0x0  }
0xa4: {  	s25 =	simm.s32 $0x1B8E;
	s24 =	sld [smem:$0x3FFE];
	[sflag:s23] =	ssyncadd.s32 $0xFFFFFFFF  }
0xa5: {  	s26 =	simm.s32 $execute0_lowered;
	[smem:$0x3FD2] =	sst s25  }
0xa6: {  	s5 =	sshll.u32 s26, $0x1;
	_ =	strace $0x80000049;
	[dreg:$0x1] =	wrdreg $0xFFFFFFFF  }
0xa7: {  	s28 =	simm.s32 $_size_execute0_lowered;
	s3 =	sadd.s32 s3, s5;
	[dreg:$0x0] =	wrdreg $0x0  }
0xa8: {  	s5 =	sshll.u32 s28, $0x1;
	[dreg:$0x2] =	wrdreg s3  }
0xa9: {  	[dreg:$0x3] =	wrdreg s5  }
0xaa: {  	[dreg:$0x4] =	wrdreg $0xC0  }
0xab: {  	_ =	task [dreg:s7], $0x5FFFF  }
0xac: {  	[dreg:$0x1] =	wrdreg $0xFFFFFFFF  }
0xad: {  	[dreg:$0x0] =	wrdreg $0x60  }
0xae: {  	[dreg:$0x2] =	wrdreg s24  }
0xaf: {  	[dreg:$0x3] =	wrdreg s2  }
0xb0: {  	[dreg:$0x4] =	wrdreg $0x51000  }
0xb1: {  	[dreg:$0x5] =	wrdreg $0x9  }
0xb2: {  	_ =	task.clear_ibuf [dreg:s7], $0x6FFFF;
	_ =	strace $0x90000049  }
0xb3: {  	s29 =	simm.s32 $0x9;
	_ =	strace $0x8000004B  }
0xb4: {  	_ =	swait.ge [sflag:s29], $0x1  }
0xb5: {  	[sflag:s29] =	ssyncadd.s32 $0xFFFFFFFF  }
0xb6: {  	_ =	strace $0x9000004B  }
0xb7: {  	_ =	sfence  }
0xb8: {  	s30 =	sld [smem:$0x0];
	_ =	sdelay $0x2  }
0xb9: {  	s31 =	sshll.u32 s1, $0xD;
	s1 =	sshrl.u32 s1, $0x2  }
0xba: {  	s3 =	sand.u32 $0x4000, s31;
	s1 =	sadd.s32 s1, s30  }
0xbb: {  	s0 =	sor.u32 s3, s0;
	s1 =	sshll.u32 s1, $0x11  }
0xbc: {  	s0 =	sor.u32 s1, s0  }
0xbd: {  	s0 =	sadd.s32 $0x8F2B, s0  }
0xbe: {  	[sflag:s0] =	ssyncadd.remote.s32 $0x1  }
0xbf: {  	_ =	sfence.sel $0xFFFF  }
0xc0: {  	[dreg:$0x0] =	wrdreg $0xFFFFFFFF;
	(pc) =	sbr.abs _section_cstart, $3  }
0xc1: {  	[dreg:$0x1] =	wrdreg $0xFFFFFFFF  }
0xc2: {  	_ =	task.clear_ibuf [dreg:s7], $0x2FFFF;
	_ =	strace $0x9FFFFFFF  }
0xc3: {  	(tm) =	ssettm $0x7FFFFFFF  }
tec
execute0_lowered:
.L_overlay_start_1:
0x0: {  	(tag) =	ssettag $0x1  }
0x1: {  	s0 =	rddreg [dreg:$0x0]  }
0x2: {  	s1 =	rddreg [dreg:$0x1]  }
0x3: {  	s2 =	rddreg [dreg:$0x2]  }
0x4: {  	s3 =	simm.s32 $0x0;
	s6 =	srdreg.scid;
	s9 =	stileid.u32  }
0x5: {  	s28 =	simm.s32 $0x2900;
	s29 =	simm.s32 $0x19180;
	s30 =	simm.s32 $0x5  }
0x6: {  	s31 =	simm.s32 $0x50;
	[smem:$0x7FF] =	sst s3;
	s5 =	sadd.s32 $0x4F0800, s0  }
0x7: {  	s7 =	sand.u32 $0x1, s6;
	s6 =	sadd.s32 $0x4E6A00, s0;
	s11 =	smul.u32 $0x50000, s9  }
0x8: {  	s4 =	sadd.s32 $0xA2D000, s0;
	s12 =	sadd.s32 $0x9DC600, s0;
	s20 =	smul.u32 $0x13800, s9  }
0x9: {  	s0 =	sadd.s32 $0x9DEE00, s0;
	s25 =	sshll.u32 s9, $0x6;
	s22 =	smul.u32 $0x4E000, s9  }
0xa: {  	p0 =	sne.s32 s9, $0x0;
	_ =	strace $0x8000004A;
	s8 =	sshll.u32 s7, $0x4  }
0xb: {  	s10 =	ssub.s32 $0x2, s7;
	[dreg:$0x4] =	wrdreg s12;
	s18 =	sor.u32 $0x1C09, s25  }
0xc: {  	s7 =	smul.u32 $0x138800, s7;
	s8 =	sor.u32 s9, s8;
	s24 =	sshrl.u32 s10, $0x1  }
0xd: {  	s11 =	sshrl.u32 s11, $0x2;
	s23 =	sshrl.u32 s22, $0x2;
	s22 =	simm.s32 $0x100  }
0xe: {  	s9 =	simm.s32 $0x3;
	[dreg:$0x5] =	wrdreg s18;
	s13 =	smul.u32 $0x2710, s8  }
0xf: {  	s10 =	ssub.s32 s10, s24;
	s15 =	smul.u32 $0x27100, s8;
	s11 =	sadd.s32 s11, s2  }
0x10: {  	s24 =	sadd.s32 s23, s2;
	s23 =	simm.s32 $0x19100;
	s25 =	smax.u32 s10, $0x1  }
0x11: {  	s10 =	simm.s32 $0x7;
	s14 =	sshrl.u32 s13, $0x3;
	s12 =	sadd.s32 s4, s15  }
0x12: {  	s15 =	sadd.s32 $0x50, s13;
	[dreg:$0xe] =	wrdreg s25;
	s26 =	sadd.s32 s6, s14  }
0x13: {  	[dreg:$0x7] =	wrdreg s12;
	s14 =	sadd.s32 s5, s14;
	s16 =	sshrl.u32 s15, $0x3  }
0x14: {  	s12 =	sshll.u32 s15, $0x4;
	s15 =	sadd.s32 $0xA0, s13;
	[dreg:$0x6] =	wrdreg s26  }
0x15: {  	[dreg:$0x8] =	wrdreg s14;
	s17 =	sadd.s32 s6, s16;
	s19 =	sadd.s32 s4, s12  }
0x16: {  	s21 =	sadd.s32 s5, s16;
	s16 =	sadd.s32 $0xF0, s13;
	s12 =	sadd.s32 s20, s7  }
0x17: {  	s7 =	sshrl.u32 s7, $0x3;
	s26 =	sshrl.u32 s11, $0x3;
	[dreg:$0x9] =	wrdreg s17  }
0x18: {  	s11 =	simm.s32 $0x6;
	s13 =	simm.s32 $0x2;
	[dreg:$0xa] =	wrdreg s19  }
0x19: {  	s14 =	simm.s32 $0x4;
	s20 =	simm.s32 $0x0;
	[dreg:$0xb] =	wrdreg s21  }
0x1a: {  	s12 =	sshrl.u32 s12, $0x3;
	s7 =	sadd.s32 s0, s7;
	[dreg:$0xf] =	wrdreg s26  }
0x1b: {  	s21 =	simm.s32 $0x9;
	s26 =	simm.s32 $0x80;
	s0 =	sadd.s32 s0, s12  }
0x1c: {  	s17 =	simm.s32 $0x8;
	s7 =	sadd.s32 $0x27000, s7;
	[dreg:$0xc] =	wrdreg s0  }
0x1d: {  	[dreg:$0xd] =	wrdreg s7;
	s7 =	sadd.s32 $0x138000, s2;
	s0 =	sshrl.u32 s24, $0x3  }
0x1e: {  	s12 =	simm.s32 $0x1BA00;
	[dreg:$0x10] =	wrdreg s0;
	s0 =	sshrl.u32 @!p0 s7, $0x3  }
0x1f: {  	s7 =	simm.s32 $0x1;
	[dreg:$0x11] =	wrdreg s0;
	s0 =	simm.s32 $0x19200  }
.LBB2_1:
0x20: {  	[dreg:$0x12] =	wrdreg s20  }
0x21: {  	s8 =	rddreg [dreg:$0x4]  }
0x22: {  	s19 =	rddreg [dreg:$0xf]  }
0x23: {  	[spmem:s19], [sflag:s18] =	dma.local [hbm:s8], $0x2800  }
0x24: {  	_ =	swait.ge [sflag:s21], $0x2800  }
0x25: {  	[sflag:s21] =	ssyncset.done $0x0  }
0x26: {  	[sflag:s21] =	ssyncadd.s32 $0xFFFFD800  }
0x27: {  	[bflag:$0x0] =	sbarrier.arrive $0xFFFF  }
0x28: {  	s25 =	rddreg [dreg:$0x6]  }
0x29: {  	[tilespmem:s3], [sflag:$0x1] =	stream.linear.gather [hbm4b:s25+s3], $0x50, $0x38;
	[tilespmem:$0x1E200] =	vst v63  }
0x2a: {  	s18 =	rddreg [dreg:$0x7]  }
0x2b: {  	[tilespmem:s22], [sflag:$0x3] =	stream.linear.gather [hbm4b:s18+s3], $0x2800, $0x38;
	[tilespmem:$0x1E200] =	vst v63  }
0x2c: {  	s19 =	rddreg [dreg:$0x8]  }
0x2d: {  	[tilespmem:s23], [sflag:$0x5] =	stream.linear.gather [hbm4b:s19+s3], $0x50, $0x38;
	[tilespmem:$0x1E200] =	vst v63  }
0x2e: {  	s20 =	rddreg [dreg:$0x9]  }
0x2f: {  	[tilespmem:s26], [sflag:$0x2] =	stream.linear.gather [hbm4b:s20+s3], $0x50, $0x38;
	[tilespmem:$0x1E200] =	vst v63  }
0x30: {  	s24 =	rddreg [dreg:$0xa]  }
0x31: {  	[tilespmem:s28], [sflag:$0x4] =	stream.linear.gather [hbm4b:s24+s3], $0x2800, $0x38;
	[tilespmem:$0x1E200] =	vst v63  }
0x32: {  	s25 =	rddreg [dreg:$0xb]  }
0x33: {  	[tilespmem:s29], [sflag:$0x6] =	stream.linear.gather [hbm4b:s25+s3], $0x50, $0x38;
	[tilespmem:$0x1E200] =	vst v63  }
0x34: {  	_ =	swait.ge [sflag:s30], $0x50  }
0x35: {  	[sflag:s30] =	ssyncset.done $0x0  }
0x36: {  	s19 =	simm.s32 $0x0;
	[sflag:s30] =	ssyncadd.s32 $0xFFFFFFB0  }
0x37: {  	[tilespmem:s0], [sflag:$0x7] =	stream.indirect.gather [hbm4b:s1+s31], $0x80, s23, s31, $0xb8;
	[tilespmem:$0x1E200] =	vst v63  }
.LBB2_2:
0x38: {  	_ =	swait.ge [sflag:s7], $0x50  }
0x39: {  	[sflag:s7] =	ssyncset.done $0x0  }
0x3a: {  	[sflag:s7] =	ssyncadd.s32 $0xFFFFFFB0  }
0x3b: {  	_ =	swait.ge [sflag:s9], $0x2800  }
0x3c: {  	[sflag:s9] =	ssyncset.done $0x0  }
0x3d: {  	[sflag:s9] =	ssyncadd.s32 $0xFFFFD800  }
0x3e: {  	_ =	swait.ge [sflag:s10], $0x2800  }
0x3f: {  	[sflag:s10] =	ssyncset.done $0x0  }
0x40: {  	s20 =	simm.s32 $0xF0;
	[sflag:s10] =	ssyncadd.s32 $0xFFFFD800  }
0x41: {  	v6 =	vld [tilespmem:s20+$0x19110]  }
0x42: {  	v7 =	vld [tilespmem:s20+$0x19120]  }
0x43: {  	v8 =	vld [tilespmem:s20+$0x19130]  }
0x44: {  	v9 =	vld [tilespmem:s20+$0x19140]  }
0x45: {  	v10 =	vld [tilespmem:s20+$0x19150]  }
0x46: {  	v11 =	vld [tilespmem:s20+$0x19160]  }
0x47: {  	v12 =	vld [tilespmem:s20+$0x19170]  }
0x48: {  	v13 =	vld [tilespmem:s20+$0x19180]  }
0x49: {  	v14 =	vld [tilespmem:s20+$0x19190]  }
0x4a: {  	v15 =	vld [tilespmem:s20+$0x191A0]  }
0x4b: {  	v5 =	vld [tilespmem:s20+$0x191B0]  }
0x4c: {  	v4 =	vld [tilespmem:s20+$0x191C0]  }
0x4d: {  	v3 =	vld [tilespmem:s20+$0x191D0]  }
0x4e: {  	v16 =	vld [tilespmem:s20+$0x10]  }
0x4f: {  	v17 =	vld [tilespmem:s20+$0x20]  }
0x50: {  	v2 =	vld [tilespmem:s20+$0x191E0]  }
0x51: {  	v18 =	vld [tilespmem:s20+$0x30]  }
0x52: {  	v19 =	vld [tilespmem:s20+$0x40]  }
0x53: {  	v1 =	vld [tilespmem:s20+$0x191F0];
	v6 =	vadd.f32 v6, v16  }
0x54: {  	v20 =	vld [tilespmem:s20+$0x50];
	v7 =	vadd.f32 v7, v17  }
0x55: {  	v60 =	vld [tilespmem:s20+$0x60];
	v6 =	vmax.f32 v6, $0.0e+00  }
0x56: {  	v0 =	vld [tilespmem:s20+$0x19200];
	v7 =	vmax.f32 v7, $0.0e+00;
	[tilespmem:s20+$0x10] =	vst v6;
	v6 =	vadd.f32 v8, v18  }
0x57: {  	v21 =	vld [tilespmem:s20+$0x70];
	[tilespmem:s20+$0x20] =	vst v7;
	v7 =	vadd.f32 v9, v19  }
0x58: {  	v61 =	vld [tilespmem:s20+$0x80];
	v6 =	vmax.f32 v6, $0.0e+00  }
0x59: {  	v62 =	vld [tilespmem:s20+$0x90];
	v8 =	vmax.f32 v7, $0.0e+00;
	[tilespmem:s20+$0x30] =	vst v6;
	v6 =	vadd.f32 v10, v20  }
0x5a: {  	v63 =	vld [tilespmem:s20+$0xA0];
	[tilespmem:s20+$0x40] =	vst v8;
	v8 =	vadd.f32 v11, v60  }
0x5b: {  	v7 =	vld [tilespmem:s20+$0xB0];
	v9 =	vmax.f32 v6, $0.0e+00  }
0x5c: {  	v6 =	vld [tilespmem:s20+$0xC0];
	v10 =	vmax.f32 v8, $0.0e+00;
	[tilespmem:s20+$0x50] =	vst v9;
	v9 =	vadd.f32 v12, v21  }
0x5d: {  	v8 =	vld [tilespmem:s20+$0xD0];
	[tilespmem:s20+$0x60] =	vst v10;
	v10 =	vadd.f32 v13, v61  }
0x5e: {  	v12 =	vadd.f32 v14, v62;
	v11 =	vmax.f32 v9, $0.0e+00;
	v9 =	vld [tilespmem:s20+$0xE0]  }
0x5f: {  	s24 =	simm.s32 $0x7C0;
	v13 =	vmax.f32 v10, $0.0e+00;
	v10 =	vld [tilespmem:s20+$0xF0];
	[tilespmem:s20+$0x70] =	vst v11;
	v11 =	vadd.f32 v15, v63  }
.LBB2_3:
0x60: {  	s25 =	sshra.s32 s24, $0x2;
	p1 =	sne.s32 s24, $0x9FC0;
	[tilespmem:s20+$0x80] =	vst v13;
	v12 =	vmax.f32 v12, $0.0e+00;
	v5 =	vadd.f32 v5, v7;
	v7 =	vld [tilespmem:s20+$0x100]  }
0x61: {  	v13 =	vld [tilespmem:s25+$0x19110];
	[tilespmem:s20+$0x90] =	vst v12;
	v11 =	vmax.f32 v11, $0.0e+00;
	v4 =	vadd.f32 v4, v6  }
0x62: {  	v6 =	vld [tilespmem:s25+$0x19120];
	[tilespmem:s20+$0xA0] =	vst v11;
	v5 =	vmax.f32 v5, $0.0e+00;
	v3 =	vadd.f32 v3, v8  }
0x63: {  	v8 =	vld [tilespmem:s25+$0x19130];
	[tilespmem:s20+$0xB0] =	vst v5;
	v4 =	vmax.f32 v4, $0.0e+00;
	v2 =	vadd.f32 v2, v9  }
0x64: {  	v9 =	vld [tilespmem:s25+$0x19140];
	[tilespmem:s20+$0xC0] =	vst v4;
	v3 =	vmax.f32 v3, $0.0e+00;
	v1 =	vadd.f32 v1, v10  }
0x65: {  	v10 =	vld [tilespmem:s25+$0x19150];
	[tilespmem:s20+$0xD0] =	vst v3;
	v2 =	vmax.f32 v2, $0.0e+00;
	v0 =	vadd.f32 v0, v7  }
0x66: {  	v7 =	vld [tilespmem:s25+$0x19160];
	[tilespmem:s20+$0xE0] =	vst v2;
	v1 =	vmax.f32 v1, $0.0e+00  }
0x67: {  	v11 =	vld [tilespmem:s25+$0x19170];
	[tilespmem:s20+$0xF0] =	vst v1;
	v0 =	vmax.f32 v0, $0.0e+00  }
0x68: {  	v12 =	vld [tilespmem:s25+$0x19180];
	[tilespmem:s20+$0x100] =	vst v0;
	s20 =	smov.u32 s25  }
0x69: {  	v14 =	vld [tilespmem:s20+$0x19190]  }
0x6a: {  	v15 =	vld [tilespmem:s20+$0x191A0]  }
0x6b: {  	v5 =	vld [tilespmem:s20+$0x191B0]  }
0x6c: {  	v4 =	vld [tilespmem:s20+$0x191C0]  }
0x6d: {  	v3 =	vld [tilespmem:s20+$0x191D0]  }
0x6e: {  	v2 =	vld [tilespmem:s20+$0x191E0]  }
0x6f: {  	v1 =	vld [tilespmem:s20+$0x191F0]  }
0x70: {  	v0 =	vld [tilespmem:s20+$0x19200]  }
0x71: {  	v16 =	vld [tilespmem:s20+$0x10]  }
0x72: {  	v17 =	vld [tilespmem:s20+$0x20]  }
0x73: {  	v18 =	vld [tilespmem:s20+$0x30]  }
0x74: {  	v19 =	vld [tilespmem:s20+$0x40]  }
0x75: {  	v20 =	vld [tilespmem:s20+$0x50]  }
0x76: {  	v13 =	vadd.f32 v13, v16;
	v16 =	vld [tilespmem:s20+$0x60]  }
0x77: {  	v6 =	vadd.f32 v6, v17;
	v17 =	vld [tilespmem:s20+$0x70]  }
0x78: {  	v13 =	vmax.f32 v13, $0.0e+00;
	v8 =	vadd.f32 v8, v18;
	v18 =	vld [tilespmem:s20+$0x80]  }
0x79: {  	[tilespmem:s20+$0x10] =	vst v13;
	v6 =	vmax.f32 v6, $0.0e+00;
	v9 =	vadd.f32 v9, v19;
	v13 =	vld [tilespmem:s20+$0x90]  }
0x7a: {  	[tilespmem:s20+$0x20] =	vst v6;
	v6 =	vmax.f32 v8, $0.0e+00;
	v8 =	vadd.f32 v10, v20;
	v10 =	vld [tilespmem:s20+$0xA0]  }
.Ltmp0:
0x7b: {  	[tilespmem:s20+$0x30] =	vst v6;
	v6 =	vmax.f32 v9, $0.0e+00;
	v9 =	vadd.f32 v7, v16;
	v7 =	vld [tilespmem:s20+$0xB0];
	(pc) =	sbr.rel @p1 .LBB2_3-.Ltmp0, $4  }
0x7c: {  	[tilespmem:s20+$0x40] =	vst v6;
	v8 =	vmax.f32 v8, $0.0e+00;
	v11 =	vadd.f32 v11, v17;
	v6 =	vld [tilespmem:s20+$0xC0]  }
0x7d: {  	[tilespmem:s20+$0x50] =	vst v8;
	v9 =	vmax.f32 v9, $0.0e+00;
	v16 =	vadd.f32 v12, v18;
	v8 =	vld [tilespmem:s20+$0xD0]  }
0x7e: {  	[tilespmem:s20+$0x60] =	vst v9;
	v11 =	vmax.f32 v11, $0.0e+00;
	v12 =	vadd.f32 v14, v13;
	v9 =	vld [tilespmem:s20+$0xE0]  }
0x7f: {  	s24 =	sadd.s32 $0x400, s24;
	[tilespmem:s20+$0x70] =	vst v11;
	v13 =	vmax.f32 v16, $0.0e+00;
	v11 =	vadd.f32 v15, v10;
	v10 =	vld [tilespmem:s20+$0xF0]  }
0x80: {  	[tilespmem:s20+$0x80] =	vst v13;
	v12 =	vmax.f32 v12, $0.0e+00;
	v5 =	vadd.f32 v5, v7;
	v7 =	vld [tilespmem:s20+$0x100]  }
0x81: {  	[tilespmem:s20+$0x90] =	vst v12;
	v11 =	vmax.f32 v11, $0.0e+00;
	v4 =	vadd.f32 v4, v6  }
0x82: {  	[tilespmem:s20+$0xA0] =	vst v11;
	v5 =	vmax.f32 v5, $0.0e+00;
	v3 =	vadd.f32 v3, v8  }
0x83: {  	[tilespmem:s20+$0xB0] =	vst v5;
	v4 =	vmax.f32 v4, $0.0e+00;
	v2 =	vadd.f32 v2, v9  }
0x84: {  	[tilespmem:s20+$0xC0] =	vst v4;
	v3 =	vmax.f32 v3, $0.0e+00;
	v1 =	vadd.f32 v1, v10  }
0x85: {  	[tilespmem:s20+$0xD0] =	vst v3;
	v2 =	vmax.f32 v2, $0.0e+00;
	v0 =	vadd.f32 v0, v7  }
0x86: {  	[tilespmem:s20+$0xE0] =	vst v2;
	v1 =	vmax.f32 v1, $0.0e+00  }
0x87: {  	[tilespmem:s20+$0xF0] =	vst v1;
	v0 =	vmax.f32 v0, $0.0e+00  }
0x88: {  	[tilespmem:s20+$0x100] =	vst v0;
	s20 =	smul.u32 $0xA0, s19  }
0x89: {  	[spmem:s2] =	stream.indirect.scatter.add.f32 [tilespmem:s22], [sflag:$0x9], $0x80, s3, s31, $0xb8;
	[tilespmem:$0x1E200] =	vst v63  }
0x8a: {  	_ =	swait.ge [sflag:s21], $0x2800;
	s24 =	sadd.s32 s20, s15  }
0x8b: {  	[sflag:s21] =	ssyncset.done $0x0;
	s25 =	sshrl.u32 s24, $0x3  }
0x8c: {  	s24 =	sshll.u32 s24, $0x4;
	[sflag:s21] =	ssyncadd.s32 $0xFFFFD800;
	s8 =	sadd.s32 s6, s25  }
0x8d: {  	[tilespmem:s3], [sflag:$0x1] =	stream.linear.gather [hbm4b:s8+s3], $0x50, $0x38;
	[tilespmem:$0x1E200] =	vst v63  }
0x8e: {  	s8 =	sadd.s32 s4, s24  }
0x8f: {  	[tilespmem:s22], [sflag:$0x3] =	stream.linear.gather [hbm4b:s8+s3], $0x2800, $0x38;
	[tilespmem:$0x1E200] =	vst v63  }
0x90: {  	s25 =	sadd.s32 s5, s25  }
0x91: {  	[tilespmem:s23], [sflag:$0x5] =	stream.linear.gather [hbm4b:s25+s3], $0x50, $0x38;
	[tilespmem:$0x1E200] =	vst v63  }
0x92: {  	_ =	swait.ge [sflag:s11], $0x50  }
0x93: {  	[sflag:s11] =	ssyncset.done $0x0  }
0x94: {  	[sflag:s11] =	ssyncadd.s32 $0xFFFFFFB0  }
0x95: {  	[tilespmem:s12], [sflag:$0x8] =	stream.indirect.gather [hbm4b:s1+s31], $0x80, s29, s31, $0xb8;
	[tilespmem:$0x1E200] =	vst v63  }
0x96: {  	_ =	swait.ge [sflag:s13], $0x50  }
0x97: {  	[sflag:s13] =	ssyncset.done $0x0  }
0x98: {  	[sflag:s13] =	ssyncadd.s32 $0xFFFFFFB0  }
0x99: {  	_ =	swait.ge [sflag:s14], $0x2800  }
0x9a: {  	[sflag:s14] =	ssyncset.done $0x0  }
0x9b: {  	[sflag:s14] =	ssyncadd.s32 $0xFFFFD800  }
0x9c: {  	_ =	swait.ge [sflag:s17], $0x2800  }
0x9d: {  	[sflag:s17] =	ssyncset.done $0x0  }
0x9e: {  	s24 =	simm.s32 $0xF0;
	[sflag:s17] =	ssyncadd.s32 $0xFFFFD800  }
0x9f: {  	v6 =	vld [tilespmem:s24+$0x1B910]  }
0xa0: {  	v7 =	vld [tilespmem:s24+$0x1B920]  }
0xa1: {  	v8 =	vld [tilespmem:s24+$0x1B930]  }
0xa2: {  	v9 =	vld [tilespmem:s24+$0x1B940]  }
0xa3: {  	v10 =	vld [tilespmem:s24+$0x1B950]  }
0xa4: {  	v11 =	vld [tilespmem:s24+$0x1B960]  }
0xa5: {  	v12 =	vld [tilespmem:s24+$0x1B970]  }
0xa6: {  	v13 =	vld [tilespmem:s24+$0x1B980]  }
0xa7: {  	v14 =	vld [tilespmem:s24+$0x1B990]  }
0xa8: {  	v15 =	vld [tilespmem:s24+$0x1B9A0]  }
0xa9: {  	v5 =	vld [tilespmem:s24+$0x1B9B0]  }
0xaa: {  	v4 =	vld [tilespmem:s24+$0x1B9C0]  }
0xab: {  	v3 =	vld [tilespmem:s24+$0x1B9D0]  }
0xac: {  	v16 =	vld [tilespmem:s24+$0x2810]  }
0xad: {  	v17 =	vld [tilespmem:s24+$0x2820]  }
0xae: {  	v2 =	vld [tilespmem:s24+$0x1B9E0]  }
0xaf: {  	v18 =	vld [tilespmem:s24+$0x2830]  }
0xb0: {  	v19 =	vld [tilespmem:s24+$0x2840]  }
0xb1: {  	v1 =	vld [tilespmem:s24+$0x1B9F0];
	v6 =	vadd.f32 v6, v16  }
0xb2: {  	v20 =	vld [tilespmem:s24+$0x2850];
	v7 =	vadd.f32 v7, v17  }
0xb3: {  	v60 =	vld [tilespmem:s24+$0x2860];
	v6 =	vmax.f32 v6, $0.0e+00  }
0xb4: {  	v0 =	vld [tilespmem:s24+$0x1BA00];
	v7 =	vmax.f32 v7, $0.0e+00;
	[tilespmem:s24+$0x2810] =	vst v6;
	v6 =	vadd.f32 v8, v18  }
0xb5: {  	v21 =	vld [tilespmem:s24+$0x2870];
	[tilespmem:s24+$0x2820] =	vst v7;
	v7 =	vadd.f32 v9, v19  }
0xb6: {  	v61 =	vld [tilespmem:s24+$0x2880];
	v6 =	vmax.f32 v6, $0.0e+00  }
0xb7: {  	v62 =	vld [tilespmem:s24+$0x2890];
	v8 =	vmax.f32 v7, $0.0e+00;
	[tilespmem:s24+$0x2830] =	vst v6;
	v6 =	vadd.f32 v10, v20  }
0xb8: {  	v63 =	vld [tilespmem:s24+$0x28A0];
	[tilespmem:s24+$0x2840] =	vst v8;
	v8 =	vadd.f32 v11, v60  }
0xb9: {  	v7 =	vld [tilespmem:s24+$0x28B0];
	v9 =	vmax.f32 v6, $0.0e+00  }
0xba: {  	v6 =	vld [tilespmem:s24+$0x28C0];
	v10 =	vmax.f32 v8, $0.0e+00;
	[tilespmem:s24+$0x2850] =	vst v9;
	v9 =	vadd.f32 v12, v21  }
0xbb: {  	v8 =	vld [tilespmem:s24+$0x28D0];
	[tilespmem:s24+$0x2860] =	vst v10;
	v10 =	vadd.f32 v13, v61  }
0xbc: {  	v12 =	vadd.f32 v14, v62;
	v11 =	vmax.f32 v9, $0.0e+00;
	v9 =	vld [tilespmem:s24+$0x28E0]  }
0xbd: {  	s25 =	simm.s32 $0x7C0;
	v13 =	vmax.f32 v10, $0.0e+00;
	v10 =	vld [tilespmem:s24+$0x28F0];
	[tilespmem:s24+$0x2870] =	vst v11;
	v11 =	vadd.f32 v15, v63  }
.LBB2_5:
0xbe: {  	s8 =	sshra.s32 s25, $0x2;
	p1 =	sne.s32 s25, $0x9FC0;
	[tilespmem:s24+$0x2880] =	vst v13;
	v12 =	vmax.f32 v12, $0.0e+00;
	v5 =	vadd.f32 v5, v7;
	v7 =	vld [tilespmem:s24+$0x2900]  }
0xbf: {  	v13 =	vld [tilespmem:s8+$0x1B910];
	[tilespmem:s24+$0x2890] =	vst v12;
	v11 =	vmax.f32 v11, $0.0e+00;
	v4 =	vadd.f32 v4, v6  }
0xc0: {  	v6 =	vld [tilespmem:s8+$0x1B920];
	[tilespmem:s24+$0x28A0] =	vst v11;
	v5 =	vmax.f32 v5, $0.0e+00;
	v3 =	vadd.f32 v3, v8  }
0xc1: {  	v8 =	vld [tilespmem:s8+$0x1B930];
	[tilespmem:s24+$0x28B0] =	vst v5;
	v4 =	vmax.f32 v4, $0.0e+00;
	v2 =	vadd.f32 v2, v9  }
0xc2: {  	v9 =	vld [tilespmem:s8+$0x1B940];
	[tilespmem:s24+$0x28C0] =	vst v4;
	v3 =	vmax.f32 v3, $0.0e+00;
	v1 =	vadd.f32 v1, v10  }
0xc3: {  	v10 =	vld [tilespmem:s8+$0x1B950];
	[tilespmem:s24+$0x28D0] =	vst v3;
	v2 =	vmax.f32 v2, $0.0e+00;
	v0 =	vadd.f32 v0, v7  }
0xc4: {  	v7 =	vld [tilespmem:s8+$0x1B960];
	[tilespmem:s24+$0x28E0] =	vst v2;
	v1 =	vmax.f32 v1, $0.0e+00  }
0xc5: {  	v11 =	vld [tilespmem:s8+$0x1B970];
	[tilespmem:s24+$0x28F0] =	vst v1;
	v0 =	vmax.f32 v0, $0.0e+00  }
0xc6: {  	v12 =	vld [tilespmem:s8+$0x1B980];
	[tilespmem:s24+$0x2900] =	vst v0;
	s24 =	smov.u32 s8  }
0xc7: {  	v14 =	vld [tilespmem:s24+$0x1B990]  }
0xc8: {  	v15 =	vld [tilespmem:s24+$0x1B9A0]  }
0xc9: {  	v5 =	vld [tilespmem:s24+$0x1B9B0]  }
0xca: {  	v4 =	vld [tilespmem:s24+$0x1B9C0]  }
0xcb: {  	v3 =	vld [tilespmem:s24+$0x1B9D0]  }
0xcc: {  	v2 =	vld [tilespmem:s24+$0x1B9E0]  }
0xcd: {  	v1 =	vld [tilespmem:s24+$0x1B9F0]  }
0xce: {  	v0 =	vld [tilespmem:s24+$0x1BA00]  }
0xcf: {  	v16 =	vld [tilespmem:s24+$0x2810]  }
0xd0: {  	v17 =	vld [tilespmem:s24+$0x2820]  }
0xd1: {  	v18 =	vld [tilespmem:s24+$0x2830]  }
0xd2: {  	v19 =	vld [tilespmem:s24+$0x2840]  }
0xd3: {  	v20 =	vld [tilespmem:s24+$0x2850]  }
0xd4: {  	v13 =	vadd.f32 v13, v16;
	v16 =	vld [tilespmem:s24+$0x2860]  }
0xd5: {  	v6 =	vadd.f32 v6, v17;
	v17 =	vld [tilespmem:s24+$0x2870]  }
0xd6: {  	v13 =	vmax.f32 v13, $0.0e+00;
	v8 =	vadd.f32 v8, v18;
	v18 =	vld [tilespmem:s24+$0x2880]  }
0xd7: {  	[tilespmem:s24+$0x2810] =	vst v13;
	v6 =	vmax.f32 v6, $0.0e+00;
	v9 =	vadd.f32 v9, v19;
	v13 =	vld [tilespmem:s24+$0x2890]  }
0xd8: {  	[tilespmem:s24+$0x2820] =	vst v6;
	v6 =	vmax.f32 v8, $0.0e+00;
	v8 =	vadd.f32 v10, v20;
	v10 =	vld [tilespmem:s24+$0x28A0]  }
.Ltmp1:
0xd9: {  	[tilespmem:s24+$0x2830] =	vst v6;
	v6 =	vmax.f32 v9, $0.0e+00;
	v9 =	vadd.f32 v7, v16;
	v7 =	vld [tilespmem:s24+$0x28B0];
	(pc) =	sbr.rel @p1 .LBB2_5-.Ltmp1, $4  }
0xda: {  	[tilespmem:s24+$0x2840] =	vst v6;
	v8 =	vmax.f32 v8, $0.0e+00;
	v11 =	vadd.f32 v11, v17;
	v6 =	vld [tilespmem:s24+$0x28C0]  }
0xdb: {  	[tilespmem:s24+$0x2850] =	vst v8;
	v9 =	vmax.f32 v9, $0.0e+00;
	v16 =	vadd.f32 v12, v18;
	v8 =	vld [tilespmem:s24+$0x28D0]  }
0xdc: {  	[tilespmem:s24+$0x2860] =	vst v9;
	v11 =	vmax.f32 v11, $0.0e+00;
	v12 =	vadd.f32 v14, v13;
	v9 =	vld [tilespmem:s24+$0x28E0]  }
0xdd: {  	s25 =	sadd.s32 $0x400, s25;
	[tilespmem:s24+$0x2870] =	vst v11;
	v13 =	vmax.f32 v16, $0.0e+00;
	v11 =	vadd.f32 v15, v10;
	v10 =	vld [tilespmem:s24+$0x28F0]  }
0xde: {  	[tilespmem:s24+$0x2880] =	vst v13;
	v12 =	vmax.f32 v12, $0.0e+00;
	v5 =	vadd.f32 v5, v7;
	v63 =	vld [tilespmem:s24+$0x2900]  }
0xdf: {  	[tilespmem:s24+$0x2890] =	vst v12;
	v11 =	vmax.f32 v11, $0.0e+00;
	v4 =	vadd.f32 v4, v6  }
0xe0: {  	[tilespmem:s24+$0x28A0] =	vst v11;
	v5 =	vmax.f32 v5, $0.0e+00;
	v3 =	vadd.f32 v3, v8  }
0xe1: {  	[tilespmem:s24+$0x28B0] =	vst v5;
	v4 =	vmax.f32 v4, $0.0e+00;
	v2 =	vadd.f32 v2, v9  }
0xe2: {  	[tilespmem:s24+$0x28C0] =	vst v4;
	v3 =	vmax.f32 v3, $0.0e+00;
	v1 =	vadd.f32 v1, v10  }
0xe3: {  	[tilespmem:s24+$0x28D0] =	vst v3;
	v2 =	vmax.f32 v2, $0.0e+00;
	v0 =	vadd.f32 v0, v63  }
0xe4: {  	[tilespmem:s24+$0x28E0] =	vst v2;
	v1 =	vmax.f32 v1, $0.0e+00  }
0xe5: {  	[tilespmem:s24+$0x28F0] =	vst v1;
	v0 =	vmax.f32 v0, $0.0e+00  }
0xe6: {  	p1 =	seq.s32 s19, $0x3D;
	[tilespmem:s24+$0x2900] =	vst v0  }
0xe7: {  	[spmem:s2] =	stream.indirect.scatter.add.f32 [tilespmem:s28], [sflag:$0x9], $0x80, s26, s31, $0xb8;
	[tilespmem:$0x1E200] =	vst v63  }
0xe8: {  	s8 =	sadd.s32 @!p1 s20, s16;
	s25 =	simm.s32 @!p1 $0x0;
	_ =	swait.ge [sflag:s21], $0x2800  }
0xe9: {  	s18 =	simm.s32 @!p1 $0x80;
	s20 =	sshrl.u32 @!p1 s8, $0x3;
	[sflag:s21] =	ssyncset.done $0x0  }
0xea: {  	s8 =	sshll.u32 @!p1 s8, $0x4;
	s24 =	sadd.s32 @!p1 s6, s20;
	[sflag:s21] =	ssyncadd.s32 $0xFFFFD800  }
0xeb: {  	[tilespmem:s18], [sflag:$0x2] =	stream.linear.gather @!p1 [hbm4b:s24+s25], $0x50, $0x38;
	[tilespmem:$0x1E200] =	vst v63  }
0xec: {  	s8 =	sadd.s32 @!p1 s4, s8;
	s18 =	simm.s32 @!p1 $0x2900  }
0xed: {  	[tilespmem:s18], [sflag:$0x4] =	stream.linear.gather @!p1 [hbm4b:s8+s25], $0x2800, $0x38;
	[tilespmem:$0x1E200] =	vst v63  }
0xee: {  	s19 =	sadd.s32 $0x1, s19;
	s8 =	sadd.s32 @!p1 s5, s20;
	s18 =	simm.s32 @!p1 $0x19180  }
0xef: {  	[tilespmem:s18], [sflag:$0x6] =	stream.linear.gather @!p1 [hbm4b:s8+s25], $0x50, $0x38;
	[tilespmem:$0x1E200] =	vst v63  }
0xf0: {  	p1 =	sne.s32 s19, $0x3E  }
.Ltmp2:
0xf1: {  	_ = 	snop;
	(pc) =	sbr.rel @p1 .LBB2_2-.Ltmp2, $4  }
0xf2: {  	_ =	swait.ge [sflag:s30], $0x50  }
0xf3: {  	[sflag:s30] =	ssyncset.done $0x0  }
0xf4: {  	[sflag:s30] =	ssyncadd.s32 $0xFFFFFFB0  }
0xf5: {  	[tilespmem:s0], [sflag:$0x7] =	stream.indirect.gather [hbm4b:s1+s31], $0x80, s23, s31, $0xb8;
	[tilespmem:$0x1E200] =	vst v63  }
0xf6: {  	_ =	swait.ge [sflag:s7], $0x50  }
0xf7: {  	[sflag:s7] =	ssyncset.done $0x0  }
0xf8: {  	[sflag:s7] =	ssyncadd.s32 $0xFFFFFFB0  }
0xf9: {  	_ =	swait.ge [sflag:s9], $0x2800  }
0xfa: {  	[sflag:s9] =	ssyncset.done $0x0  }
0xfb: {  	[sflag:s9] =	ssyncadd.s32 $0xFFFFD800  }
0xfc: {  	_ =	swait.ge [sflag:s10], $0x2800  }
0xfd: {  	[sflag:s10] =	ssyncset.done $0x0  }
0xfe: {  	s19 =	simm.s32 $0xF0;
	[sflag:s10] =	ssyncadd.s32 $0xFFFFD800  }
0xff: {  	v6 =	vld [tilespmem:s19+$0x19110]  }
0x100: {  	v7 =	vld [tilespmem:s19+$0x19120]  }
0x101: {  	v8 =	vld [tilespmem:s19+$0x19130]  }
0x102: {  	v9 =	vld [tilespmem:s19+$0x19140]  }
0x103: {  	v10 =	vld [tilespmem:s19+$0x19150]  }
0x104: {  	v11 =	vld [tilespmem:s19+$0x19160]  }
0x105: {  	v12 =	vld [tilespmem:s19+$0x19170]  }
0x106: {  	v13 =	vld [tilespmem:s19+$0x19180]  }
0x107: {  	v14 =	vld [tilespmem:s19+$0x19190]  }
0x108: {  	v15 =	vld [tilespmem:s19+$0x191A0]  }
0x109: {  	v5 =	vld [tilespmem:s19+$0x191B0]  }
0x10a: {  	v4 =	vld [tilespmem:s19+$0x191C0]  }
0x10b: {  	v3 =	vld [tilespmem:s19+$0x191D0]  }
0x10c: {  	v16 =	vld [tilespmem:s19+$0x10]  }
0x10d: {  	v17 =	vld [tilespmem:s19+$0x20]  }
0x10e: {  	v2 =	vld [tilespmem:s19+$0x191E0]  }
0x10f: {  	v18 =	vld [tilespmem:s19+$0x30]  }
0x110: {  	v19 =	vld [tilespmem:s19+$0x40]  }
0x111: {  	v1 =	vld [tilespmem:s19+$0x191F0];
	v6 =	vadd.f32 v6, v16  }
0x112: {  	v20 =	vld [tilespmem:s19+$0x50];
	v7 =	vadd.f32 v7, v17  }
0x113: {  	v60 =	vld [tilespmem:s19+$0x60];
	v6 =	vmax.f32 v6, $0.0e+00  }
0x114: {  	v0 =	vld [tilespmem:s19+$0x19200];
	v7 =	vmax.f32 v7, $0.0e+00;
	[tilespmem:s19+$0x10] =	vst v6;
	v6 =	vadd.f32 v8, v18  }
0x115: {  	v21 =	vld [tilespmem:s19+$0x70];
	[tilespmem:s19+$0x20] =	vst v7;
	v7 =	vadd.f32 v9, v19  }
0x116: {  	v61 =	vld [tilespmem:s19+$0x80];
	v6 =	vmax.f32 v6, $0.0e+00  }
0x117: {  	v62 =	vld [tilespmem:s19+$0x90];
	v8 =	vmax.f32 v7, $0.0e+00;
	[tilespmem:s19+$0x30] =	vst v6;
	v6 =	vadd.f32 v10, v20  }
0x118: {  	v63 =	vld [tilespmem:s19+$0xA0];
	[tilespmem:s19+$0x40] =	vst v8;
	v8 =	vadd.f32 v11, v60  }
0x119: {  	v7 =	vld [tilespmem:s19+$0xB0];
	v9 =	vmax.f32 v6, $0.0e+00  }
0x11a: {  	v6 =	vld [tilespmem:s19+$0xC0];
	v10 =	vmax.f32 v8, $0.0e+00;
	[tilespmem:s19+$0x50] =	vst v9;
	v9 =	vadd.f32 v12, v21  }
0x11b: {  	v8 =	vld [tilespmem:s19+$0xD0];
	[tilespmem:s19+$0x60] =	vst v10;
	v10 =	vadd.f32 v13, v61  }
0x11c: {  	v12 =	vadd.f32 v14, v62;
	v11 =	vmax.f32 v9, $0.0e+00;
	v9 =	vld [tilespmem:s19+$0xE0]  }
0x11d: {  	s20 =	simm.s32 $0x7C0;
	v13 =	vmax.f32 v10, $0.0e+00;
	v10 =	vld [tilespmem:s19+$0xF0];
	[tilespmem:s19+$0x70] =	vst v11;
	v11 =	vadd.f32 v15, v63  }
.LBB2_8:
0x11e: {  	s8 =	sshra.s32 s20, $0x2;
	p1 =	sne.s32 s20, $0x9FC0;
	[tilespmem:s19+$0x80] =	vst v13;
	v12 =	vmax.f32 v12, $0.0e+00;
	v5 =	vadd.f32 v5, v7;
	v7 =	vld [tilespmem:s19+$0x100]  }
0x11f: {  	v13 =	vld [tilespmem:s8+$0x19110];
	[tilespmem:s19+$0x90] =	vst v12;
	v11 =	vmax.f32 v11, $0.0e+00;
	v4 =	vadd.f32 v4, v6  }
0x120: {  	v6 =	vld [tilespmem:s8+$0x19120];
	[tilespmem:s19+$0xA0] =	vst v11;
	v5 =	vmax.f32 v5, $0.0e+00;
	v3 =	vadd.f32 v3, v8  }
0x121: {  	v8 =	vld [tilespmem:s8+$0x19130];
	[tilespmem:s19+$0xB0] =	vst v5;
	v4 =	vmax.f32 v4, $0.0e+00;
	v2 =	vadd.f32 v2, v9  }
0x122: {  	v9 =	vld [tilespmem:s8+$0x19140];
	[tilespmem:s19+$0xC0] =	vst v4;
	v3 =	vmax.f32 v3, $0.0e+00;
	v1 =	vadd.f32 v1, v10  }
0x123: {  	v10 =	vld [tilespmem:s8+$0x19150];
	[tilespmem:s19+$0xD0] =	vst v3;
	v2 =	vmax.f32 v2, $0.0e+00;
	v0 =	vadd.f32 v0, v7  }
0x124: {  	v7 =	vld [tilespmem:s8+$0x19160];
	[tilespmem:s19+$0xE0] =	vst v2;
	v1 =	vmax.f32 v1, $0.0e+00  }
0x125: {  	v11 =	vld [tilespmem:s8+$0x19170];
	[tilespmem:s19+$0xF0] =	vst v1;
	v0 =	vmax.f32 v0, $0.0e+00  }
0x126: {  	v12 =	vld [tilespmem:s8+$0x19180];
	[tilespmem:s19+$0x100] =	vst v0;
	s19 =	smov.u32 s8  }
0x127: {  	v14 =	vld [tilespmem:s19+$0x19190]  }
0x128: {  	v15 =	vld [tilespmem:s19+$0x191A0]  }
0x129: {  	v5 =	vld [tilespmem:s19+$0x191B0]  }
0x12a: {  	v4 =	vld [tilespmem:s19+$0x191C0]  }
0x12b: {  	v3 =	vld [tilespmem:s19+$0x191D0]  }
0x12c: {  	v2 =	vld [tilespmem:s19+$0x191E0]  }
0x12d: {  	v1 =	vld [tilespmem:s19+$0x191F0]  }
0x12e: {  	v0 =	vld [tilespmem:s19+$0x19200]  }
0x12f: {  	v16 =	vld [tilespmem:s19+$0x10]  }
0x130: {  	v17 =	vld [tilespmem:s19+$0x20]  }
0x131: {  	v18 =	vld [tilespmem:s19+$0x30]  }
0x132: {  	v19 =	vld [tilespmem:s19+$0x40]  }
0x133: {  	v20 =	vld [tilespmem:s19+$0x50]  }
0x134: {  	v13 =	vadd.f32 v13, v16;
	v16 =	vld [tilespmem:s19+$0x60]  }
0x135: {  	v6 =	vadd.f32 v6, v17;
	v17 =	vld [tilespmem:s19+$0x70]  }
0x136: {  	v13 =	vmax.f32 v13, $0.0e+00;
	v8 =	vadd.f32 v8, v18;
	v18 =	vld [tilespmem:s19+$0x80]  }
0x137: {  	[tilespmem:s19+$0x10] =	vst v13;
	v6 =	vmax.f32 v6, $0.0e+00;
	v9 =	vadd.f32 v9, v19;
	v13 =	vld [tilespmem:s19+$0x90]  }
0x138: {  	[tilespmem:s19+$0x20] =	vst v6;
	v6 =	vmax.f32 v8, $0.0e+00;
	v8 =	vadd.f32 v10, v20;
	v10 =	vld [tilespmem:s19+$0xA0]  }
.Ltmp3:
0x139: {  	[tilespmem:s19+$0x30] =	vst v6;
	v6 =	vmax.f32 v9, $0.0e+00;
	v9 =	vadd.f32 v7, v16;
	v7 =	vld [tilespmem:s19+$0xB0];
	(pc) =	sbr.rel @p1 .LBB2_8-.Ltmp3, $4  }
0x13a: {  	[tilespmem:s19+$0x40] =	vst v6;
	v8 =	vmax.f32 v8, $0.0e+00;
	v11 =	vadd.f32 v11, v17;
	v6 =	vld [tilespmem:s19+$0xC0]  }
0x13b: {  	[tilespmem:s19+$0x50] =	vst v8;
	v9 =	vmax.f32 v9, $0.0e+00;
	v16 =	vadd.f32 v12, v18;
	v8 =	vld [tilespmem:s19+$0xD0]  }
0x13c: {  	[tilespmem:s19+$0x60] =	vst v9;
	v11 =	vmax.f32 v11, $0.0e+00;
	v12 =	vadd.f32 v14, v13;
	v9 =	vld [tilespmem:s19+$0xE0]  }
0x13d: {  	s20 =	sadd.s32 $0x400, s20;
	[tilespmem:s19+$0x70] =	vst v11;
	v13 =	vmax.f32 v16, $0.0e+00;
	v11 =	vadd.f32 v15, v10;
	v10 =	vld [tilespmem:s19+$0xF0]  }
0x13e: {  	[tilespmem:s19+$0x80] =	vst v13;
	v12 =	vmax.f32 v12, $0.0e+00;
	v5 =	vadd.f32 v5, v7;
	v63 =	vld [tilespmem:s19+$0x100]  }
0x13f: {  	[tilespmem:s19+$0x90] =	vst v12;
	v11 =	vmax.f32 v11, $0.0e+00;
	v4 =	vadd.f32 v4, v6  }
0x140: {  	[tilespmem:s19+$0xA0] =	vst v11;
	v5 =	vmax.f32 v5, $0.0e+00;
	v3 =	vadd.f32 v3, v8  }
0x141: {  	[tilespmem:s19+$0xB0] =	vst v5;
	v4 =	vmax.f32 v4, $0.0e+00;
	v2 =	vadd.f32 v2, v9  }
0x142: {  	[tilespmem:s19+$0xC0] =	vst v4;
	v3 =	vmax.f32 v3, $0.0e+00;
	v1 =	vadd.f32 v1, v10  }
0x143: {  	[tilespmem:s19+$0xD0] =	vst v3;
	v2 =	vmax.f32 v2, $0.0e+00;
	v0 =	vadd.f32 v0, v63  }
0x144: {  	[tilespmem:s19+$0xE0] =	vst v2;
	v1 =	vmax.f32 v1, $0.0e+00  }
0x145: {  	[tilespmem:s19+$0xF0] =	vst v1;
	v0 =	vmax.f32 v0, $0.0e+00  }
0x146: {  	[tilespmem:s19+$0x100] =	vst v0  }
0x147: {  	[spmem:s2] =	stream.indirect.scatter.add.f32 [tilespmem:s22], [sflag:$0x9], $0x80, s3, s31, $0xb8;
	[tilespmem:$0x1E200] =	vst v63  }
0x148: {  	_ =	swait.ge [sflag:s21], $0x2800  }
0x149: {  	[sflag:s21] =	ssyncset.done $0x0  }
0x14a: {  	[sflag:s21] =	ssyncadd.s32 $0xFFFFD800  }
0x14b: {  	[bflag:$0x0] =	sbarrier.arrive $0xFFFF  }
0x14c: {  	s18 =	rddreg [dreg:$0x5]  }
0x14d: {  	s8 =	rddreg [dreg:$0xc]  }
0x14e: {  	s24 =	rddreg [dreg:$0x10]  }
0x14f: {  	[hbm:s8], [sflag:s18] =	dma.local [spmem:s24], $0x2700  }
0x150: {  	_ =	swait.ge [sflag:s21], $0x2700  }
0x151: {  	[sflag:s21] =	ssyncset.done $0x0;
	s8 =	rddreg [dreg:$0xd]  }
0x152: {  	s19 =	rddreg [dreg:$0x11];
	[sflag:s21] =	ssyncadd.s32 $0xFFFFD900  }
0x153: {  	[hbm:s8], [sflag:s18] =	dma.local @!p0 [spmem:s19], $0x100  }
0x154: {  	s8 =	simm.s32 @!p0 $0x9  }
0x155: {  	_ =	swait.ge @!p0 [sflag:s8], $0x100  }
0x156: {  	s20 =	rddreg [dreg:$0x12]  }
0x157: {  	s25 =	rddreg [dreg:$0xe];
	s20 =	sadd.s32 $0x1, s20  }
0x158: {  	p1 =	sne.s32 s20, s25  }
.Ltmp4:
0x159: {  	_ = 	snop;
	(pc) =	sbr.rel @p1 .LBB2_1-.Ltmp4, $3  }
0x15a: {  	_ =	sdelay $0x1  }
0x15b: {  	[sflag:s8] =	ssyncset.done @!p0 $0x0  }
0x15c: {  	[sflag:s8] =	ssyncadd.s32 @!p0 $0xFFFFFF00  }
0x15d: {  	_ =	sfence.sel $0x180000  }
0x15e: {  	[bflag:$0x0] =	sbarrier.arrive $0xFFFF  }
0x15f: {  	_ =	strace $0x9000004A  }
0x160: {  	[bflag:$0x2] =	sbarrier.arrive $0xFFFF  }
0x161: {  	s0 =	rddreg [dreg:$0x3]  }
0x162: {  	s0 =	sadd.s32 @!p0 $0x100000, s0  }
0x163: {  	[sflag:s0] =	ssyncadd.tile.s32 @!p0 $0x1;
	_ =	shalt  }
.Lfunc_end2:
_tile_overlayer_lowered:
.L_overlay_start_2:
0x164: {  	(tag) =	ssettag $0x2  }
0x165: {  	s0 =	rddreg [dreg:$0x0];
	s2 =	stileid.u32  }
0x166: {  	s1 =	rddreg [dreg:$0x1];
	p0 =	sne.s32 s2, $0x0  }
0x167: {  	s3 =	rddreg [dreg:$0x2];
	[bflag:$0x3] =	sbarrier.arrive $0xFFFF;
	s2 =	simm.s32 @!p0 $0x1C09  }
0x168: {  	[timem:s3], [sflag:s2] =	dma.local @!p0 [hbm:s0], s1  }
0x169: {  	s0 =	simm.s32 @!p0 $0x9  }
0x16a: {  	_ =	swait.ge @!p0 [sflag:s0], s1  }
0x16b: {  	s1 =	ssub.s32 @!p0 $0x0, s1;
	[sflag:s0] =	ssyncset.done @!p0 $0x0  }
0x16c: {  	[sflag:s0] =	ssyncadd.s32 @!p0 s1  }
0x16d: {  	[bflag:$0x3] =	sbarrier.arrive $0xFFFF  }
0x16e: {  	_ =	shalt  }

// kernel: kernel.9.cloned.1.call-start
scs
__scs_entry_jumppad:
0x0: {  	(pc) =	sbr.rel $0x88, $3  }
0x1: {  	(tag) =	ssettag $0x0;
	lr =	simm.s32 $0x1  }
0x2: {  	[smem:$0x3F93] =	sst lr;
	_ =	strace $0xD0000000  }
0x3: {  	_ = 	snop  }
0x4: {  	_ = 	snop  }
0x5: {  	_ = 	snop  }
0x6: {  	_ = 	snop  }
0x7: {  	_ = 	snop  }
__scs_overlays_trampoline_lowered:
0x8: {  	[smem:$0x3FA2] =	sst s0  }
0x9: {  	[smem:$0x3FA3] =	sst s1  }
0xa: {  	[smem:$0x3FA4] =	sst s2  }
0xb: {  	[smem:$0x3FA5] =	sst s3  }
0xc: {  	[smem:$0x3FA6] =	sst s4  }
0xd: {  	[smem:$0x3FA7] =	sst s5  }
0xe: {  	[smem:$0x3FA8] =	sst s6  }
0xf: {  	[smem:$0x3FA9] =	sst s7  }
0x10: {  	[smem:$0x3FAA] =	sst s8  }
0x11: {  	[smem:$0x3FAB] =	sst s9;
	s0 =	simm.s32 @!p0 $0x0  }
0x12: {  	s1 =	sld [smem:$0x3F91];
	s0 =	simm.s32 @p0 $0x1  }
0x13: {  	[smem:$0x3FAC] =	sst s0;
	s0 =	simm.s32 @!p1 $0x0  }
0x14: {  	s2 =	sld [smem:$0x3F90];
	s0 =	simm.s32 @p1 $0x1  }
0x15: {  	[smem:$0x3FAD] =	sst s0;
	s0 =	simm.s32 @!p2 $0x0  }
0x16: {  	s3 =	sld [smem:$0x3FDB];
	s0 =	simm.s32 @p2 $0x1  }
0x17: {  	s4 =	simm.s32 $0x1BF5;
	[smem:$0x3FAF] =	sst s0  }
0x18: {  	s0 =	sld [smem:$0x3F92];
	_ =	swait.ge [sflag:s4], $0x0  }
0x19: {  	s7 =	sld [smem:$0x3F93]  }
0x1a: {  	s8 =	sadd.s32 $0xFFFFE003, lr  }
0x1b: {  	s9 =	sadd.s32 $0xFFFFFEF7, lr;
	s5 =	simm.s32 $0xFFFFFFFF;
	p2 =	slt.u32 s8, $0xFFFFF086  }
0x1c: {  	p1 =	slt.u32 s9, $0xF7A;
	s5 =	simm.s32 @!p2 $0x0  }
0x1d: {  	s5 =	simm.s32 @p1 $0x1;
	p0 =	seq.s32 s7, s2  }
0x1e: {  	s7 =	smul.u32 @!p0 $0xF7A, s2;
	p2 =	seq.s32 @!p0 s5, $0x0  }
0x1f: {  	s9 =	smul.u32 $0xF7A, s1;
	s8 =	simm.s32 @!p0 $0x1BF5;
	p2 =	por !p2, p0  }
0x20: {  	[sflag:s8] =	ssyncset.s32 @!p0 $0xFFFFF086;
	s6 =	sadd.s32 @!p0 s3, s7;
	s7 =	simm.s32 @!p0 $0x108  }
0x21: {  	s3 =	sadd.s32 s3, s9;
	s6 =	sadd.s32 @!p0 $0x88, s6;
	s7 =	simm.s32 @p2 $0x1082  }
0x22: {  	[simem:s7], [sflag:s8] =	dma.local @!p0 [hbm:s6], $0xF7A  }
0x23: {  	s9 =	sor.u32 $0xD0000000, s2;
	s6 =	simm.s32 $0x108;
	_ =	swait.ge @!p0 [sflag:s8], $0x0  }
0x24: {  	s3 =	sadd.s32 $0x88, s3;
	s6 =	simm.s32 @!p1 $0x1082;
	[sflag:s4] =	ssyncset.s32 $0xFFFFF086  }
0x25: {  	[simem:s6], [sflag:s4] =	dma.local [hbm:s3], $0xF7A  }
0x26: {  	[smem:$0x3F93] =	sst s1;
	(tag) =	ssettag s2;
	_ =	strace s9  }
0x27: {  	s1 =	sld [smem:$0x3FA3]  }
0x28: {  	s2 =	sld [smem:$0x3FA4]  }
0x29: {  	s4 =	sld [smem:$0x3FA6]  }
0x2a: {  	p0 =	seq.s32 s5, $0x0;
	s5 =	sld [smem:$0x3FA7]  }
0x2b: {  	s6 =	sld [smem:$0x3FA8]  }
0x2c: {  	s7 =	sld [smem:$0x3FA9]  }
0x2d: {  	s3 =	simm.s32 $0x108;
	s8 =	sld [smem:$0x3FAA]  }
0x2e: {  	s3 =	simm.s32 @!p0 $0x1082;
	s9 =	sld [smem:$0x3FAB]  }
0x2f: {  	lr =	sadd.s32 s0, s3;
	s0 =	sld [smem:$0x3FA2]  }
0x30: {  	s3 =	sld [smem:$0x3FA5]  }
0x31: {  	[smem:$0x3FAE] =	sst s10  }
0x32: {  	s10 =	sld [smem:$0x3FAC];
	_ =	sdelay $0x3  }
0x33: {  	p0 =	seq.s32 s10, $0x1;
	s10 =	sld [smem:$0x3FAE];
	_ =	sdelay $0x3  }
0x34: {  	[smem:$0x3FAE] =	sst s10  }
0x35: {  	s10 =	sld [smem:$0x3FAD];
	_ =	sdelay $0x3  }
0x36: {  	p1 =	seq.s32 s10, $0x1;
	s10 =	sld [smem:$0x3FAE];
	_ =	sdelay $0x3  }
0x37: {  	[smem:$0x3FAE] =	sst s10  }
0x38: {  	s10 =	sld [smem:$0x3FAF]  }
0x39: {  	_ = 	snop;
	(pc) =	sbr.ind lr, $3  }
0x3a: {  	_ = 	snop  }
0x3b: {  	_ = 	snop  }
0x3c: {  	p2 =	seq.s32 s10, $0x1;
	s10 =	sld [smem:$0x3FAE]  }
0x3d: {  	_ =	shalt  }
0x3e: {  	_ =	shalt  }
0x3f: {  	_ =	shalt  }
0x40: {  	_ =	shalt  }
0x41: {  	_ =	shalt  }
0x42: {  	_ =	shalt  }
0x43: {  	_ =	shalt  }
0x44: {  	_ =	shalt  }
0x45: {  	_ =	shalt  }
0x46: {  	_ =	shalt  }
0x47: {  	_ =	shalt  }
0x48: {  	_ =	shalt  }
0x49: {  	_ =	shalt  }
0x4a: {  	_ =	shalt  }
0x4b: {  	_ =	shalt  }
0x4c: {  	_ =	shalt  }
0x4d: {  	_ =	shalt  }
0x4e: {  	_ =	shalt  }
0x4f: {  	_ =	shalt  }
0x50: {  	_ =	shalt  }
0x51: {  	_ =	shalt  }
0x52: {  	_ =	shalt  }
0x53: {  	_ =	shalt  }
0x54: {  	_ =	shalt  }
0x55: {  	_ =	shalt  }
0x56: {  	_ =	shalt  }
0x57: {  	_ =	shalt  }
0x58: {  	_ =	shalt  }
0x59: {  	_ =	shalt  }
0x5a: {  	_ =	shalt  }
0x5b: {  	_ =	shalt  }
0x5c: {  	_ =	shalt  }
0x5d: {  	_ =	shalt  }
0x5e: {  	_ =	shalt  }
0x5f: {  	_ =	shalt  }
0x60: {  	_ =	shalt  }
0x61: {  	_ =	shalt  }
0x62: {  	_ =	shalt  }
0x63: {  	_ =	shalt  }
0x64: {  	_ =	shalt  }
0x65: {  	_ =	shalt  }
0x66: {  	_ =	shalt  }
0x67: {  	_ =	shalt  }
0x68: {  	_ =	shalt  }
0x69: {  	_ =	shalt  }
0x6a: {  	_ =	shalt  }
0x6b: {  	_ =	shalt  }
0x6c: {  	_ =	shalt  }
0x6d: {  	_ =	shalt  }
0x6e: {  	_ =	shalt  }
0x6f: {  	_ =	shalt  }
0x70: {  	_ =	shalt  }
0x71: {  	_ =	shalt  }
0x72: {  	_ =	shalt  }
0x73: {  	_ =	shalt  }
0x74: {  	_ =	shalt  }
0x75: {  	_ =	shalt  }
0x76: {  	_ =	shalt  }
0x77: {  	_ =	shalt  }
0x78: {  	_ =	shalt  }
0x79: {  	_ =	shalt  }
0x7a: {  	_ =	shalt  }
0x7b: {  	_ =	shalt  }
0x7c: {  	_ =	shalt  }
0x7d: {  	_ =	shalt  }
0x7e: {  	_ =	shalt  }
0x7f: {  	_ =	shalt  }
0x80: {  	_ =	shalt  }
0x81: {  	_ =	shalt  }
0x82: {  	_ =	shalt  }
0x83: {  	_ =	shalt  }
0x84: {  	_ =	shalt  }
0x85: {  	_ =	shalt  }
0x86: {  	_ =	shalt  }
0x87: {  	_ =	shalt  }
.Lfunc_end0:
.L_simem_size_0:
called_computation_lowered:
.L_overlay_start_0:
0x88: {  	s2 =	sld [smem:$0x3FD9]  }
0x89: {  	s3 =	sld [smem:$0x3FFE];
	_ =	sdelay $0x1  }
0x8a: {  	s1 =	srdreg.scid  }
0x8b: {  	s0 =	sand.u32 $0x1, s1  }
0x8c: {  	s16 =	sshll.u32 s0, $0xA;
	s2 =	sadd.s32 s3, s2  }
0x8d: {  	s2 =	sadd.s32 s2, s16  }
0x8e: {  	[smem:$0x3FBA] =	sst s2  }
0x8f: {  	_ = 	snop  }
0x90: {  	(tm) =	ssettm $0x1  }
0x91: {  	s17 =	sld [smem:$0x3FFB];
	_ =	sdelay $0x3  }
0x92: {  	_ =	strace s17  }
0x93: {  	s2 =	sld [smem:$0x3FFC];
	_ =	sdelay $0x3  }
0x94: {  	_ =	strace s2  }
0x95: {  	s2 =	sld [smem:$0x3FFD];
	_ =	sdelay $0x3  }
0x96: {  	_ =	strace s2  }
0x97: {  	_ =	strace $0x8FFFFFFF  }
0x98: {  	s18 =	sld [smem:$0x3FDB];
	_ =	sdelay $0x1  }
0x99: {  	s19 =	simm.s32 $_scs_section_size  }
0x9a: {  	s4 =	simm.s32 $_size__tile_overlayer_lowered;
	s5 =	simm.s32 $_tile_overlayer_lowered  }
0x9b: {  	s22 =	simm.s32 $0x1BFF;
	s21 =	sshll.u32 s5, $0x1;
	s2 =	sadd.s32 s19, s18  }
0x9c: {  	s6 =	simm.s32 $0x0;
	s20 =	sshll.u32 s4, $0x1;
	s4 =	sadd.s32 s21, s2  }
0x9d: {  	[timem:s6], [sflag:s22] =	dma.local [hbm:s4], s20  }
0x9e: {  	_ =	swait.ge [sflag:s22], s20  }
0x9f: {  	s3 =	ssub.s32 $0x0, s20;
	[sflag:s22] =	ssyncset.done $0x0  }
0xa0: {  	[sflag:s22] =	ssyncadd.s32 s3;
	_ =	sdelay $0x1  }
0xa1: {  	s23 =	simm.s32 $0x1B8B  }
0xa2: {  	_ =	swait.ge [sflag:s23], $0x1  }
0xa3: {  	[sflag:s23] =	ssyncset.done $0x0  }
0xa4: {  	s25 =	simm.s32 $0x1B8E;
	s24 =	sld [smem:$0x3FFE];
	[sflag:s23] =	ssyncadd.s32 $0xFFFFFFFF  }
0xa5: {  	s26 =	simm.s32 $execute0_lowered;
	[smem:$0x3FD2] =	sst s25  }
0xa6: {  	s4 =	sshll.u32 s26, $0x1;
	_ =	strace $0x80000046;
	[dreg:$0x1] =	wrdreg $0xFFFFFFFF  }
0xa7: {  	s28 =	simm.s32 $_size_execute0_lowered;
	s2 =	sadd.s32 s2, s4;
	[dreg:$0x0] =	wrdreg $0x0  }
0xa8: {  	s4 =	sshll.u32 s28, $0x1;
	[dreg:$0x2] =	wrdreg s2  }
0xa9: {  	[dreg:$0x3] =	wrdreg s4  }
0xaa: {  	[dreg:$0x4] =	wrdreg $0xC0  }
0xab: {  	_ =	task [dreg:s6], $0x5FFFF  }
0xac: {  	[dreg:$0x1] =	wrdreg $0xFFFFFFFF  }
0xad: {  	[dreg:$0x0] =	wrdreg $0x60  }
0xae: {  	[dreg:$0x2] =	wrdreg s24  }
0xaf: {  	[dreg:$0x3] =	wrdreg $0xA2000  }
0xb0: {  	[dreg:$0x4] =	wrdreg $0x9  }
0xb1: {  	_ =	task.clear_ibuf [dreg:s6], $0x5FFFF;
	_ =	strace $0x90000046  }
0xb2: {  	s29 =	simm.s32 $0x9;
	_ =	strace $0x80000048  }
0xb3: {  	_ =	swait.ge [sflag:s29], $0x1  }
0xb4: {  	[sflag:s29] =	ssyncadd.s32 $0xFFFFFFFF  }
0xb5: {  	_ =	strace $0x90000048  }
0xb6: {  	_ =	sfence  }
0xb7: {  	s30 =	sld [smem:$0x0];
	_ =	sdelay $0x2  }
0xb8: {  	s31 =	sshll.u32 s1, $0xD;
	s1 =	sshrl.u32 s1, $0x2  }
0xb9: {  	s3 =	sand.u32 $0x4000, s31;
	s1 =	sadd.s32 s1, s30  }
0xba: {  	s0 =	sor.u32 s3, s0;
	s1 =	sshll.u32 s1, $0x11  }
0xbb: {  	s0 =	sor.u32 s1, s0  }
0xbc: {  	s0 =	sadd.s32 $0x8F2B, s0  }
0xbd: {  	[sflag:s0] =	ssyncadd.remote.s32 $0x1  }
0xbe: {  	_ =	sfence.sel $0xFFFF  }
0xbf: {  	[dreg:$0x0] =	wrdreg $0xFFFFFFFF;
	(pc) =	sbr.abs _section_cstart, $3  }
0xc0: {  	[dreg:$0x1] =	wrdreg $0xFFFFFFFF  }
0xc1: {  	_ =	task.clear_ibuf [dreg:s6], $0x2FFFF;
	_ =	strace $0x9FFFFFFF  }
0xc2: {  	(tm) =	ssettm $0x7FFFFFFF  }
0xc3: {  	_ =	shalt  }
tec
execute0_lowered:
.L_overlay_start_1:
0x0: {  	(tag) =	ssettag $0x1  }
0x1: {  	s0 =	srdreg.scid  }
0x2: {  	s1 =	stileid.u32;
	s2 =	rddreg [dreg:$0x0]  }
0x3: {  	s29 =	simm.s32 $0xB;
	s30 =	simm.s32 $0xC;
	s31 =	simm.s32 $0x0  }
0x4: {  	s4 =	sand.u32 $0x1, s0;
	s7 =	sadd.s32 $0x4FA600, s2;
	s16 =	smul.u32 $0x13800, s1  }
0x5: {  	s0 =	simm.s32 $0x0;
	s22 =	sadd.s32 $0x9DEE00, s2;
	s23 =	smul.u32 $0x2710, s1  }
0x6: {  	s24 =	smul.u32 $0x50000, s1;
	p0 =	sne.s32 s1, $0x0;
	s3 =	sshll.u32 s4, $0x4  }
0x7: {  	s5 =	ssub.s32 $0x2, s4;
	s15 =	smul.u32 $0x138800, s4;
	s3 =	sor.u32 s1, s3  }
0x8: {  	[smem:$0x7FF] =	sst s0;
	s8 =	sshrl.u32 s5, $0x1;
	s6 =	smul.u32 $0x2710, s3  }
0x9: {  	s9 =	smul.u32 $0x27100, s3;
	s16 =	sadd.s32 s16, s15;
	s15 =	sshrl.u32 s15, $0x3  }
0xa: {  	s3 =	ssub.s32 s5, s8;
	s16 =	sshrl.u32 s16, $0x3;
	s15 =	sadd.s32 s22, s15  }
0xb: {  	s3 =	smax.u32 s3, $0x1;
	s5 =	sadd.s32 $0x50, s6;
	s8 =	sadd.s32 $0xA0, s6  }
0xc: {  	s9 =	sadd.s32 s7, s9;
	s28 =	sadd.s32 $0xF0, s6;
	s11 =	sadd.s32 $0x140, s6  }
0xd: {  	s12 =	sadd.s32 $0x190, s6;
	s14 =	sadd.s32 $0x2670, s6;
	s16 =	sadd.s32 s22, s16  }
0xe: {  	[dreg:$0x4] =	wrdreg s9;
	s25 =	sshll.u32 s5, $0x4;
	s10 =	sshll.u32 s8, $0x4  }
0xf: {  	s17 =	sshll.u32 s28, $0x4;
	s18 =	sshll.u32 s11, $0x4;
	s13 =	sshll.u32 s12, $0x4  }
0x10: {  	s21 =	sshll.u32 s14, $0x4;
	s5 =	sshrl.u32 s5, $0x3;
	s28 =	sshrl.u32 s28, $0x3  }
0x11: {  	s9 =	sadd.s32 s7, s25;
	s26 =	sadd.s32 s7, s10;
	s10 =	sadd.s32 s7, s17  }
0x12: {  	s19 =	sadd.s32 s7, s13;
	s13 =	sadd.s32 $0x2620, s6;
	[dreg:$0x5] =	wrdreg s9  }
0x13: {  	s17 =	sadd.s32 $0x26C0, s6;
	s6 =	sshrl.u32 s6, $0x3;
	[dreg:$0x6] =	wrdreg s26  }
0x14: {  	s25 =	sadd.s32 $0x4E6A00, s2;
	s2 =	sadd.s32 $0x9DC600, s2;
	[dreg:$0x7] =	wrdreg s10  }
0x15: {  	s10 =	sadd.s32 s7, s18;
	[dreg:$0x9] =	wrdreg s19;
	s18 =	smul.u32 $0x271000, s4  }
0x16: {  	s20 =	sshll.u32 s13, $0x4;
	s19 =	sshll.u32 s17, $0x4;
	s4 =	smul.u32 $0x27100, s4  }
0x17: {  	s6 =	sadd.s32 s25, s6;
	s5 =	sadd.s32 s25, s5;
	s26 =	sshrl.u32 s8, $0x3  }
0x18: {  	s8 =	sshrl.u32 s11, $0x3;
	s9 =	sshrl.u32 s12, $0x3;
	s11 =	sshrl.u32 s13, $0x3  }
0x19: {  	s13 =	sshrl.u32 s14, $0x3;
	s14 =	sshrl.u32 s17, $0x3;
	[dreg:$0x8] =	wrdreg s10  }
0x1a: {  	s10 =	sadd.s32 s7, s20;
	s20 =	smul.u32 $0x27100, s1;
	s19 =	sadd.s32 s7, s19  }
0x1b: {  	s12 =	sadd.s32 s25, s11;
	s11 =	simm.s32 $0x100;
	[dreg:$0xa] =	wrdreg s10  }
0x1c: {  	s10 =	sadd.s32 s7, s21;
	[dreg:$0xc] =	wrdreg s19;
	s7 =	sadd.s32 s18, s7  }
0x1d: {  	s4 =	sadd.s32 s23, s4;
	s23 =	smul.u32 $0x4E000, s1;
	[dreg:$0xb] =	wrdreg s10  }
0x1e: {  	s1 =	sshll.u32 s1, $0x6;
	s10 =	rddreg [dreg:$0x1];
	s7 =	sadd.s32 s20, s7  }
0x1f: {  	s17 =	sadd.s32 $0x2D0, s4;
	_ =	strace $0x80000047;
	[dreg:$0xd] =	wrdreg s16  }
0x20: {  	s19 =	sadd.s32 $0x280, s4;
	s21 =	sadd.s32 $0x230, s4;
	[dreg:$0x3] =	wrdreg s7  }
0x21: {  	s4 =	sadd.s32 $0x1E0, s4;
	s7 =	sshrl.u32 s24, $0x2;
	[dreg:$0xe] =	wrdreg s6  }
0x22: {  	[dreg:$0xf] =	wrdreg s5;
	s5 =	sadd.s32 s25, s26;
	s6 =	sadd.s32 s25, s28  }
0x23: {  	[dreg:$0x14] =	wrdreg s12;
	s18 =	sshrl.u32 s17, $0x3;
	s20 =	sshrl.u32 s19, $0x3  }
0x24: {  	s22 =	sshrl.u32 s21, $0x3;
	s4 =	sshrl.u32 s4, $0x3;
	[dreg:$0x1b] =	wrdreg s2  }
0x25: {  	s28 =	sadd.s32 $0x27000, s15;
	[dreg:$0x1e] =	wrdreg s3;
	s3 =	simm.s32 $0x200  }
0x26: {  	s12 =	simm.s32 $0x5200;
	s15 =	simm.s32 $0x180;
	[dreg:$0x10] =	wrdreg s5  }
0x27: {  	s16 =	simm.s32 $0x7A00;
	s17 =	simm.s32 $0x3;
	[dreg:$0x11] =	wrdreg s6  }
0x28: {  	s19 =	simm.s32 $0x9;
	s5 =	sadd.s32 s25, s8;
	[dreg:$0x1d] =	wrdreg s28  }
0x29: {  	s21 =	simm.s32 $0x8;
	s4 =	sadd.s32 s4, s25;
	[dreg:$0x12] =	wrdreg s5  }
0x2a: {  	s24 =	sadd.s32 s7, s10;
	s5 =	sadd.s32 s25, s9;
	[dreg:$0x1a] =	wrdreg s4  }
0x2b: {  	s6 =	simm.s32 $0x1;
	s2 =	sshrl.u32 s24, $0x3;
	[dreg:$0x13] =	wrdreg s5  }
0x2c: {  	s7 =	simm.s32 $0x5;
	s9 =	sor.u32 $0x1C0D, s1;
	[dreg:$0x1f] =	wrdreg s2  }
0x2d: {  	s8 =	simm.s32 $0x50;
	s5 =	sadd.s32 s25, s13;
	[dreg:$0x1c] =	wrdreg s9  }
0x2e: {  	s4 =	simm.s32 $0x80;
	[dreg:$0x15] =	wrdreg s5;
	s5 =	sadd.s32 s25, s14  }
0x2f: {  	s2 =	sadd.s32 $0x138000, s10;
	[dreg:$0x16] =	wrdreg s5;
	s5 =	sadd.s32 s18, s25  }
0x30: {  	s13 =	simm.s32 $0x2;
	[dreg:$0x17] =	wrdreg s5;
	s5 =	sadd.s32 s20, s25  }
0x31: {  	[dreg:$0x18] =	wrdreg s5;
	s5 =	sadd.s32 s22, s25;
	s25 =	sshrl.u32 s23, $0x2  }
0x32: {  	s14 =	simm.s32 $0x6;
	s18 =	simm.s32 $0x7;
	s26 =	sadd.s32 s25, s10  }
0x33: {  	s20 =	simm.s32 $0x4;
	[dreg:$0x19] =	wrdreg s5;
	s1 =	sshrl.u32 s26, $0x3  }
0x34: {  	s5 =	simm.s32 $0x2A00;
	[smem:$0x7FC] =	sst s1;
	s1 =	sshrl.u32 @!p0 s2, $0x3  }
0x35: {  	s26 =	simm.s32 $0xA;
	s2 =	simm.s32 $0xD;
	[smem:$0x7FD] =	sst s1  }
.LBB2_1:
0x36: {  	s1 =	rddreg [dreg:$0x1b]  }
0x37: {  	s22 =	rddreg [dreg:$0x1f]  }
0x38: {  	[spmem:s22], [sflag:s9] =	dma.local [hbm:s1], $0x2800  }
0x39: {  	_ =	swait.ge [sflag:s2], $0x2800  }
0x3a: {  	[sflag:s2] =	ssyncset.done $0x0  }
0x3b: {  	[sflag:s2] =	ssyncadd.s32 $0xFFFFD800  }
0x3c: {  	[bflag:$0x0] =	sbarrier.arrive $0xFFFF  }
0x3d: {  	s9 =	rddreg [dreg:$0xe]  }
0x3e: {  	[tilespmem:s0], [sflag:$0x1] =	stream.linear.gather [hbm4b:s9+s0], $0x50, $0x38;
	[tilespmem:$0x1E200] =	vst v63  }
0x3f: {  	s22 =	rddreg [dreg:$0x4]  }
0x40: {  	[tilespmem:s3], [sflag:$0x5] =	stream.linear.gather [hbm4b:s22+s0], $0x2800, $0x38;
	[tilespmem:$0x1E200] =	vst v63  }
0x41: {  	s23 =	rddreg [dreg:$0xf]  }
0x42: {  	[tilespmem:s4], [sflag:$0x2] =	stream.linear.gather [hbm4b:s23+s0], $0x50, $0x38;
	[tilespmem:$0x1E200] =	vst v63  }
0x43: {  	s24 =	rddreg [dreg:$0x5]  }
0x44: {  	[tilespmem:s5], [sflag:$0x6] =	stream.linear.gather [hbm4b:s24+s0], $0x2800, $0x38;
	[tilespmem:$0x1E200] =	vst v63  }
0x45: {  	_ =	swait.ge [sflag:s6], $0x50  }
0x46: {  	[sflag:s6] =	ssyncset.done $0x0  }
0x47: {  	[sflag:s6] =	ssyncadd.s32 $0xFFFFFFB0  }
0x48: {  	_ =	swait.ge [sflag:s7], $0x2800  }
0x49: {  	[sflag:s7] =	ssyncset.done $0x0  }
0x4a: {  	[sflag:s7] =	ssyncadd.s32 $0xFFFFD800  }
0x4b: {  	[spmem:s10] =	stream.indirect.scatter.add.f32 [tilespmem:s3], [sflag:$0x9], $0x80, s0, s8, $0xb8;
	[tilespmem:$0x1E200] =	vst v63  }
0x4c: {  	s25 =	rddreg [dreg:$0x10]  }
0x4d: {  	[tilespmem:s11], [sflag:$0x3] =	stream.linear.gather [hbm4b:s25+s0], $0x50, $0x38;
	[tilespmem:$0x1E200] =	vst v63  }
0x4e: {  	s28 =	rddreg [dreg:$0x6]  }
0x4f: {  	[tilespmem:s12], [sflag:$0x7] =	stream.linear.gather [hbm4b:s28+s0], $0x2800, $0x38;
	[tilespmem:$0x1E200] =	vst v63  }
0x50: {  	_ =	swait.ge [sflag:s13], $0x50  }
0x51: {  	[sflag:s13] =	ssyncset.done $0x0  }
0x52: {  	[sflag:s13] =	ssyncadd.s32 $0xFFFFFFB0  }
0x53: {  	_ =	swait.ge [sflag:s14], $0x2800  }
0x54: {  	[sflag:s14] =	ssyncset.done $0x0  }
0x55: {  	[sflag:s14] =	ssyncadd.s32 $0xFFFFD800  }
0x56: {  	[spmem:s10] =	stream.indirect.scatter.add.f32 [tilespmem:s5], [sflag:$0xA], $0x80, s4, s8, $0xb8;
	[tilespmem:$0x1E200] =	vst v63  }
0x57: {  	s9 =	rddreg [dreg:$0x11]  }
0x58: {  	[tilespmem:s15], [sflag:$0x4] =	stream.linear.gather [hbm4b:s9+s0], $0x50, $0x38;
	[tilespmem:$0x1E200] =	vst v63  }
0x59: {  	s22 =	rddreg [dreg:$0x7]  }
0x5a: {  	[tilespmem:s16], [sflag:$0x8] =	stream.linear.gather [hbm4b:s22+s0], $0x2800, $0x38;
	[tilespmem:$0x1E200] =	vst v63  }
0x5b: {  	_ =	swait.ge [sflag:s17], $0x50  }
0x5c: {  	[sflag:s17] =	ssyncset.done $0x0  }
0x5d: {  	[sflag:s17] =	ssyncadd.s32 $0xFFFFFFB0  }
0x5e: {  	_ =	swait.ge [sflag:s18], $0x2800  }
0x5f: {  	[sflag:s18] =	ssyncset.done $0x0  }
0x60: {  	[sflag:s18] =	ssyncadd.s32 $0xFFFFD800  }
0x61: {  	[spmem:s10] =	stream.indirect.scatter.add.f32 [tilespmem:s12], [sflag:$0xB], $0x80, s11, s8, $0xb8;
	[tilespmem:$0x1E200] =	vst v63  }
0x62: {  	_ =	swait.ge [sflag:s19], $0x2800  }
0x63: {  	[sflag:s19] =	ssyncset.done $0x0  }
0x64: {  	s23 =	rddreg [dreg:$0x12];
	[sflag:s19] =	ssyncadd.s32 $0xFFFFD800  }
0x65: {  	[tilespmem:s0], [sflag:$0x1] =	stream.linear.gather [hbm4b:s23+s0], $0x50, $0x38;
	[tilespmem:$0x1E200] =	vst v63  }
0x66: {  	s24 =	rddreg [dreg:$0x8]  }
0x67: {  	[tilespmem:s3], [sflag:$0x5] =	stream.linear.gather [hbm4b:s24+s0], $0x2800, $0x38;
	[tilespmem:$0x1E200] =	vst v63  }
0x68: {  	_ =	swait.ge [sflag:s20], $0x50  }
0x69: {  	[sflag:s20] =	ssyncset.done $0x0  }
0x6a: {  	[sflag:s20] =	ssyncadd.s32 $0xFFFFFFB0  }
0x6b: {  	_ =	swait.ge [sflag:s21], $0x2800  }
0x6c: {  	[sflag:s21] =	ssyncset.done $0x0  }
0x6d: {  	[sflag:s21] =	ssyncadd.s32 $0xFFFFD800  }
0x6e: {  	[spmem:s10] =	stream.indirect.scatter.add.f32 [tilespmem:s16], [sflag:$0xC], $0x80, s15, s8, $0xb8;
	[tilespmem:$0x1E200] =	vst v63  }
0x6f: {  	_ =	swait.ge [sflag:s26], $0x2800  }
0x70: {  	[sflag:s26] =	ssyncset.done $0x0  }
0x71: {  	s25 =	rddreg [dreg:$0x13];
	[sflag:s26] =	ssyncadd.s32 $0xFFFFD800  }
0x72: {  	[tilespmem:s4], [sflag:$0x2] =	stream.linear.gather [hbm4b:s25+s0], $0x50, $0x38;
	[tilespmem:$0x1E200] =	vst v63  }
0x73: {  	s28 =	rddreg [dreg:$0x9]  }
0x74: {  	[tilespmem:s5], [sflag:$0x6] =	stream.linear.gather [hbm4b:s28+s0], $0x2800, $0x38;
	[tilespmem:$0x1E200] =	vst v63  }
0x75: {  	_ =	swait.ge [sflag:s6], $0x50  }
0x76: {  	[sflag:s6] =	ssyncset.done $0x0  }
0x77: {  	[sflag:s6] =	ssyncadd.s32 $0xFFFFFFB0  }
0x78: {  	_ =	swait.ge [sflag:s7], $0x2800  }
0x79: {  	[sflag:s7] =	ssyncset.done $0x0  }
0x7a: {  	[sflag:s7] =	ssyncadd.s32 $0xFFFFD800  }
0x7b: {  	[spmem:s10] =	stream.indirect.scatter.add.f32 [tilespmem:s3], [sflag:$0x9], $0x80, s0, s8, $0xb8;
	[tilespmem:$0x1E200] =	vst v63  }
0x7c: {  	_ =	swait.ge [sflag:s29], $0x2800  }
0x7d: {  	[sflag:s29] =	ssyncset.done $0x0;
	s9 =	rddreg [dreg:$0x3]  }
0x7e: {  	s28 =	rddreg [dreg:$0x1a];
	[sflag:s29] =	ssyncadd.s32 $0xFFFFD800;
	s1 =	sadd.s32 $0x0, s9  }
0x7f: {  	[tilespmem:s11], [sflag:$0x3] =	stream.linear.gather [hbm4b:s28+s0], $0x50, $0x38;
	[tilespmem:$0x1E200] =	vst v63  }
0x80: {  	s22 =	sadd.s32 $0x1E00, s1  }
0x81: {  	[tilespmem:s12], [sflag:$0x7] =	stream.linear.gather [hbm4b:s22+s0], $0x2800, $0x38;
	[tilespmem:$0x1E200] =	vst v63  }
0x82: {  	_ =	swait.ge [sflag:s13], $0x50  }
0x83: {  	[sflag:s13] =	ssyncset.done $0x0  }
0x84: {  	[sflag:s13] =	ssyncadd.s32 $0xFFFFFFB0  }
0x85: {  	_ =	swait.ge [sflag:s14], $0x2800  }
0x86: {  	[sflag:s14] =	ssyncset.done $0x0  }
0x87: {  	[sflag:s14] =	ssyncadd.s32 $0xFFFFD800  }
0x88: {  	[spmem:s10] =	stream.indirect.scatter.add.f32 [tilespmem:s5], [sflag:$0xA], $0x80, s4, s8, $0xb8;
	[tilespmem:$0x1E200] =	vst v63  }
0x89: {  	_ =	swait.ge [sflag:s30], $0x2800  }
0x8a: {  	[sflag:s30] =	ssyncset.done $0x0  }
0x8b: {  	s24 =	rddreg [dreg:$0x19];
	[sflag:s30] =	ssyncadd.s32 $0xFFFFD800  }
0x8c: {  	[tilespmem:s15], [sflag:$0x4] =	stream.linear.gather [hbm4b:s24+s0], $0x50, $0x38;
	[tilespmem:$0x1E200] =	vst v63  }
0x8d: {  	s23 =	sadd.s32 $0x2300, s1  }
0x8e: {  	[tilespmem:s16], [sflag:$0x8] =	stream.linear.gather [hbm4b:s23+s0], $0x2800, $0x38;
	[tilespmem:$0x1E200] =	vst v63  }
0x8f: {  	_ =	swait.ge [sflag:s17], $0x50  }
0x90: {  	[sflag:s17] =	ssyncset.done $0x0  }
0x91: {  	[sflag:s17] =	ssyncadd.s32 $0xFFFFFFB0  }
0x92: {  	_ =	swait.ge [sflag:s18], $0x2800  }
0x93: {  	[sflag:s18] =	ssyncset.done $0x0  }
0x94: {  	[sflag:s18] =	ssyncadd.s32 $0xFFFFD800  }
0x95: {  	[spmem:s10] =	stream.indirect.scatter.add.f32 [tilespmem:s12], [sflag:$0xB], $0x80, s11, s8, $0xb8;
	[tilespmem:$0x1E200] =	vst v63  }
0x96: {  	_ =	swait.ge [sflag:s19], $0x2800  }
0x97: {  	[sflag:s19] =	ssyncset.done $0x0  }
0x98: {  	s23 =	rddreg [dreg:$0x18];
	[sflag:s19] =	ssyncadd.s32 $0xFFFFD800  }
0x99: {  	[tilespmem:s0], [sflag:$0x1] =	stream.linear.gather [hbm4b:s23+s0], $0x50, $0x38;
	[tilespmem:$0x1E200] =	vst v63  }
0x9a: {  	s25 =	sadd.s32 $0x2800, s1  }
0x9b: {  	[tilespmem:s3], [sflag:$0x5] =	stream.linear.gather [hbm4b:s25+s0], $0x2800, $0x38;
	[tilespmem:$0x1E200] =	vst v63  }
0x9c: {  	_ =	swait.ge [sflag:s20], $0x50  }
0x9d: {  	[sflag:s20] =	ssyncset.done $0x0  }
0x9e: {  	[sflag:s20] =	ssyncadd.s32 $0xFFFFFFB0  }
0x9f: {  	_ =	swait.ge [sflag:s21], $0x2800  }
0xa0: {  	[sflag:s21] =	ssyncset.done $0x0  }
0xa1: {  	[sflag:s21] =	ssyncadd.s32 $0xFFFFD800  }
0xa2: {  	[spmem:s10] =	stream.indirect.scatter.add.f32 [tilespmem:s16], [sflag:$0xC], $0x80, s15, s8, $0xb8;
	[tilespmem:$0x1E200] =	vst v63  }
0xa3: {  	_ =	swait.ge [sflag:s26], $0x2800  }
0xa4: {  	s9 =	simm.s32 $0x1400;
	s25 =	sadd.s32 $0x2D00, s1;
	[sflag:s26] =	ssyncset.done $0x0  }
0xa5: {  	s1 =	sadd.s32 $0x28, s28;
	s22 =	rddreg [dreg:$0x17];
	[sflag:s26] =	ssyncadd.s32 $0xFFFFD800  }
0xa6: {  	[tilespmem:s4], [sflag:$0x2] =	stream.linear.gather [hbm4b:s22+s0], $0x50, $0x38;
	[tilespmem:$0x1E200] =	vst v63  }
.LBB2_2:
0xa7: {  	[tilespmem:s5], [sflag:$0x6] =	stream.linear.gather [hbm4b:s25+s0], $0x2800, $0x38;
	[tilespmem:$0x1E200] =	vst v63  }
0xa8: {  	_ =	swait.ge [sflag:s6], $0x50  }
0xa9: {  	[sflag:s6] =	ssyncset.done $0x0  }
0xaa: {  	[sflag:s6] =	ssyncadd.s32 $0xFFFFFFB0  }
0xab: {  	_ =	swait.ge [sflag:s7], $0x2800  }
0xac: {  	[sflag:s7] =	ssyncset.done $0x0  }
0xad: {  	[sflag:s7] =	ssyncadd.s32 $0xFFFFD800  }
0xae: {  	[spmem:s10] =	stream.indirect.scatter.add.f32 [tilespmem:s3], [sflag:$0x9], $0x80, s0, s8, $0xb8;
	[tilespmem:$0x1E200] =	vst v63  }
0xaf: {  	_ =	swait.ge [sflag:s29], $0x2800  }
0xb0: {  	s25 =	smov.u32 s9;
	[sflag:s29] =	ssyncset.done $0x0;
	s28 =	rddreg [dreg:$0x3]  }
0xb1: {  	[sflag:s29] =	ssyncadd.s32 $0xFFFFD800;
	s25 =	sadd.s32 s25, s28  }
0xb2: {  	[tilespmem:s11], [sflag:$0x3] =	stream.linear.gather [hbm4b:s1+s0], $0x50, $0x38;
	[tilespmem:$0x1E200] =	vst v63  }
0xb3: {  	s28 =	sadd.s32 $0x1E00, s25  }
0xb4: {  	[tilespmem:s12], [sflag:$0x7] =	stream.linear.gather [hbm4b:s28+s0], $0x2800, $0x38;
	[tilespmem:$0x1E200] =	vst v63  }
0xb5: {  	_ =	swait.ge [sflag:s13], $0x50  }
0xb6: {  	[sflag:s13] =	ssyncset.done $0x0  }
0xb7: {  	[sflag:s13] =	ssyncadd.s32 $0xFFFFFFB0  }
0xb8: {  	_ =	swait.ge [sflag:s14], $0x2800  }
0xb9: {  	[sflag:s14] =	ssyncset.done $0x0  }
0xba: {  	[sflag:s14] =	ssyncadd.s32 $0xFFFFD800  }
0xbb: {  	[spmem:s10] =	stream.indirect.scatter.add.f32 [tilespmem:s5], [sflag:$0xA], $0x80, s4, s8, $0xb8;
	[tilespmem:$0x1E200] =	vst v63  }
0xbc: {  	_ =	swait.ge [sflag:s30], $0x2800  }
0xbd: {  	[sflag:s30] =	ssyncset.done $0x0  }
0xbe: {  	s24 =	sadd.s32 $0x28, s24;
	[sflag:s30] =	ssyncadd.s32 $0xFFFFD800  }
0xbf: {  	[tilespmem:s15], [sflag:$0x4] =	stream.linear.gather [hbm4b:s24+s0], $0x50, $0x38;
	[tilespmem:$0x1E200] =	vst v63  }
0xc0: {  	s28 =	sadd.s32 $0x2300, s25  }
0xc1: {  	[tilespmem:s16], [sflag:$0x8] =	stream.linear.gather [hbm4b:s28+s0], $0x2800, $0x38;
	[tilespmem:$0x1E200] =	vst v63  }
0xc2: {  	_ =	swait.ge [sflag:s17], $0x50  }
0xc3: {  	[sflag:s17] =	ssyncset.done $0x0  }
0xc4: {  	[sflag:s17] =	ssyncadd.s32 $0xFFFFFFB0  }
0xc5: {  	_ =	swait.ge [sflag:s18], $0x2800  }
0xc6: {  	[sflag:s18] =	ssyncset.done $0x0  }
0xc7: {  	[sflag:s18] =	ssyncadd.s32 $0xFFFFD800  }
0xc8: {  	[spmem:s10] =	stream.indirect.scatter.add.f32 [tilespmem:s12], [sflag:$0xB], $0x80, s11, s8, $0xb8;
	[tilespmem:$0x1E200] =	vst v63  }
0xc9: {  	_ =	swait.ge [sflag:s19], $0x2800  }
0xca: {  	[sflag:s19] =	ssyncset.done $0x0  }
0xcb: {  	s23 =	sadd.s32 $0x28, s23;
	[sflag:s19] =	ssyncadd.s32 $0xFFFFD800  }
0xcc: {  	[tilespmem:s0], [sflag:$0x1] =	stream.linear.gather [hbm4b:s23+s0], $0x50, $0x38;
	[tilespmem:$0x1E200] =	vst v63  }
0xcd: {  	s28 =	sadd.s32 $0x2800, s25  }
0xce: {  	[tilespmem:s3], [sflag:$0x5] =	stream.linear.gather [hbm4b:s28+s0], $0x2800, $0x38;
	[tilespmem:$0x1E200] =	vst v63  }
0xcf: {  	_ =	swait.ge [sflag:s20], $0x50  }
0xd0: {  	[sflag:s20] =	ssyncset.done $0x0  }
0xd1: {  	[sflag:s20] =	ssyncadd.s32 $0xFFFFFFB0  }
0xd2: {  	_ =	swait.ge [sflag:s21], $0x2800  }
0xd3: {  	[sflag:s21] =	ssyncset.done $0x0  }
0xd4: {  	p1 =	sne.s32 s9, $0x23000;
	[sflag:s21] =	ssyncadd.s32 $0xFFFFD800  }
0xd5: {  	[spmem:s10] =	stream.indirect.scatter.add.f32 [tilespmem:s16], [sflag:$0xC], $0x80, s15, s8, $0xb8;
	[tilespmem:$0x1E200] =	vst v63  }
.Ltmp0:
0xd6: {  	_ = 	snop;
	(pc) =	sbr.rel @p1 .LBB2_2-.Ltmp0, $4  }
0xd7: {  	_ =	swait.ge [sflag:s26], $0x2800  }
0xd8: {  	s22 =	sadd.s32 $0x28, s22;
	s9 =	sadd.s32 $0x1400, s9;
	[sflag:s26] =	ssyncset.done $0x0  }
0xd9: {  	s1 =	sadd.s32 $0x28, s1;
	s25 =	sadd.s32 $0x2D00, s25;
	[sflag:s26] =	ssyncadd.s32 $0xFFFFD800  }
0xda: {  	[tilespmem:s4], [sflag:$0x2] =	stream.linear.gather [hbm4b:s22+s0], $0x50, $0x38;
	[tilespmem:$0x1E200] =	vst v63  }
0xdb: {  	[tilespmem:s5], [sflag:$0x6] =	stream.linear.gather [hbm4b:s25+s0], $0x2800, $0x38;
	[tilespmem:$0x1E200] =	vst v63  }
0xdc: {  	_ =	swait.ge [sflag:s6], $0x50  }
0xdd: {  	[sflag:s6] =	ssyncset.done $0x0  }
0xde: {  	[sflag:s6] =	ssyncadd.s32 $0xFFFFFFB0  }
0xdf: {  	_ =	swait.ge [sflag:s7], $0x2800  }
0xe0: {  	[sflag:s7] =	ssyncset.done $0x0  }
0xe1: {  	[sflag:s7] =	ssyncadd.s32 $0xFFFFD800  }
0xe2: {  	[spmem:s10] =	stream.indirect.scatter.add.f32 [tilespmem:s3], [sflag:$0x9], $0x80, s0, s8, $0xb8;
	[tilespmem:$0x1E200] =	vst v63  }
0xe3: {  	_ =	swait.ge [sflag:s29], $0x2800  }
0xe4: {  	[sflag:s29] =	ssyncset.done $0x0  }
0xe5: {  	s1 =	rddreg [dreg:$0x14];
	[sflag:s29] =	ssyncadd.s32 $0xFFFFD800  }
0xe6: {  	[tilespmem:s11], [sflag:$0x3] =	stream.linear.gather [hbm4b:s1+s0], $0x50, $0x38;
	[tilespmem:$0x1E200] =	vst v63  }
0xe7: {  	s28 =	rddreg [dreg:$0xa]  }
0xe8: {  	[tilespmem:s12], [sflag:$0x7] =	stream.linear.gather [hbm4b:s28+s0], $0x2800, $0x38;
	[tilespmem:$0x1E200] =	vst v63  }
0xe9: {  	_ =	swait.ge [sflag:s13], $0x50  }
0xea: {  	[sflag:s13] =	ssyncset.done $0x0  }
0xeb: {  	[sflag:s13] =	ssyncadd.s32 $0xFFFFFFB0  }
0xec: {  	_ =	swait.ge [sflag:s14], $0x2800  }
0xed: {  	[sflag:s14] =	ssyncset.done $0x0  }
0xee: {  	[sflag:s14] =	ssyncadd.s32 $0xFFFFD800  }
0xef: {  	[spmem:s10] =	stream.indirect.scatter.add.f32 [tilespmem:s5], [sflag:$0xA], $0x80, s4, s8, $0xb8;
	[tilespmem:$0x1E200] =	vst v63  }
0xf0: {  	_ =	swait.ge [sflag:s30], $0x2800  }
0xf1: {  	[sflag:s30] =	ssyncset.done $0x0  }
0xf2: {  	s9 =	rddreg [dreg:$0x15];
	[sflag:s30] =	ssyncadd.s32 $0xFFFFD800  }
0xf3: {  	[tilespmem:s15], [sflag:$0x4] =	stream.linear.gather [hbm4b:s9+s0], $0x50, $0x38;
	[tilespmem:$0x1E200] =	vst v63  }
0xf4: {  	s22 =	rddreg [dreg:$0xb]  }
0xf5: {  	[tilespmem:s16], [sflag:$0x8] =	stream.linear.gather [hbm4b:s22+s0], $0x2800, $0x38;
	[tilespmem:$0x1E200] =	vst v63  }
0xf6: {  	_ =	swait.ge [sflag:s17], $0x50  }
0xf7: {  	[sflag:s17] =	ssyncset.done $0x0  }
0xf8: {  	[sflag:s17] =	ssyncadd.s32 $0xFFFFFFB0  }
0xf9: {  	_ =	swait.ge [sflag:s18], $0x2800  }
0xfa: {  	[sflag:s18] =	ssyncset.done $0x0  }
0xfb: {  	[sflag:s18] =	ssyncadd.s32 $0xFFFFD800  }
0xfc: {  	[spmem:s10] =	stream.indirect.scatter.add.f32 [tilespmem:s12], [sflag:$0xB], $0x80, s11, s8, $0xb8;
	[tilespmem:$0x1E200] =	vst v63  }
0xfd: {  	_ =	swait.ge [sflag:s19], $0x2800  }
0xfe: {  	[sflag:s19] =	ssyncset.done $0x0  }
0xff: {  	s23 =	rddreg [dreg:$0x16];
	[sflag:s19] =	ssyncadd.s32 $0xFFFFD800  }
0x100: {  	[tilespmem:s0], [sflag:$0x1] =	stream.linear.gather [hbm4b:s23+s0], $0x50, $0x38;
	[tilespmem:$0x1E200] =	vst v63  }
0x101: {  	s24 =	rddreg [dreg:$0xc]  }
0x102: {  	[tilespmem:s3], [sflag:$0x5] =	stream.linear.gather [hbm4b:s24+s0], $0x2800, $0x38;
	[tilespmem:$0x1E200] =	vst v63  }
0x103: {  	_ =	swait.ge [sflag:s20], $0x50  }
0x104: {  	[sflag:s20] =	ssyncset.done $0x0  }
0x105: {  	[sflag:s20] =	ssyncadd.s32 $0xFFFFFFB0  }
0x106: {  	_ =	swait.ge [sflag:s21], $0x2800  }
0x107: {  	[sflag:s21] =	ssyncset.done $0x0  }
0x108: {  	[sflag:s21] =	ssyncadd.s32 $0xFFFFD800  }
0x109: {  	[spmem:s10] =	stream.indirect.scatter.add.f32 [tilespmem:s16], [sflag:$0xC], $0x80, s15, s8, $0xb8;
	[tilespmem:$0x1E200] =	vst v63  }
0x10a: {  	_ =	swait.ge [sflag:s26], $0x2800  }
0x10b: {  	[sflag:s26] =	ssyncset.done $0x0  }
0x10c: {  	[sflag:s26] =	ssyncadd.s32 $0xFFFFD800  }
0x10d: {  	_ =	swait.ge [sflag:s6], $0x50  }
0x10e: {  	[sflag:s6] =	ssyncset.done $0x0  }
0x10f: {  	[sflag:s6] =	ssyncadd.s32 $0xFFFFFFB0  }
0x110: {  	_ =	swait.ge [sflag:s7], $0x2800  }
0x111: {  	[sflag:s7] =	ssyncset.done $0x0  }
0x112: {  	[sflag:s7] =	ssyncadd.s32 $0xFFFFD800  }
0x113: {  	[spmem:s10] =	stream.indirect.scatter.add.f32 [tilespmem:s3], [sflag:$0x9], $0x80, s0, s8, $0xb8;
	[tilespmem:$0x1E200] =	vst v63  }
0x114: {  	_ =	swait.ge [sflag:s29], $0x2800  }
0x115: {  	[sflag:s29] =	ssyncset.done $0x0  }
0x116: {  	[sflag:s29] =	ssyncadd.s32 $0xFFFFD800  }
0x117: {  	_ =	swait.ge [sflag:s30], $0x2800  }
0x118: {  	[sflag:s30] =	ssyncset.done $0x0  }
0x119: {  	[sflag:s30] =	ssyncadd.s32 $0xFFFFD800  }
0x11a: {  	_ =	swait.ge [sflag:s19], $0x2800  }
0x11b: {  	[sflag:s19] =	ssyncset.done $0x0  }
0x11c: {  	[sflag:s19] =	ssyncadd.s32 $0xFFFFD800  }
0x11d: {  	[bflag:$0x0] =	sbarrier.arrive $0xFFFF  }
0x11e: {  	s22 =	sld [smem:$0x7FC]  }
0x11f: {  	s25 =	rddreg [dreg:$0xd]  }
0x120: {  	s9 =	rddreg [dreg:$0x1c]  }
0x121: {  	[hbm:s25], [sflag:s9] =	dma.local [spmem:s22], $0x2700  }
0x122: {  	_ =	swait.ge [sflag:s2], $0x2700  }
0x123: {  	s22 =	sld [smem:$0x7FD]  }
0x124: {  	[sflag:s2] =	ssyncset.done $0x0  }
0x125: {  	s1 =	rddreg [dreg:$0x1d];
	[sflag:s2] =	ssyncadd.s32 $0xFFFFD900  }
0x126: {  	[hbm:s1], [sflag:s9] =	dma.local @!p0 [spmem:s22], $0x100  }
0x127: {  	s1 =	simm.s32 @!p0 $0xD  }
0x128: {  	_ =	swait.ge @!p0 [sflag:s1], $0x100  }
0x129: {  	s31 =	sadd.s32 $0x1, s31;
	s28 =	rddreg [dreg:$0x1e]  }
0x12a: {  	p1 =	sne.s32 s31, s28  }
.Ltmp1:
0x12b: {  	_ = 	snop;
	(pc) =	sbr.rel @p1 .LBB2_1-.Ltmp1, $3  }
0x12c: {  	_ =	sdelay $0x1  }
0x12d: {  	[sflag:s1] =	ssyncset.done @!p0 $0x0  }
0x12e: {  	[sflag:s1] =	ssyncadd.s32 @!p0 $0xFFFFFF00  }
0x12f: {  	_ =	sfence.sel $0x180000  }
0x130: {  	[bflag:$0x0] =	sbarrier.arrive $0xFFFF  }
0x131: {  	_ =	strace $0x90000047  }
0x132: {  	[bflag:$0x2] =	sbarrier.arrive $0xFFFF  }
0x133: {  	s0 =	rddreg [dreg:$0x2]  }
0x134: {  	s0 =	sadd.s32 @!p0 $0x100000, s0  }
0x135: {  	[sflag:s0] =	ssyncadd.tile.s32 @!p0 $0x1;
	_ =	shalt  }
.Lfunc_end2:
_tile_overlayer_lowered:
.L_overlay_start_2:
0x136: {  	(tag) =	ssettag $0x2  }
0x137: {  	s0 =	rddreg [dreg:$0x0];
	s2 =	stileid.u32  }
0x138: {  	s1 =	rddreg [dreg:$0x1];
	p0 =	sne.s32 s2, $0x0  }
0x139: {  	s3 =	rddreg [dreg:$0x2];
	[bflag:$0x3] =	sbarrier.arrive $0xFFFF;
	s2 =	simm.s32 @!p0 $0x1C0D  }
0x13a: {  	[timem:s3], [sflag:s2] =	dma.local @!p0 [hbm:s0], s1  }
0x13b: {  	s0 =	simm.s32 @!p0 $0xD  }
0x13c: {  	_ =	swait.ge @!p0 [sflag:s0], s1  }
0x13d: {  	s1 =	ssub.s32 @!p0 $0x0, s1;
	[sflag:s0] =	ssyncset.done @!p0 $0x0  }
0x13e: {  	[sflag:s0] =	ssyncadd.s32 @!p0 s1  }
0x13f: {  	[bflag:$0x3] =	sbarrier.arrive $0xFFFF  }
0x140: {  	_ =	shalt  }

</sc_bundles>
